<compile_context>
chip_gen: v7x
topology: tpu7x:2x2x1
jax: 0.10.2.dev20260603
libtpu: 0.0.44.dev20260713+nightly
codegen_flags: <defaults>
</compile_context>

<pallas_src>
import functools

import jax
import jax.numpy as jnp
from jax import lax
from jax.experimental import pallas as pl
from jax.experimental.pallas import tpu as pltpu
from jax.experimental.pallas import tpu_sc as plsc

D_MODEL = 768
N_TOK = 4 * 8192
NC, NS, L = 2, 16, 16
NW = NC * NS
TOK_W = N_TOK // NW
C = 16
NCH = TOK_W // C
NBUF = 2

_mesh = plsc.VectorSubcoreMesh(core_axis_name="c", subcore_axis_name="s")


@functools.partial(
    pl.kernel,
    out_type=jax.ShapeDtypeStruct((N_TOK, D_MODEL), jnp.float32),
    mesh=_mesh,
    scratch_types=(
        [pltpu.VMEM((NCH, C), jnp.int32)]
        + [pltpu.VMEM((C, D_MODEL), jnp.float32) for _ in range(3 * NBUF)]
        + [pltpu.SemaphoreType.DMA for _ in range(3 * NBUF)]
    ),
)
def _pe_kernel(x_hbm, pos_hbm, tbl_hbm, out_hbm,
               idx_v, xb0, xb1, rb0, rb1, ob0, ob1,
               sx0, sx1, sr0, sr1, so0, so1):
    cid = lax.axis_index("c")
    sid = lax.axis_index("s")
    wid = sid * NC + cid
    base = wid * TOK_W

    xbs, rbs, obs = (xb0, xb1), (rb0, rb1), (ob0, ob1)
    sxs, srs, sos = (sx0, sx1), (sr0, sr1), (so0, so1)

    def fire_x(c, b):
        pltpu.async_copy(x_hbm.at[pl.ds(base + c * C, C)], xbs[b], sxs[b])

    def fire_gather(c, b):
        pltpu.async_copy(tbl_hbm.at[idx_v.at[c]], rbs[b], srs[b])

    fire_x(0, 0)
    fire_x(1, 1)
    pltpu.sync_copy(pos_hbm.at[wid], idx_v)
    fire_gather(0, 0)
    fire_gather(1, 1)

    def outer(g2, carry):
        for b in range(NBUF):
            c = 2 * g2 + b
            tok = base + c * C
            pltpu.make_async_copy(x_hbm.at[pl.ds(0, C)], xbs[b], sxs[b]).wait()
            pltpu.make_async_copy(x_hbm.at[pl.ds(0, C)], rbs[b], srs[b]).wait()

            @pl.when(c >= NBUF)
            def _():
                pltpu.make_async_copy(
                    x_hbm.at[pl.ds(0, C)], obs[b], sos[b]).wait()

            def add_row(t, acc):
                for j in range(D_MODEL // L):
                    sl = pl.ds(j * L, L)
                    obs[b][t, sl] = xbs[b][t, sl] + rbs[b][t, sl]
                return acc

            lax.fori_loop(0, C, add_row, 0)

            pltpu.async_copy(obs[b], out_hbm.at[pl.ds(tok, C)], sos[b])

            @pl.when(c + NBUF < NCH)
            def _():
                fire_x(c + NBUF, b)
                fire_gather(c + NBUF, b)
        return carry

    lax.fori_loop(0, NCH // NBUF, outer, 0)

    for b in range(NBUF):
        pltpu.make_async_copy(x_hbm.at[pl.ds(0, C)], obs[b], sos[b]).wait()


def kernel(x, pos, pos_embedding):
    x2 = x.reshape(N_TOK, D_MODEL)
    idx = pos.astype(jnp.int32).reshape(NW, NCH, C)
    out = _pe_kernel(x2, idx, pos_embedding)
    return out.reshape(x.shape)

# --- scband reference (transcript-rebuilt; emitter-appended) ---
"""Pipeline reference for scband-learnable-positional-encoding-16183436772078 (READ-ONLY COPY).

The authoritative reference and input builder live on the scoring server;
editing this copy changes nothing except your own understanding.
"""

import jax, jax.numpy as jnp
import numpy as np

D_MODEL = 768
MAX_LEN = 8192
BATCH = 4
SEQ = 8192

def setup_inputs(seed: int = 0) -> dict:
    key = jax.random.key(seed)
    k_x, k_pos, k_w = jax.random.split(key, 3)
    x = jax.random.normal(k_x, (BATCH, SEQ, D_MODEL), dtype=jnp.float32)
    pos = jax.random.randint(k_pos, (BATCH, SEQ), 0, MAX_LEN, dtype=jnp.int64)
    # learned positional embedding table (nn.Embedding default init ~ N(0,1))
    pos_embedding = jax.random.normal(k_w, (MAX_LEN, D_MODEL), dtype=jnp.float32)
    return {"x": x, "pos": pos, "pos_embedding": pos_embedding}

def reference(x, pos, pos_embedding):
    # x = x + self.pos_embedding(pos); dropout(p=0.0) is identity
    pe = jnp.take(pos_embedding, pos, axis=0)  # gather [B, S, d_model]
    out = x + pe
    return out

if __name__ == "__main__":
    import jax
    _d = setup_inputs()
    print(jax.jit(kernel)(*tuple(_d.values())))

</pallas_src>

<mosaic_0001>
#map = affine_map<(d0, d1) -> (0, 0)>
#map1 = affine_map<(d0, d1) -> (0, 0, 0)>
module attributes {stable_mosaic.version = 14 : i64} {
  func.func @_pe_kernel(%arg0: i32, %arg1: i32, %arg2: memref<32768x768xf32, #tpu.memory_space<hbm>>, %arg3: memref<32x64x16xi32, #tpu.memory_space<hbm>>, %arg4: memref<8192x768xf32, #tpu.memory_space<hbm>>, %arg5: memref<32768x768xf32, #tpu.memory_space<hbm>>, %arg6: memref<64x16xi32, #tpu.memory_space<vmem>>, %arg7: memref<16x768xf32, #tpu.memory_space<vmem>>, %arg8: memref<16x768xf32, #tpu.memory_space<vmem>>, %arg9: memref<16x768xf32, #tpu.memory_space<vmem>>, %arg10: memref<16x768xf32, #tpu.memory_space<vmem>>, %arg11: memref<16x768xf32, #tpu.memory_space<vmem>>, %arg12: memref<16x768xf32, #tpu.memory_space<vmem>>, %arg13: memref<!tpu.dma_semaphore, #tpu.memory_space<semaphore_mem>>, %arg14: memref<!tpu.dma_semaphore, #tpu.memory_space<semaphore_mem>>, %arg15: memref<!tpu.dma_semaphore, #tpu.memory_space<semaphore_mem>>, %arg16: memref<!tpu.dma_semaphore, #tpu.memory_space<semaphore_mem>>, %arg17: memref<!tpu.dma_semaphore, #tpu.memory_space<semaphore_mem>>, %arg18: memref<!tpu.dma_semaphore, #tpu.memory_space<semaphore_mem>>) attributes {dimension_semantics = [#tpu.dimension_semantics<core_parallel>, #tpu.dimension_semantics<subcore_parallel>], iteration_bounds = array<i64: 2, 16>, scalar_prefetch = 0 : i64, scratch_operands = 13 : i64, tpu.core_type = #tpu.core_type<sc_vector_subcore>, window_params = [{transform_indices = #map}, {transform_indices = #map1}, {transform_indices = #map}, {transform_indices = #map}]} {
    %mul3A = arith.constant 2 : i32
    %mul3A_0 = arith.muli %arg1, %mul3A : i32
    %add3A = arith.addi %mul3A_0, %arg0 : i32
    %mul3A_1 = arith.constant 1024 : i32
    %mul3A_2 = arith.muli %add3A, %mul3A_1 : i32
    %add3A_3 = arith.constant 0 : i32
    %add3A_4 = arith.addi %mul3A_2, %add3A_3 : i32
    %dma_start3A = arith.constant 0 : i32
    %dma_start3A_5 = tpu.memref_slice %arg2[%add3A_4, %dma_start3A] : memref<32768x768xf32, #tpu.memory_space<hbm>> -> memref<16x768xf32, #tpu.memory_space<hbm>>
    %dma_start3A_6 = arith.constant 0 : i32
    %dma_start3A_7 = tpu.memref_slice %arg2[%add3A_4, %dma_start3A_6] : memref<32768x768xf32, #tpu.memory_space<hbm>> -> memref<16x768xf32, #tpu.memory_space<hbm>>
    tpu.enqueue_dma source(%dma_start3A_7 : memref<16x768xf32, #tpu.memory_space<hbm>>) target(%arg7 : memref<16x768xf32, #tpu.memory_space<vmem>>) target_semaphore(%arg13 : memref<!tpu.dma_semaphore, #tpu.memory_space<semaphore_mem>>)
    %add3A_8 = arith.constant 16 : i32
    %add3A_9 = arith.addi %mul3A_2, %add3A_8 : i32
    %dma_start3A_10 = arith.constant 0 : i32
    %dma_start3A_11 = tpu.memref_slice %arg2[%add3A_9, %dma_start3A_10] : memref<32768x768xf32, #tpu.memory_space<hbm>> -> memref<16x768xf32, #tpu.memory_space<hbm>>
    %dma_start3A_12 = arith.constant 0 : i32
    %dma_start3A_13 = tpu.memref_slice %arg2[%add3A_9, %dma_start3A_12] : memref<32768x768xf32, #tpu.memory_space<hbm>> -> memref<16x768xf32, #tpu.memory_space<hbm>>
    tpu.enqueue_dma source(%dma_start3A_13 : memref<16x768xf32, #tpu.memory_space<hbm>>) target(%arg8 : memref<16x768xf32, #tpu.memory_space<vmem>>) target_semaphore(%arg14 : memref<!tpu.dma_semaphore, #tpu.memory_space<semaphore_mem>>)
    "tpu.region"() ({
      %run_scoped3A = tpu.sem_alloc : memref<!tpu.dma_semaphore, #tpu.memory_space<semaphore_mem>>
      %dma_start3A_44 = arith.constant 0 : i32
      %dma_start3A_45 = arith.constant 0 : i32
      %dma_start3A_46 = tpu.memref_slice %arg3[%add3A, %dma_start3A_44, %dma_start3A_45] : memref<32x64x16xi32, #tpu.memory_space<hbm>> -> memref<1x64x16xi32, #tpu.memory_space<hbm>>
      %dma_start3A_47 = tpu.memref_squeeze %dma_start3A_46 : memref<1x64x16xi32, #tpu.memory_space<hbm>> -> memref<64x16xi32, #tpu.memory_space<hbm>>
      %dma_start3A_48 = arith.constant 0 : i32
      %dma_start3A_49 = arith.constant 0 : i32
      %dma_start3A_50 = tpu.memref_slice %arg3[%add3A, %dma_start3A_48, %dma_start3A_49] : memref<32x64x16xi32, #tpu.memory_space<hbm>> -> memref<1x64x16xi32, #tpu.memory_space<hbm>>
      %dma_start3A_51 = tpu.memref_squeeze %dma_start3A_50 : memref<1x64x16xi32, #tpu.memory_space<hbm>> -> memref<64x16xi32, #tpu.memory_space<hbm>>
      tpu.enqueue_dma source(%dma_start3A_51 : memref<64x16xi32, #tpu.memory_space<hbm>>) target(%arg6 : memref<64x16xi32, #tpu.memory_space<vmem>>) target_semaphore(%run_scoped3A : memref<!tpu.dma_semaphore, #tpu.memory_space<semaphore_mem>>)
      %dma_wait3A_52 = arith.constant 0 : i32
      %dma_wait3A_53 = arith.constant 0 : i32
      %dma_wait3A_54 = tpu.memref_slice %arg3[%add3A, %dma_wait3A_52, %dma_wait3A_53] : memref<32x64x16xi32, #tpu.memory_space<hbm>> -> memref<1x64x16xi32, #tpu.memory_space<hbm>>
      %dma_wait3A_55 = tpu.memref_squeeze %dma_wait3A_54 : memref<1x64x16xi32, #tpu.memory_space<hbm>> -> memref<64x16xi32, #tpu.memory_space<hbm>>
      %dma_wait3A_56 = arith.constant 0 : i32
      %dma_wait3A_57 = arith.constant 0 : i32
      %dma_wait3A_58 = tpu.memref_slice %arg3[%add3A, %dma_wait3A_56, %dma_wait3A_57] : memref<32x64x16xi32, #tpu.memory_space<hbm>> -> memref<1x64x16xi32, #tpu.memory_space<hbm>>
      %dma_wait3A_59 = tpu.memref_squeeze %dma_wait3A_58 : memref<1x64x16xi32, #tpu.memory_space<hbm>> -> memref<64x16xi32, #tpu.memory_space<hbm>>
      tpu.wait_dma2 semaphore(%run_scoped3A : memref<!tpu.dma_semaphore, #tpu.memory_space<semaphore_mem>>) src(%dma_wait3A_59 : memref<64x16xi32, #tpu.memory_space<hbm>>) dst(%arg6 : memref<64x16xi32, #tpu.memory_space<vmem>>)
      tpu.yield
    }) : () -> ()
    %dma_start3A_14 = arith.constant 0 : i32
    %dma_start3A_15 = arith.constant 0 : i32
    %dma_start3A_16 = tpu.memref_slice %arg6[%dma_start3A_14, %dma_start3A_15] : memref<64x16xi32, #tpu.memory_space<vmem>> -> memref<1x16xi32, #tpu.memory_space<vmem>>
    %dma_start3A_17 = tpu.memref_squeeze %dma_start3A_16 : memref<1x16xi32, #tpu.memory_space<vmem>> -> memref<16xi32, #tpu.memory_space<vmem>>
    %dma_start3A_18 = arith.constant 0 : i32
    %dma_start3A_19 = arith.constant 0 : i32
    %dma_start3A_20 = tpu.memref_slice %arg4[%dma_start3A_18, %dma_start3A_19] : memref<8192x768xf32, #tpu.memory_space<hbm>> -> memref<8192x768xf32, #tpu.memory_space<hbm>>
    tpu.enqueue_indirect_dma source(%dma_start3A_20 : memref<8192x768xf32, #tpu.memory_space<hbm>>) target(%arg9 : memref<16x768xf32, #tpu.memory_space<vmem>>) offsets(%dma_start3A_17 : memref<16xi32, #tpu.memory_space<vmem>>) semaphore(%arg15 : memref<!tpu.dma_semaphore, #tpu.memory_space<semaphore_mem>>)
    %dma_start3A_21 = arith.constant 1 : i32
    %dma_start3A_22 = arith.constant 0 : i32
    %dma_start3A_23 = tpu.memref_slice %arg6[%dma_start3A_21, %dma_start3A_22] : memref<64x16xi32, #tpu.memory_space<vmem>> -> memref<1x16xi32, #tpu.memory_space<vmem>>
    %dma_start3A_24 = tpu.memref_squeeze %dma_start3A_23 : memref<1x16xi32, #tpu.memory_space<vmem>> -> memref<16xi32, #tpu.memory_space<vmem>>
    %dma_start3A_25 = arith.constant 0 : i32
    %dma_start3A_26 = arith.constant 0 : i32
    %dma_start3A_27 = tpu.memref_slice %arg4[%dma_start3A_25, %dma_start3A_26] : memref<8192x768xf32, #tpu.memory_space<hbm>> -> memref<8192x768xf32, #tpu.memory_space<hbm>>
    tpu.enqueue_indirect_dma source(%dma_start3A_27 : memref<8192x768xf32, #tpu.memory_space<hbm>>) target(%arg10 : memref<16x768xf32, #tpu.memory_space<vmem>>) offsets(%dma_start3A_24 : memref<16xi32, #tpu.memory_space<vmem>>) semaphore(%arg16 : memref<!tpu.dma_semaphore, #tpu.memory_space<semaphore_mem>>)
    %scan3A = arith.constant 0 : i32
    %scan3A_28 = arith.constant 0 : i32
    %scan3A_29 = arith.constant 32 : i32
    %scan3A_30 = arith.addi %scan3A_28, %scan3A_29 : i32
    %scan3A_31 = arith.constant 1 : i32
    scf.for %scan3A_44 = %scan3A_28 to %scan3A_30 step %scan3A_31  : i32 {
      %mul3A_45 = arith.constant 2 : i32
      %mul3A_46 = arith.muli %mul3A_45, %scan3A_44 : i32
      %add3A_47 = arith.constant 0 : i32
      %add3A_48 = arith.addi %mul3A_46, %add3A_47 : i32
      %mul3A_49 = arith.constant 16 : i32
      %mul3A_50 = arith.muli %add3A_48, %mul3A_49 : i32
      %add3A_51 = arith.addi %mul3A_2, %mul3A_50 : i32
      %dma_wait3A_52 = arith.constant 0 : i32
      %dma_wait3A_53 = arith.constant 0 : i32
      %dma_wait3A_54 = tpu.memref_slice %arg2[%dma_wait3A_52, %dma_wait3A_53] : memref<32768x768xf32, #tpu.memory_space<hbm>> -> memref<16x768xf32, #tpu.memory_space<hbm>>
      %dma_wait3A_55 = arith.constant 0 : i32
      %dma_wait3A_56 = arith.constant 0 : i32
      %dma_wait3A_57 = tpu.memref_slice %arg2[%dma_wait3A_55, %dma_wait3A_56] : memref<32768x768xf32, #tpu.memory_space<hbm>> -> memref<16x768xf32, #tpu.memory_space<hbm>>
      tpu.wait_dma2 semaphore(%arg13 : memref<!tpu.dma_semaphore, #tpu.memory_space<semaphore_mem>>) src(%dma_wait3A_57 : memref<16x768xf32, #tpu.memory_space<hbm>>) dst(%arg7 : memref<16x768xf32, #tpu.memory_space<vmem>>)
      %dma_wait3A_58 = arith.constant 0 : i32
      %dma_wait3A_59 = arith.constant 0 : i32
      %dma_wait3A_60 = tpu.memref_slice %arg2[%dma_wait3A_58, %dma_wait3A_59] : memref<32768x768xf32, #tpu.memory_space<hbm>> -> memref<16x768xf32, #tpu.memory_space<hbm>>
      %dma_wait3A_61 = arith.constant 0 : i32
      %dma_wait3A_62 = arith.constant 0 : i32
      %dma_wait3A_63 = tpu.memref_slice %arg2[%dma_wait3A_61, %dma_wait3A_62] : memref<32768x768xf32, #tpu.memory_space<hbm>> -> memref<16x768xf32, #tpu.memory_space<hbm>>
      tpu.wait_dma2 semaphore(%arg15 : memref<!tpu.dma_semaphore, #tpu.memory_space<semaphore_mem>>) src(%dma_wait3A_63 : memref<16x768xf32, #tpu.memory_space<hbm>>) dst(%arg9 : memref<16x768xf32, #tpu.memory_space<vmem>>)
      %ge3A = arith.constant 2 : i32
      %ge3A_64 = arith.cmpi sge, %add3A_48, %ge3A : i32
      %convert_element_type3A = arith.extui %ge3A_64 : i1 to i32
      %cond3A = arith.constant 0 : i32
      %cond3A_65 = arith.cmpi ne, %convert_element_type3A, %cond3A : i32
      scf.if %cond3A_65 {
        %dma_wait3A_123 = arith.constant 0 : i32
        %dma_wait3A_124 = arith.constant 0 : i32
        %dma_wait3A_125 = tpu.memref_slice %arg2[%dma_wait3A_123, %dma_wait3A_124] : memref<32768x768xf32, #tpu.memory_space<hbm>> -> memref<16x768xf32, #tpu.memory_space<hbm>>
        %dma_wait3A_126 = arith.constant 0 : i32
        %dma_wait3A_127 = arith.constant 0 : i32
        %dma_wait3A_128 = tpu.memref_slice %arg2[%dma_wait3A_126, %dma_wait3A_127] : memref<32768x768xf32, #tpu.memory_space<hbm>> -> memref<16x768xf32, #tpu.memory_space<hbm>>
        tpu.wait_dma2 semaphore(%arg17 : memref<!tpu.dma_semaphore, #tpu.memory_space<semaphore_mem>>) src(%dma_wait3A_128 : memref<16x768xf32, #tpu.memory_space<hbm>>) dst(%arg11 : memref<16x768xf32, #tpu.memory_space<vmem>>)
      } else {
      }
      %scan3A_66 = arith.constant 0 : i32
      %scan3A_67 = arith.constant 0 : i32
      %scan3A_68 = arith.constant 16 : i32
      %scan3A_69 = arith.addi %scan3A_67, %scan3A_68 : i32
      %scan3A_70 = arith.constant 1 : i32
      scf.for %scan3A_123 = %scan3A_67 to %scan3A_69 step %scan3A_70  : i32 {
        %get3A = arith.index_cast %scan3A_123 : i32 to index
        %get3A_124 = arith.constant 0 : index
        %get3A_125 = tpu.vector_load %arg7[%get3A, %get3A_124] {strides = array<i32>} : memref<16x768xf32, #tpu.memory_space<vmem>>, vector<1x16xf32>,
        %get3A_126 = vector.shape_cast %get3A_125 : vector<1x16xf32> to vector<16xf32>
        %get3A_127 = arith.index_cast %scan3A_123 : i32 to index
        %get3A_128 = arith.constant 0 : index
        %get3A_129 = tpu.vector_load %arg9[%get3A_127, %get3A_128] {strides = array<i32>} : memref<16x768xf32, #tpu.memory_space<vmem>>, vector<1x16xf32>,
        %get3A_130 = vector.shape_cast %get3A_129 : vector<1x16xf32> to vector<16xf32>
        %add3A_131 = arith.addf %get3A_126, %get3A_130 : vector<16xf32>
        %swap3A = arith.index_cast %scan3A_123 : i32 to index
        %swap3A_132 = arith.constant 0 : index
        %swap3A_133 = tpu.vector_load %arg11[%swap3A, %swap3A_132] {strides = array<i32>} : memref<16x768xf32, #tpu.memory_space<vmem>>, vector<1x16xf32>,
        %swap3A_134 = vector.shape_cast %swap3A_133 : vector<1x16xf32> to vector<16xf32>
        %swap3A_135 = vector.shape_cast %add3A_131 : vector<16xf32> to vector<1x16xf32>
        tpu.vector_store %arg11[%swap3A, %swap3A_132], %swap3A_135 {strides = array<i32>} : memref<16x768xf32, #tpu.memory_space<vmem>>, vector<1x16xf32>,
        %get3A_136 = arith.index_cast %scan3A_123 : i32 to index
        %get3A_137 = arith.constant 16 : index
        %get3A_138 = tpu.vector_load %arg7[%get3A_136, %get3A_137] {strides = array<i32>} : memref<16x768xf32, #tpu.memory_space<vmem>>, vector<1x16xf32>,
        %get3A_139 = vector.shape_cast %get3A_138 : vector<1x16xf32> to vector<16xf32>
        %get3A_140 = arith.index_cast %scan3A_123 : i32 to index
        %get3A_141 = arith.constant 16 : index
        %get3A_142 = tpu.vector_load %arg9[%get3A_140, %get3A_141] {strides = array<i32>} : memref<16x768xf32, #tpu.memory_space<vmem>>, vector<1x16xf32>,
        %get3A_143 = vector.shape_cast %get3A_142 : vector<1x16xf32> to vector<16xf32>
        %add3A_144 = arith.addf %get3A_139, %get3A_143 : vector<16xf32>
        %swap3A_145 = arith.index_cast %scan3A_123 : i32 to index
        %swap3A_146 = arith.constant 16 : index
        %swap3A_147 = tpu.vector_load %arg11[%swap3A_145, %swap3A_146] {strides = array<i32>} : memref<16x768xf32, #tpu.memory_space<vmem>>, vector<1x16xf32>,
        %swap3A_148 = vector.shape_cast %swap3A_147 : vector<1x16xf32> to vector<16xf32>
        %swap3A_149 = vector.shape_cast %add3A_144 : vector<16xf32> to vector<1x16xf32>
        tpu.vector_store %arg11[%swap3A_145, %swap3A_146], %swap3A_149 {strides = array<i32>} : memref<16x768xf32, #tpu.memory_space<vmem>>, vector<1x16xf32>,
        %get3A_150 = arith.index_cast %scan3A_123 : i32 to index
        %get3A_151 = arith.constant 32 : index
        %get3A_152 = tpu.vector_load %arg7[%get3A_150, %get3A_151] {strides = array<i32>} : memref<16x768xf32, #tpu.memory_space<vmem>>, vector<1x16xf32>,
        %get3A_153 = vector.shape_cast %get3A_152 : vector<1x16xf32> to vector<16xf32>
        %get3A_154 = arith.index_cast %scan3A_123 : i32 to index
        %get3A_155 = arith.constant 32 : index
        %get3A_156 = tpu.vector_load %arg9[%get3A_154, %get3A_155] {strides = array<i32>} : memref<16x768xf32, #tpu.memory_space<vmem>>, vector<1x16xf32>,
        %get3A_157 = vector.shape_cast %get3A_156 : vector<1x16xf32> to vector<16xf32>
        %add3A_158 = arith.addf %get3A_153, %get3A_157 : vector<16xf32>
        %swap3A_159 = arith.index_cast %scan3A_123 : i32 to index
        %swap3A_160 = arith.constant 32 : index
        %swap3A_161 = tpu.vector_load %arg11[%swap3A_159, %swap3A_160] {strides = array<i32>} : memref<16x768xf32, #tpu.memory_space<vmem>>, vector<1x16xf32>,
        %swap3A_162 = vector.shape_cast %swap3A_161 : vector<1x16xf32> to vector<16xf32>
        %swap3A_163 = vector.shape_cast %add3A_158 : vector<16xf32> to vector<1x16xf32>
        tpu.vector_store %arg11[%swap3A_159, %swap3A_160], %swap3A_163 {strides = array<i32>} : memref<16x768xf32, #tpu.memory_space<vmem>>, vector<1x16xf32>,
        %get3A_164 = arith.index_cast %scan3A_123 : i32 to index
        %get3A_165 = arith.constant 48 : index
        %get3A_166 = tpu.vector_load %arg7[%get3A_164, %get3A_165] {strides = array<i32>} : memref<16x768xf32, #tpu.memory_space<vmem>>, vector<1x16xf32>,
        %get3A_167 = vector.shape_cast %get3A_166 : vector<1x16xf32> to vector<16xf32>
        %get3A_168 = arith.index_cast %scan3A_123 : i32 to index
        %get3A_169 = arith.constant 48 : index
        %get3A_170 = tpu.vector_load %arg9[%get3A_168, %get3A_169] {strides = array<i32>} : memref<16x768xf32, #tpu.memory_space<vmem>>, vector<1x16xf32>,
        %get3A_171 = vector.shape_cast %get3A_170 : vector<1x16xf32> to vector<16xf32>
        %add3A_172 = arith.addf %get3A_167, %get3A_171 : vector<16xf32>
        %swap3A_173 = arith.index_cast %scan3A_123 : i32 to index
        %swap3A_174 = arith.constant 48 : index
        %swap3A_175 = tpu.vector_load %arg11[%swap3A_173, %swap3A_174] {strides = array<i32>} : memref<16x768xf32, #tpu.memory_space<vmem>>, vector<1x16xf32>,
        %swap3A_176 = vector.shape_cast %swap3A_175 : vector<1x16xf32> to vector<16xf32>
        %swap3A_177 = vector.shape_cast %add3A_172 : vector<16xf32> to vector<1x16xf32>
        tpu.vector_store %arg11[%swap3A_173, %swap3A_174], %swap3A_177 {strides = array<i32>} : memref<16x768xf32, #tpu.memory_space<vmem>>, vector<1x16xf32>,
        %get3A_178 = arith.index_cast %scan3A_123 : i32 to index
        %get3A_179 = arith.constant 64 : index
        %get3A_180 = tpu.vector_load %arg7[%get3A_178, %get3A_179] {strides = array<i32>} : memref<16x768xf32, #tpu.memory_space<vmem>>, vector<1x16xf32>,
        %get3A_181 = vector.shape_cast %get3A_180 : vector<1x16xf32> to vector<16xf32>
        %get3A_182 = arith.index_cast %scan3A_123 : i32 to index
        %get3A_183 = arith.constant 64 : index
        %get3A_184 = tpu.vector_load %arg9[%get3A_182, %get3A_183] {strides = array<i32>} : memref<16x768xf32, #tpu.memory_space<vmem>>, vector<1x16xf32>,
        %get3A_185 = vector.shape_cast %get3A_184 : vector<1x16xf32> to vector<16xf32>
        %add3A_186 = arith.addf %get3A_181, %get3A_185 : vector<16xf32>
        %swap3A_187 = arith.index_cast %scan3A_123 : i32 to index
        %swap3A_188 = arith.constant 64 : index
        %swap3A_189 = tpu.vector_load %arg11[%swap3A_187, %swap3A_188] {strides = array<i32>} : memref<16x768xf32, #tpu.memory_space<vmem>>, vector<1x16xf32>,
        %swap3A_190 = vector.shape_cast %swap3A_189 : vector<1x16xf32> to vector<16xf32>
        %swap3A_191 = vector.shape_cast %add3A_186 : vector<16xf32> to vector<1x16xf32>
        tpu.vector_store %arg11[%swap3A_187, %swap3A_188], %swap3A_191 {strides = array<i32>} : memref<16x768xf32, #tpu.memory_space<vmem>>, vector<1x16xf32>,
        %get3A_192 = arith.index_cast %scan3A_123 : i32 to index
        %get3A_193 = arith.constant 80 : index
        %get3A_194 = tpu.vector_load %arg7[%get3A_192, %get3A_193] {strides = array<i32>} : memref<16x768xf32, #tpu.memory_space<vmem>>, vector<1x16xf32>,
        %get3A_195 = vector.shape_cast %get3A_194 : vector<1x16xf32> to vector<16xf32>
        %get3A_196 = arith.index_cast %scan3A_123 : i32 to index
        %get3A_197 = arith.constant 80 : index
        %get3A_198 = tpu.vector_load %arg9[%get3A_196, %get3A_197] {strides = array<i32>} : memref<16x768xf32, #tpu.memory_space<vmem>>, vector<1x16xf32>,
        %get3A_199 = vector.shape_cast %get3A_198 : vector<1x16xf32> to vector<16xf32>
        %add3A_200 = arith.addf %get3A_195, %get3A_199 : vector<16xf32>
        %swap3A_201 = arith.index_cast %scan3A_123 : i32 to index
        %swap3A_202 = arith.constant 80 : index
        %swap3A_203 = tpu.vector_load %arg11[%swap3A_201, %swap3A_202] {strides = array<i32>} : memref<16x768xf32, #tpu.memory_space<vmem>>, vector<1x16xf32>,
        %swap3A_204 = vector.shape_cast %swap3A_203 : vector<1x16xf32> to vector<16xf32>
        %swap3A_205 = vector.shape_cast %add3A_200 : vector<16xf32> to vector<1x16xf32>
        tpu.vector_store %arg11[%swap3A_201, %swap3A_202], %swap3A_205 {strides = array<i32>} : memref<16x768xf32, #tpu.memory_space<vmem>>, vector<1x16xf32>,
        %get3A_206 = arith.index_cast %scan3A_123 : i32 to index
        %get3A_207 = arith.constant 96 : index
        %get3A_208 = tpu.vector_load %arg7[%get3A_206, %get3A_207] {strides = array<i32>} : memref<16x768xf32, #tpu.memory_space<vmem>>, vector<1x16xf32>,
        %get3A_209 = vector.shape_cast %get3A_208 : vector<1x16xf32> to vector<16xf32>
        %get3A_210 = arith.index_cast %scan3A_123 : i32 to index
        %get3A_211 = arith.constant 96 : index
        %get3A_212 = tpu.vector_load %arg9[%get3A_210, %get3A_211] {strides = array<i32>} : memref<16x768xf32, #tpu.memory_space<vmem>>, vector<1x16xf32>,
        %get3A_213 = vector.shape_cast %get3A_212 : vector<1x16xf32> to vector<16xf32>
        %add3A_214 = arith.addf %get3A_209, %get3A_213 : vector<16xf32>
        %swap3A_215 = arith.index_cast %scan3A_123 : i32 to index
        %swap3A_216 = arith.constant 96 : index
        %swap3A_217 = tpu.vector_load %arg11[%swap3A_215, %swap3A_216] {strides = array<i32>} : memref<16x768xf32, #tpu.memory_space<vmem>>, vector<1x16xf32>,
        %swap3A_218 = vector.shape_cast %swap3A_217 : vector<1x16xf32> to vector<16xf32>
        %swap3A_219 = vector.shape_cast %add3A_214 : vector<16xf32> to vector<1x16xf32>
        tpu.vector_store %arg11[%swap3A_215, %swap3A_216], %swap3A_219 {strides = array<i32>} : memref<16x768xf32, #tpu.memory_space<vmem>>, vector<1x16xf32>,
        %get3A_220 = arith.index_cast %scan3A_123 : i32 to index
        %get3A_221 = arith.constant 112 : index
        %get3A_222 = tpu.vector_load %arg7[%get3A_220, %get3A_221] {strides = array<i32>} : memref<16x768xf32, #tpu.memory_space<vmem>>, vector<1x16xf32>,
        %get3A_223 = vector.shape_cast %get3A_222 : vector<1x16xf32> to vector<16xf32>
        %get3A_224 = arith.index_cast %scan3A_123 : i32 to index
        %get3A_225 = arith.constant 112 : index
        %get3A_226 = tpu.vector_load %arg9[%get3A_224, %get3A_225] {strides = array<i32>} : memref<16x768xf32, #tpu.memory_space<vmem>>, vector<1x16xf32>,
        %get3A_227 = vector.shape_cast %get3A_226 : vector<1x16xf32> to vector<16xf32>
        %add3A_228 = arith.addf %get3A_223, %get3A_227 : vector<16xf32>
        %swap3A_229 = arith.index_cast %scan3A_123 : i32 to index
        %swap3A_230 = arith.constant 112 : index
        %swap3A_231 = tpu.vector_load %arg11[%swap3A_229, %swap3A_230] {strides = array<i32>} : memref<16x768xf32, #tpu.memory_space<vmem>>, vector<1x16xf32>,
        %swap3A_232 = vector.shape_cast %swap3A_231 : vector<1x16xf32> to vector<16xf32>
        %swap3A_233 = vector.shape_cast %add3A_228 : vector<16xf32> to vector<1x16xf32>
        tpu.vector_store %arg11[%swap3A_229, %swap3A_230], %swap3A_233 {strides = array<i32>} : memref<16x768xf32, #tpu.memory_space<vmem>>, vector<1x16xf32>,
        %get3A_234 = arith.index_cast %scan3A_123 : i32 to index
        %get3A_235 = arith.constant 128 : index
        %get3A_236 = tpu.vector_load %arg7[%get3A_234, %get3A_235] {strides = array<i32>} : memref<16x768xf32, #tpu.memory_space<vmem>>, vector<1x16xf32>,
        %get3A_237 = vector.shape_cast %get3A_236 : vector<1x16xf32> to vector<16xf32>
        %get3A_238 = arith.index_cast %scan3A_123 : i32 to index
        %get3A_239 = arith.constant 128 : index
        %get3A_240 = tpu.vector_load %arg9[%get3A_238, %get3A_239] {strides = array<i32>} : memref<16x768xf32, #tpu.memory_space<vmem>>, vector<1x16xf32>,
        %get3A_241 = vector.shape_cast %get3A_240 : vector<1x16xf32> to vector<16xf32>
        %add3A_242 = arith.addf %get3A_237, %get3A_241 : vector<16xf32>
        %swap3A_243 = arith.index_cast %scan3A_123 : i32 to index
        %swap3A_244 = arith.constant 128 : index
        %swap3A_245 = tpu.vector_load %arg11[%swap3A_243, %swap3A_244] {strides = array<i32>} : memref<16x768xf32, #tpu.memory_space<vmem>>, vector<1x16xf32>,
        %swap3A_246 = vector.shape_cast %swap3A_245 : vector<1x16xf32> to vector<16xf32>
        %swap3A_247 = vector.shape_cast %add3A_242 : vector<16xf32> to vector<1x16xf32>
        tpu.vector_store %arg11[%swap3A_243, %swap3A_244], %swap3A_247 {strides = array<i32>} : memref<16x768xf32, #tpu.memory_space<vmem>>, vector<1x16xf32>,
        %get3A_248 = arith.index_cast %scan3A_123 : i32 to index
        %get3A_249 = arith.constant 144 : index
        %get3A_250 = tpu.vector_load %arg7[%get3A_248, %get3A_249] {strides = array<i32>} : memref<16x768xf32, #tpu.memory_space<vmem>>, vector<1x16xf32>,
        %get3A_251 = vector.shape_cast %get3A_250 : vector<1x16xf32> to vector<16xf32>
        %get3A_252 = arith.index_cast %scan3A_123 : i32 to index
        %get3A_253 = arith.constant 144 : index
        %get3A_254 = tpu.vector_load %arg9[%get3A_252, %get3A_253] {strides = array<i32>} : memref<16x768xf32, #tpu.memory_space<vmem>>, vector<1x16xf32>,
        %get3A_255 = vector.shape_cast %get3A_254 : vector<1x16xf32> to vector<16xf32>
        %add3A_256 = arith.addf %get3A_251, %get3A_255 : vector<16xf32>
        %swap3A_257 = arith.index_cast %scan3A_123 : i32 to index
        %swap3A_258 = arith.constant 144 : index
        %swap3A_259 = tpu.vector_load %arg11[%swap3A_257, %swap3A_258] {strides = array<i32>} : memref<16x768xf32, #tpu.memory_space<vmem>>, vector<1x16xf32>,
        %swap3A_260 = vector.shape_cast %swap3A_259 : vector<1x16xf32> to vector<16xf32>
        %swap3A_261 = vector.shape_cast %add3A_256 : vector<16xf32> to vector<1x16xf32>
        tpu.vector_store %arg11[%swap3A_257, %swap3A_258], %swap3A_261 {strides = array<i32>} : memref<16x768xf32, #tpu.memory_space<vmem>>, vector<1x16xf32>,
        %get3A_262 = arith.index_cast %scan3A_123 : i32 to index
        %get3A_263 = arith.constant 160 : index
        %get3A_264 = tpu.vector_load %arg7[%get3A_262, %get3A_263] {strides = array<i32>} : memref<16x768xf32, #tpu.memory_space<vmem>>, vector<1x16xf32>,
        %get3A_265 = vector.shape_cast %get3A_264 : vector<1x16xf32> to vector<16xf32>
        %get3A_266 = arith.index_cast %scan3A_123 : i32 to index
        %get3A_267 = arith.constant 160 : index
        %get3A_268 = tpu.vector_load %arg9[%get3A_266, %get3A_267] {strides = array<i32>} : memref<16x768xf32, #tpu.memory_space<vmem>>, vector<1x16xf32>,
        %get3A_269 = vector.shape_cast %get3A_268 : vector<1x16xf32> to vector<16xf32>
        %add3A_270 = arith.addf %get3A_265, %get3A_269 : vector<16xf32>
        %swap3A_271 = arith.index_cast %scan3A_123 : i32 to index
        %swap3A_272 = arith.constant 160 : index
        %swap3A_273 = tpu.vector_load %arg11[%swap3A_271, %swap3A_272] {strides = array<i32>} : memref<16x768xf32, #tpu.memory_space<vmem>>, vector<1x16xf32>,
        %swap3A_274 = vector.shape_cast %swap3A_273 : vector<1x16xf32> to vector<16xf32>
        %swap3A_275 = vector.shape_cast %add3A_270 : vector<16xf32> to vector<1x16xf32>
        tpu.vector_store %arg11[%swap3A_271, %swap3A_272], %swap3A_275 {strides = array<i32>} : memref<16x768xf32, #tpu.memory_space<vmem>>, vector<1x16xf32>,
        %get3A_276 = arith.index_cast %scan3A_123 : i32 to index
        %get3A_277 = arith.constant 176 : index
        %get3A_278 = tpu.vector_load %arg7[%get3A_276, %get3A_277] {strides = array<i32>} : memref<16x768xf32, #tpu.memory_space<vmem>>, vector<1x16xf32>,
        %get3A_279 = vector.shape_cast %get3A_278 : vector<1x16xf32> to vector<16xf32>
        %get3A_280 = arith.index_cast %scan3A_123 : i32 to index
        %get3A_281 = arith.constant 176 : index
        %get3A_282 = tpu.vector_load %arg9[%get3A_280, %get3A_281] {strides = array<i32>} : memref<16x768xf32, #tpu.memory_space<vmem>>, vector<1x16xf32>,
        %get3A_283 = vector.shape_cast %get3A_282 : vector<1x16xf32> to vector<16xf32>
        %add3A_284 = arith.addf %get3A_279, %get3A_283 : vector<16xf32>
        %swap3A_285 = arith.index_cast %scan3A_123 : i32 to index
        %swap3A_286 = arith.constant 176 : index
        %swap3A_287 = tpu.vector_load %arg11[%swap3A_285, %swap3A_286] {strides = array<i32>} : memref<16x768xf32, #tpu.memory_space<vmem>>, vector<1x16xf32>,
        %swap3A_288 = vector.shape_cast %swap3A_287 : vector<1x16xf32> to vector<16xf32>
        %swap3A_289 = vector.shape_cast %add3A_284 : vector<16xf32> to vector<1x16xf32>
        tpu.vector_store %arg11[%swap3A_285, %swap3A_286], %swap3A_289 {strides = array<i32>} : memref<16x768xf32, #tpu.memory_space<vmem>>, vector<1x16xf32>,
        %get3A_290 = arith.index_cast %scan3A_123 : i32 to index
        %get3A_291 = arith.constant 192 : index
        %get3A_292 = tpu.vector_load %arg7[%get3A_290, %get3A_291] {strides = array<i32>} : memref<16x768xf32, #tpu.memory_space<vmem>>, vector<1x16xf32>,
        %get3A_293 = vector.shape_cast %get3A_292 : vector<1x16xf32> to vector<16xf32>
        %get3A_294 = arith.index_cast %scan3A_123 : i32 to index
        %get3A_295 = arith.constant 192 : index
        %get3A_296 = tpu.vector_load %arg9[%get3A_294, %get3A_295] {strides = array<i32>} : memref<16x768xf32, #tpu.memory_space<vmem>>, vector<1x16xf32>,
        %get3A_297 = vector.shape_cast %get3A_296 : vector<1x16xf32> to vector<16xf32>
        %add3A_298 = arith.addf %get3A_293, %get3A_297 : vector<16xf32>
        %swap3A_299 = arith.index_cast %scan3A_123 : i32 to index
        %swap3A_300 = arith.constant 192 : index
        %swap3A_301 = tpu.vector_load %arg11[%swap3A_299, %swap3A_300] {strides = array<i32>} : memref<16x768xf32, #tpu.memory_space<vmem>>, vector<1x16xf32>,
        %swap3A_302 = vector.shape_cast %swap3A_301 : vector<1x16xf32> to vector<16xf32>
        %swap3A_303 = vector.shape_cast %add3A_298 : vector<16xf32> to vector<1x16xf32>
        tpu.vector_store %arg11[%swap3A_299, %swap3A_300], %swap3A_303 {strides = array<i32>} : memref<16x768xf32, #tpu.memory_space<vmem>>, vector<1x16xf32>,
        %get3A_304 = arith.index_cast %scan3A_123 : i32 to index
        %get3A_305 = arith.constant 208 : index
        %get3A_306 = tpu.vector_load %arg7[%get3A_304, %get3A_305] {strides = array<i32>} : memref<16x768xf32, #tpu.memory_space<vmem>>, vector<1x16xf32>,
        %get3A_307 = vector.shape_cast %get3A_306 : vector<1x16xf32> to vector<16xf32>
        %get3A_308 = arith.index_cast %scan3A_123 : i32 to index
        %get3A_309 = arith.constant 208 : index
        %get3A_310 = tpu.vector_load %arg9[%get3A_308, %get3A_309] {strides = array<i32>} : memref<16x768xf32, #tpu.memory_space<vmem>>, vector<1x16xf32>,
        %get3A_311 = vector.shape_cast %get3A_310 : vector<1x16xf32> to vector<16xf32>
        %add3A_312 = arith.addf %get3A_307, %get3A_311 : vector<16xf32>
        %swap3A_313 = arith.index_cast %scan3A_123 : i32 to index
        %swap3A_314 = arith.constant 208 : index
        %swap3A_315 = tpu.vector_load %arg11[%swap3A_313, %swap3A_314] {strides = array<i32>} : memref<16x768xf32, #tpu.memory_space<vmem>>, vector<1x16xf32>,
        %swap3A_316 = vector.shape_cast %swap3A_315 : vector<1x16xf32> to vector<16xf32>
        %swap3A_317 = vector.shape_cast %add3A_312 : vector<16xf32> to vector<1x16xf32>
        tpu.vector_store %arg11[%swap3A_313, %swap3A_314], %swap3A_317 {strides = array<i32>} : memref<16x768xf32, #tpu.memory_space<vmem>>, vector<1x16xf32>,
        %get3A_318 = arith.index_cast %scan3A_123 : i32 to index
        %get3A_319 = arith.constant 224 : index
        %get3A_320 = tpu.vector_load %arg7[%get3A_318, %get3A_319] {strides = array<i32>} : memref<16x768xf32, #tpu.memory_space<vmem>>, vector<1x16xf32>,
        %get3A_321 = vector.shape_cast %get3A_320 : vector<1x16xf32> to vector<16xf32>
        %get3A_322 = arith.index_cast %scan3A_123 : i32 to index
        %get3A_323 = arith.constant 224 : index
        %get3A_324 = tpu.vector_load %arg9[%get3A_322, %get3A_323] {strides = array<i32>} : memref<16x768xf32, #tpu.memory_space<vmem>>, vector<1x16xf32>,
        %get3A_325 = vector.shape_cast %get3A_324 : vector<1x16xf32> to vector<16xf32>
        %add3A_326 = arith.addf %get3A_321, %get3A_325 : vector<16xf32>
        %swap3A_327 = arith.index_cast %scan3A_123 : i32 to index
        %swap3A_328 = arith.constant 224 : index
        %swap3A_329 = tpu.vector_load %arg11[%swap3A_327, %swap3A_328] {strides = array<i32>} : memref<16x768xf32, #tpu.memory_space<vmem>>, vector<1x16xf32>,
        %swap3A_330 = vector.shape_cast %swap3A_329 : vector<1x16xf32> to vector<16xf32>
        %swap3A_331 = vector.shape_cast %add3A_326 : vector<16xf32> to vector<1x16xf32>
        tpu.vector_store %arg11[%swap3A_327, %swap3A_328], %swap3A_331 {strides = array<i32>} : memref<16x768xf32, #tpu.memory_space<vmem>>, vector<1x16xf32>,
        %get3A_332 = arith.index_cast %scan3A_123 : i32 to index
        %get3A_333 = arith.constant 240 : index
        %get3A_334 = tpu.vector_load %arg7[%get3A_332, %get3A_333] {strides = array<i32>} : memref<16x768xf32, #tpu.memory_space<vmem>>, vector<1x16xf32>,
        %get3A_335 = vector.shape_cast %get3A_334 : vector<1x16xf32> to vector<16xf32>
        %get3A_336 = arith.index_cast %scan3A_123 : i32 to index
        %get3A_337 = arith.constant 240 : index
        %get3A_338 = tpu.vector_load %arg9[%get3A_336, %get3A_337] {strides = array<i32>} : memref<16x768xf32, #tpu.memory_space<vmem>>, vector<1x16xf32>,
        %get3A_339 = vector.shape_cast %get3A_338 : vector<1x16xf32> to vector<16xf32>
        %add3A_340 = arith.addf %get3A_335, %get3A_339 : vector<16xf32>
        %swap3A_341 = arith.index_cast %scan3A_123 : i32 to index
        %swap3A_342 = arith.constant 240 : index
        %swap3A_343 = tpu.vector_load %arg11[%swap3A_341, %swap3A_342] {strides = array<i32>} : memref<16x768xf32, #tpu.memory_space<vmem>>, vector<1x16xf32>,
        %swap3A_344 = vector.shape_cast %swap3A_343 : vector<1x16xf32> to vector<16xf32>
        %swap3A_345 = vector.shape_cast %add3A_340 : vector<16xf32> to vector<1x16xf32>
        tpu.vector_store %arg11[%swap3A_341, %swap3A_342], %swap3A_345 {strides = array<i32>} : memref<16x768xf32, #tpu.memory_space<vmem>>, vector<1x16xf32>,
        %get3A_346 = arith.index_cast %scan3A_123 : i32 to index
        %get3A_347 = arith.constant 256 : index
        %get3A_348 = tpu.vector_load %arg7[%get3A_346, %get3A_347] {strides = array<i32>} : memref<16x768xf32, #tpu.memory_space<vmem>>, vector<1x16xf32>,
        %get3A_349 = vector.shape_cast %get3A_348 : vector<1x16xf32> to vector<16xf32>
        %get3A_350 = arith.index_cast %scan3A_123 : i32 to index
        %get3A_351 = arith.constant 256 : index
        %get3A_352 = tpu.vector_load %arg9[%get3A_350, %get3A_351] {strides = array<i32>} : memref<16x768xf32, #tpu.memory_space<vmem>>, vector<1x16xf32>,
        %get3A_353 = vector.shape_cast %get3A_352 : vector<1x16xf32> to vector<16xf32>
        %add3A_354 = arith.addf %get3A_349, %get3A_353 : vector<16xf32>
        %swap3A_355 = arith.index_cast %scan3A_123 : i32 to index
        %swap3A_356 = arith.constant 256 : index
        %swap3A_357 = tpu.vector_load %arg11[%swap3A_355, %swap3A_356] {strides = array<i32>} : memref<16x768xf32, #tpu.memory_space<vmem>>, vector<1x16xf32>,
        %swap3A_358 = vector.shape_cast %swap3A_357 : vector<1x16xf32> to vector<16xf32>
        %swap3A_359 = vector.shape_cast %add3A_354 : vector<16xf32> to vector<1x16xf32>
        tpu.vector_store %arg11[%swap3A_355, %swap3A_356], %swap3A_359 {strides = array<i32>} : memref<16x768xf32, #tpu.memory_space<vmem>>, vector<1x16xf32>,
        %get3A_360 = arith.index_cast %scan3A_123 : i32 to index
        %get3A_361 = arith.constant 272 : index
        %get3A_362 = tpu.vector_load %arg7[%get3A_360, %get3A_361] {strides = array<i32>} : memref<16x768xf32, #tpu.memory_space<vmem>>, vector<1x16xf32>,
        %get3A_363 = vector.shape_cast %get3A_362 : vector<1x16xf32> to vector<16xf32>
        %get3A_364 = arith.index_cast %scan3A_123 : i32 to index
        %get3A_365 = arith.constant 272 : index
        %get3A_366 = tpu.vector_load %arg9[%get3A_364, %get3A_365] {strides = array<i32>} : memref<16x768xf32, #tpu.memory_space<vmem>>, vector<1x16xf32>,
        %get3A_367 = vector.shape_cast %get3A_366 : vector<1x16xf32> to vector<16xf32>
        %add3A_368 = arith.addf %get3A_363, %get3A_367 : vector<16xf32>
        %swap3A_369 = arith.index_cast %scan3A_123 : i32 to index
        %swap3A_370 = arith.constant 272 : index
        %swap3A_371 = tpu.vector_load %arg11[%swap3A_369, %swap3A_370] {strides = array<i32>} : memref<16x768xf32, #tpu.memory_space<vmem>>, vector<1x16xf32>,
        %swap3A_372 = vector.shape_cast %swap3A_371 : vector<1x16xf32> to vector<16xf32>
        %swap3A_373 = vector.shape_cast %add3A_368 : vector<16xf32> to vector<1x16xf32>
        tpu.vector_store %arg11[%swap3A_369, %swap3A_370], %swap3A_373 {strides = array<i32>} : memref<16x768xf32, #tpu.memory_space<vmem>>, vector<1x16xf32>,
        %get3A_374 = arith.index_cast %scan3A_123 : i32 to index
        %get3A_375 = arith.constant 288 : index
        %get3A_376 = tpu.vector_load %arg7[%get3A_374, %get3A_375] {strides = array<i32>} : memref<16x768xf32, #tpu.memory_space<vmem>>, vector<1x16xf32>,
        %get3A_377 = vector.shape_cast %get3A_376 : vector<1x16xf32> to vector<16xf32>
        %get3A_378 = arith.index_cast %scan3A_123 : i32 to index
        %get3A_379 = arith.constant 288 : index
        %get3A_380 = tpu.vector_load %arg9[%get3A_378, %get3A_379] {strides = array<i32>} : memref<16x768xf32, #tpu.memory_space<vmem>>, vector<1x16xf32>,
        %get3A_381 = vector.shape_cast %get3A_380 : vector<1x16xf32> to vector<16xf32>
        %add3A_382 = arith.addf %get3A_377, %get3A_381 : vector<16xf32>
        %swap3A_383 = arith.index_cast %scan3A_123 : i32 to index
        %swap3A_384 = arith.constant 288 : index
        %swap3A_385 = tpu.vector_load %arg11[%swap3A_383, %swap3A_384] {strides = array<i32>} : memref<16x768xf32, #tpu.memory_space<vmem>>, vector<1x16xf32>,
        %swap3A_386 = vector.shape_cast %swap3A_385 : vector<1x16xf32> to vector<16xf32>
        %swap3A_387 = vector.shape_cast %add3A_382 : vector<16xf32> to vector<1x16xf32>
        tpu.vector_store %arg11[%swap3A_383, %swap3A_384], %swap3A_387 {strides = array<i32>} : memref<16x768xf32, #tpu.memory_space<vmem>>, vector<1x16xf32>,
        %get3A_388 = arith.index_cast %scan3A_123 : i32 to index
        %get3A_389 = arith.constant 304 : index
        %get3A_390 = tpu.vector_load %arg7[%get3A_388, %get3A_389] {strides = array<i32>} : memref<16x768xf32, #tpu.memory_space<vmem>>, vector<1x16xf32>,
        %get3A_391 = vector.shape_cast %get3A_390 : vector<1x16xf32> to vector<16xf32>
        %get3A_392 = arith.index_cast %scan3A_123 : i32 to index
        %get3A_393 = arith.constant 304 : index
        %get3A_394 = tpu.vector_load %arg9[%get3A_392, %get3A_393] {strides = array<i32>} : memref<16x768xf32, #tpu.memory_space<vmem>>, vector<1x16xf32>,
        %get3A_395 = vector.shape_cast %get3A_394 : vector<1x16xf32> to vector<16xf32>
        %add3A_396 = arith.addf %get3A_391, %get3A_395 : vector<16xf32>
        %swap3A_397 = arith.index_cast %scan3A_123 : i32 to index
        %swap3A_398 = arith.constant 304 : index
        %swap3A_399 = tpu.vector_load %arg11[%swap3A_397, %swap3A_398] {strides = array<i32>} : memref<16x768xf32, #tpu.memory_space<vmem>>, vector<1x16xf32>,
        %swap3A_400 = vector.shape_cast %swap3A_399 : vector<1x16xf32> to vector<16xf32>
        %swap3A_401 = vector.shape_cast %add3A_396 : vector<16xf32> to vector<1x16xf32>
        tpu.vector_store %arg11[%swap3A_397, %swap3A_398], %swap3A_401 {strides = array<i32>} : memref<16x768xf32, #tpu.memory_space<vmem>>, vector<1x16xf32>,
        %get3A_402 = arith.index_cast %scan3A_123 : i32 to index
        %get3A_403 = arith.constant 320 : index
        %get3A_404 = tpu.vector_load %arg7[%get3A_402, %get3A_403] {strides = array<i32>} : memref<16x768xf32, #tpu.memory_space<vmem>>, vector<1x16xf32>,
        %get3A_405 = vector.shape_cast %get3A_404 : vector<1x16xf32> to vector<16xf32>
        %get3A_406 = arith.index_cast %scan3A_123 : i32 to index
        %get3A_407 = arith.constant 320 : index
        %get3A_408 = tpu.vector_load %arg9[%get3A_406, %get3A_407] {strides = array<i32>} : memref<16x768xf32, #tpu.memory_space<vmem>>, vector<1x16xf32>,
        %get3A_409 = vector.shape_cast %get3A_408 : vector<1x16xf32> to vector<16xf32>
        %add3A_410 = arith.addf %get3A_405, %get3A_409 : vector<16xf32>
        %swap3A_411 = arith.index_cast %scan3A_123 : i32 to index
        %swap3A_412 = arith.constant 320 : index
        %swap3A_413 = tpu.vector_load %arg11[%swap3A_411, %swap3A_412] {strides = array<i32>} : memref<16x768xf32, #tpu.memory_space<vmem>>, vector<1x16xf32>,
        %swap3A_414 = vector.shape_cast %swap3A_413 : vector<1x16xf32> to vector<16xf32>
        %swap3A_415 = vector.shape_cast %add3A_410 : vector<16xf32> to vector<1x16xf32>
        tpu.vector_store %arg11[%swap3A_411, %swap3A_412], %swap3A_415 {strides = array<i32>} : memref<16x768xf32, #tpu.memory_space<vmem>>, vector<1x16xf32>,
        %get3A_416 = arith.index_cast %scan3A_123 : i32 to index
        %get3A_417 = arith.constant 336 : index
        %get3A_418 = tpu.vector_load %arg7[%get3A_416, %get3A_417] {strides = array<i32>} : memref<16x768xf32, #tpu.memory_space<vmem>>, vector<1x16xf32>,
        %get3A_419 = vector.shape_cast %get3A_418 : vector<1x16xf32> to vector<16xf32>
        %get3A_420 = arith.index_cast %scan3A_123 : i32 to index
        %get3A_421 = arith.constant 336 : index
        %get3A_422 = tpu.vector_load %arg9[%get3A_420, %get3A_421] {strides = array<i32>} : memref<16x768xf32, #tpu.memory_space<vmem>>, vector<1x16xf32>,
        %get3A_423 = vector.shape_cast %get3A_422 : vector<1x16xf32> to vector<16xf32>
        %add3A_424 = arith.addf %get3A_419, %get3A_423 : vector<16xf32>
        %swap3A_425 = arith.index_cast %scan3A_123 : i32 to index
        %swap3A_426 = arith.constant 336 : index
        %swap3A_427 = tpu.vector_load %arg11[%swap3A_425, %swap3A_426] {strides = array<i32>} : memref<16x768xf32, #tpu.memory_space<vmem>>, vector<1x16xf32>,
        %swap3A_428 = vector.shape_cast %swap3A_427 : vector<1x16xf32> to vector<16xf32>
        %swap3A_429 = vector.shape_cast %add3A_424 : vector<16xf32> to vector<1x16xf32>
        tpu.vector_store %arg11[%swap3A_425, %swap3A_426], %swap3A_429 {strides = array<i32>} : memref<16x768xf32, #tpu.memory_space<vmem>>, vector<1x16xf32>,
        %get3A_430 = arith.index_cast %scan3A_123 : i32 to index
        %get3A_431 = arith.constant 352 : index
        %get3A_432 = tpu.vector_load %arg7[%get3A_430, %get3A_431] {strides = array<i32>} : memref<16x768xf32, #tpu.memory_space<vmem>>, vector<1x16xf32>,
        %get3A_433 = vector.shape_cast %get3A_432 : vector<1x16xf32> to vector<16xf32>
        %get3A_434 = arith.index_cast %scan3A_123 : i32 to index
        %get3A_435 = arith.constant 352 : index
        %get3A_436 = tpu.vector_load %arg9[%get3A_434, %get3A_435] {strides = array<i32>} : memref<16x768xf32, #tpu.memory_space<vmem>>, vector<1x16xf32>,
        %get3A_437 = vector.shape_cast %get3A_436 : vector<1x16xf32> to vector<16xf32>
        %add3A_438 = arith.addf %get3A_433, %get3A_437 : vector<16xf32>
        %swap3A_439 = arith.index_cast %scan3A_123 : i32 to index
        %swap3A_440 = arith.constant 352 : index
        %swap3A_441 = tpu.vector_load %arg11[%swap3A_439, %swap3A_440] {strides = array<i32>} : memref<16x768xf32, #tpu.memory_space<vmem>>, vector<1x16xf32>,
        %swap3A_442 = vector.shape_cast %swap3A_441 : vector<1x16xf32> to vector<16xf32>
        %swap3A_443 = vector.shape_cast %add3A_438 : vector<16xf32> to vector<1x16xf32>
        tpu.vector_store %arg11[%swap3A_439, %swap3A_440], %swap3A_443 {strides = array<i32>} : memref<16x768xf32, #tpu.memory_space<vmem>>, vector<1x16xf32>,
        %get3A_444 = arith.index_cast %scan3A_123 : i32 to index
        %get3A_445 = arith.constant 368 : index
        %get3A_446 = tpu.vector_load %arg7[%get3A_444, %get3A_445] {strides = array<i32>} : memref<16x768xf32, #tpu.memory_space<vmem>>, vector<1x16xf32>,
        %get3A_447 = vector.shape_cast %get3A_446 : vector<1x16xf32> to vector<16xf32>
        %get3A_448 = arith.index_cast %scan3A_123 : i32 to index
        %get3A_449 = arith.constant 368 : index
        %get3A_450 = tpu.vector_load %arg9[%get3A_448, %get3A_449] {strides = array<i32>} : memref<16x768xf32, #tpu.memory_space<vmem>>, vector<1x16xf32>,
        %get3A_451 = vector.shape_cast %get3A_450 : vector<1x16xf32> to vector<16xf32>
        %add3A_452 = arith.addf %get3A_447, %get3A_451 : vector<16xf32>
        %swap3A_453 = arith.index_cast %scan3A_123 : i32 to index
        %swap3A_454 = arith.constant 368 : index
        %swap3A_455 = tpu.vector_load %arg11[%swap3A_453, %swap3A_454] {strides = array<i32>} : memref<16x768xf32, #tpu.memory_space<vmem>>, vector<1x16xf32>,
        %swap3A_456 = vector.shape_cast %swap3A_455 : vector<1x16xf32> to vector<16xf32>
        %swap3A_457 = vector.shape_cast %add3A_452 : vector<16xf32> to vector<1x16xf32>
        tpu.vector_store %arg11[%swap3A_453, %swap3A_454], %swap3A_457 {strides = array<i32>} : memref<16x768xf32, #tpu.memory_space<vmem>>, vector<1x16xf32>,
        %get3A_458 = arith.index_cast %scan3A_123 : i32 to index
        %get3A_459 = arith.constant 384 : index
        %get3A_460 = tpu.vector_load %arg7[%get3A_458, %get3A_459] {strides = array<i32>} : memref<16x768xf32, #tpu.memory_space<vmem>>, vector<1x16xf32>,
        %get3A_461 = vector.shape_cast %get3A_460 : vector<1x16xf32> to vector<16xf32>
        %get3A_462 = arith.index_cast %scan3A_123 : i32 to index
        %get3A_463 = arith.constant 384 : index
        %get3A_464 = tpu.vector_load %arg9[%get3A_462, %get3A_463] {strides = array<i32>} : memref<16x768xf32, #tpu.memory_space<vmem>>, vector<1x16xf32>,
        %get3A_465 = vector.shape_cast %get3A_464 : vector<1x16xf32> to vector<16xf32>
        %add3A_466 = arith.addf %get3A_461, %get3A_465 : vector<16xf32>
        %swap3A_467 = arith.index_cast %scan3A_123 : i32 to index
        %swap3A_468 = arith.constant 384 : index
        %swap3A_469 = tpu.vector_load %arg11[%swap3A_467, %swap3A_468] {strides = array<i32>} : memref<16x768xf32, #tpu.memory_space<vmem>>, vector<1x16xf32>,
        %swap3A_470 = vector.shape_cast %swap3A_469 : vector<1x16xf32> to vector<16xf32>
        %swap3A_471 = vector.shape_cast %add3A_466 : vector<16xf32> to vector<1x16xf32>
        tpu.vector_store %arg11[%swap3A_467, %swap3A_468], %swap3A_471 {strides = array<i32>} : memref<16x768xf32, #tpu.memory_space<vmem>>, vector<1x16xf32>,
        %get3A_472 = arith.index_cast %scan3A_123 : i32 to index
        %get3A_473 = arith.constant 400 : index
        %get3A_474 = tpu.vector_load %arg7[%get3A_472, %get3A_473] {strides = array<i32>} : memref<16x768xf32, #tpu.memory_space<vmem>>, vector<1x16xf32>,
        %get3A_475 = vector.shape_cast %get3A_474 : vector<1x16xf32> to vector<16xf32>
        %get3A_476 = arith.index_cast %scan3A_123 : i32 to index
        %get3A_477 = arith.constant 400 : index
        %get3A_478 = tpu.vector_load %arg9[%get3A_476, %get3A_477] {strides = array<i32>} : memref<16x768xf32, #tpu.memory_space<vmem>>, vector<1x16xf32>,
        %get3A_479 = vector.shape_cast %get3A_478 : vector<1x16xf32> to vector<16xf32>
        %add3A_480 = arith.addf %get3A_475, %get3A_479 : vector<16xf32>
        %swap3A_481 = arith.index_cast %scan3A_123 : i32 to index
        %swap3A_482 = arith.constant 400 : index
        %swap3A_483 = tpu.vector_load %arg11[%swap3A_481, %swap3A_482] {strides = array<i32>} : memref<16x768xf32, #tpu.memory_space<vmem>>, vector<1x16xf32>,
        %swap3A_484 = vector.shape_cast %swap3A_483 : vector<1x16xf32> to vector<16xf32>
        %swap3A_485 = vector.shape_cast %add3A_480 : vector<16xf32> to vector<1x16xf32>
        tpu.vector_store %arg11[%swap3A_481, %swap3A_482], %swap3A_485 {strides = array<i32>} : memref<16x768xf32, #tpu.memory_space<vmem>>, vector<1x16xf32>,
        %get3A_486 = arith.index_cast %scan3A_123 : i32 to index
        %get3A_487 = arith.constant 416 : index
        %get3A_488 = tpu.vector_load %arg7[%get3A_486, %get3A_487] {strides = array<i32>} : memref<16x768xf32, #tpu.memory_space<vmem>>, vector<1x16xf32>,
        %get3A_489 = vector.shape_cast %get3A_488 : vector<1x16xf32> to vector<16xf32>
        %get3A_490 = arith.index_cast %scan3A_123 : i32 to index
        %get3A_491 = arith.constant 416 : index
        %get3A_492 = tpu.vector_load %arg9[%get3A_490, %get3A_491] {strides = array<i32>} : memref<16x768xf32, #tpu.memory_space<vmem>>, vector<1x16xf32>,
        %get3A_493 = vector.shape_cast %get3A_492 : vector<1x16xf32> to vector<16xf32>
        %add3A_494 = arith.addf %get3A_489, %get3A_493 : vector<16xf32>
        %swap3A_495 = arith.index_cast %scan3A_123 : i32 to index
        %swap3A_496 = arith.constant 416 : index
        %swap3A_497 = tpu.vector_load %arg11[%swap3A_495, %swap3A_496] {strides = array<i32>} : memref<16x768xf32, #tpu.memory_space<vmem>>, vector<1x16xf32>,
        %swap3A_498 = vector.shape_cast %swap3A_497 : vector<1x16xf32> to vector<16xf32>
        %swap3A_499 = vector.shape_cast %add3A_494 : vector<16xf32> to vector<1x16xf32>
        tpu.vector_store %arg11[%swap3A_495, %swap3A_496], %swap3A_499 {strides = array<i32>} : memref<16x768xf32, #tpu.memory_space<vmem>>, vector<1x16xf32>,
        %get3A_500 = arith.index_cast %scan3A_123 : i32 to index
        %get3A_501 = arith.constant 432 : index
        %get3A_502 = tpu.vector_load %arg7[%get3A_500, %get3A_501] {strides = array<i32>} : memref<16x768xf32, #tpu.memory_space<vmem>>, vector<1x16xf32>,
        %get3A_503 = vector.shape_cast %get3A_502 : vector<1x16xf32> to vector<16xf32>
        %get3A_504 = arith.index_cast %scan3A_123 : i32 to index
        %get3A_505 = arith.constant 432 : index
        %get3A_506 = tpu.vector_load %arg9[%get3A_504, %get3A_505] {strides = array<i32>} : memref<16x768xf32, #tpu.memory_space<vmem>>, vector<1x16xf32>,
        %get3A_507 = vector.shape_cast %get3A_506 : vector<1x16xf32> to vector<16xf32>
        %add3A_508 = arith.addf %get3A_503, %get3A_507 : vector<16xf32>
        %swap3A_509 = arith.index_cast %scan3A_123 : i32 to index
        %swap3A_510 = arith.constant 432 : index
        %swap3A_511 = tpu.vector_load %arg11[%swap3A_509, %swap3A_510] {strides = array<i32>} : memref<16x768xf32, #tpu.memory_space<vmem>>, vector<1x16xf32>,
        %swap3A_512 = vector.shape_cast %swap3A_511 : vector<1x16xf32> to vector<16xf32>
        %swap3A_513 = vector.shape_cast %add3A_508 : vector<16xf32> to vector<1x16xf32>
        tpu.vector_store %arg11[%swap3A_509, %swap3A_510], %swap3A_513 {strides = array<i32>} : memref<16x768xf32, #tpu.memory_space<vmem>>, vector<1x16xf32>,
        %get3A_514 = arith.index_cast %scan3A_123 : i32 to index
        %get3A_515 = arith.constant 448 : index
        %get3A_516 = tpu.vector_load %arg7[%get3A_514, %get3A_515] {strides = array<i32>} : memref<16x768xf32, #tpu.memory_space<vmem>>, vector<1x16xf32>,
        %get3A_517 = vector.shape_cast %get3A_516 : vector<1x16xf32> to vector<16xf32>
        %get3A_518 = arith.index_cast %scan3A_123 : i32 to index
        %get3A_519 = arith.constant 448 : index
        %get3A_520 = tpu.vector_load %arg9[%get3A_518, %get3A_519] {strides = array<i32>} : memref<16x768xf32, #tpu.memory_space<vmem>>, vector<1x16xf32>,
        %get3A_521 = vector.shape_cast %get3A_520 : vector<1x16xf32> to vector<16xf32>
        %add3A_522 = arith.addf %get3A_517, %get3A_521 : vector<16xf32>
        %swap3A_523 = arith.index_cast %scan3A_123 : i32 to index
        %swap3A_524 = arith.constant 448 : index
        %swap3A_525 = tpu.vector_load %arg11[%swap3A_523, %swap3A_524] {strides = array<i32>} : memref<16x768xf32, #tpu.memory_space<vmem>>, vector<1x16xf32>,
        %swap3A_526 = vector.shape_cast %swap3A_525 : vector<1x16xf32> to vector<16xf32>
        %swap3A_527 = vector.shape_cast %add3A_522 : vector<16xf32> to vector<1x16xf32>
        tpu.vector_store %arg11[%swap3A_523, %swap3A_524], %swap3A_527 {strides = array<i32>} : memref<16x768xf32, #tpu.memory_space<vmem>>, vector<1x16xf32>,
        %get3A_528 = arith.index_cast %scan3A_123 : i32 to index
        %get3A_529 = arith.constant 464 : index
        %get3A_530 = tpu.vector_load %arg7[%get3A_528, %get3A_529] {strides = array<i32>} : memref<16x768xf32, #tpu.memory_space<vmem>>, vector<1x16xf32>,
        %get3A_531 = vector.shape_cast %get3A_530 : vector<1x16xf32> to vector<16xf32>
        %get3A_532 = arith.index_cast %scan3A_123 : i32 to index
        %get3A_533 = arith.constant 464 : index
        %get3A_534 = tpu.vector_load %arg9[%get3A_532, %get3A_533] {strides = array<i32>} : memref<16x768xf32, #tpu.memory_space<vmem>>, vector<1x16xf32>,
        %get3A_535 = vector.shape_cast %get3A_534 : vector<1x16xf32> to vector<16xf32>
        %add3A_536 = arith.addf %get3A_531, %get3A_535 : vector<16xf32>
        %swap3A_537 = arith.index_cast %scan3A_123 : i32 to index
        %swap3A_538 = arith.constant 464 : index
        %swap3A_539 = tpu.vector_load %arg11[%swap3A_537, %swap3A_538] {strides = array<i32>} : memref<16x768xf32, #tpu.memory_space<vmem>>, vector<1x16xf32>,
        %swap3A_540 = vector.shape_cast %swap3A_539 : vector<1x16xf32> to vector<16xf32>
        %swap3A_541 = vector.shape_cast %add3A_536 : vector<16xf32> to vector<1x16xf32>
        tpu.vector_store %arg11[%swap3A_537, %swap3A_538], %swap3A_541 {strides = array<i32>} : memref<16x768xf32, #tpu.memory_space<vmem>>, vector<1x16xf32>,
        %get3A_542 = arith.index_cast %scan3A_123 : i32 to index
        %get3A_543 = arith.constant 480 : index
        %get3A_544 = tpu.vector_load %arg7[%get3A_542, %get3A_543] {strides = array<i32>} : memref<16x768xf32, #tpu.memory_space<vmem>>, vector<1x16xf32>,
        %get3A_545 = vector.shape_cast %get3A_544 : vector<1x16xf32> to vector<16xf32>
        %get3A_546 = arith.index_cast %scan3A_123 : i32 to index
        %get3A_547 = arith.constant 480 : index
        %get3A_548 = tpu.vector_load %arg9[%get3A_546, %get3A_547] {strides = array<i32>} : memref<16x768xf32, #tpu.memory_space<vmem>>, vector<1x16xf32>,
        %get3A_549 = vector.shape_cast %get3A_548 : vector<1x16xf32> to vector<16xf32>
        %add3A_550 = arith.addf %get3A_545, %get3A_549 : vector<16xf32>
        %swap3A_551 = arith.index_cast %scan3A_123 : i32 to index
        %swap3A_552 = arith.constant 480 : index
        %swap3A_553 = tpu.vector_load %arg11[%swap3A_551, %swap3A_552] {strides = array<i32>} : memref<16x768xf32, #tpu.memory_space<vmem>>, vector<1x16xf32>,
        %swap3A_554 = vector.shape_cast %swap3A_553 : vector<1x16xf32> to vector<16xf32>
        %swap3A_555 = vector.shape_cast %add3A_550 : vector<16xf32> to vector<1x16xf32>
        tpu.vector_store %arg11[%swap3A_551, %swap3A_552], %swap3A_555 {strides = array<i32>} : memref<16x768xf32, #tpu.memory_space<vmem>>, vector<1x16xf32>,
        %get3A_556 = arith.index_cast %scan3A_123 : i32 to index
        %get3A_557 = arith.constant 496 : index
        %get3A_558 = tpu.vector_load %arg7[%get3A_556, %get3A_557] {strides = array<i32>} : memref<16x768xf32, #tpu.memory_space<vmem>>, vector<1x16xf32>,
        %get3A_559 = vector.shape_cast %get3A_558 : vector<1x16xf32> to vector<16xf32>
        %get3A_560 = arith.index_cast %scan3A_123 : i32 to index
        %get3A_561 = arith.constant 496 : index
        %get3A_562 = tpu.vector_load %arg9[%get3A_560, %get3A_561] {strides = array<i32>} : memref<16x768xf32, #tpu.memory_space<vmem>>, vector<1x16xf32>,
        %get3A_563 = vector.shape_cast %get3A_562 : vector<1x16xf32> to vector<16xf32>
        %add3A_564 = arith.addf %get3A_559, %get3A_563 : vector<16xf32>
        %swap3A_565 = arith.index_cast %scan3A_123 : i32 to index
        %swap3A_566 = arith.constant 496 : index
        %swap3A_567 = tpu.vector_load %arg11[%swap3A_565, %swap3A_566] {strides = array<i32>} : memref<16x768xf32, #tpu.memory_space<vmem>>, vector<1x16xf32>,
        %swap3A_568 = vector.shape_cast %swap3A_567 : vector<1x16xf32> to vector<16xf32>
        %swap3A_569 = vector.shape_cast %add3A_564 : vector<16xf32> to vector<1x16xf32>
        tpu.vector_store %arg11[%swap3A_565, %swap3A_566], %swap3A_569 {strides = array<i32>} : memref<16x768xf32, #tpu.memory_space<vmem>>, vector<1x16xf32>,
        %get3A_570 = arith.index_cast %scan3A_123 : i32 to index
        %get3A_571 = arith.constant 512 : index
        %get3A_572 = tpu.vector_load %arg7[%get3A_570, %get3A_571] {strides = array<i32>} : memref<16x768xf32, #tpu.memory_space<vmem>>, vector<1x16xf32>,
        %get3A_573 = vector.shape_cast %get3A_572 : vector<1x16xf32> to vector<16xf32>
        %get3A_574 = arith.index_cast %scan3A_123 : i32 to index
        %get3A_575 = arith.constant 512 : index
        %get3A_576 = tpu.vector_load %arg9[%get3A_574, %get3A_575] {strides = array<i32>} : memref<16x768xf32, #tpu.memory_space<vmem>>, vector<1x16xf32>,
        %get3A_577 = vector.shape_cast %get3A_576 : vector<1x16xf32> to vector<16xf32>
        %add3A_578 = arith.addf %get3A_573, %get3A_577 : vector<16xf32>
        %swap3A_579 = arith.index_cast %scan3A_123 : i32 to index
        %swap3A_580 = arith.constant 512 : index
        %swap3A_581 = tpu.vector_load %arg11[%swap3A_579, %swap3A_580] {strides = array<i32>} : memref<16x768xf32, #tpu.memory_space<vmem>>, vector<1x16xf32>,
        %swap3A_582 = vector.shape_cast %swap3A_581 : vector<1x16xf32> to vector<16xf32>
        %swap3A_583 = vector.shape_cast %add3A_578 : vector<16xf32> to vector<1x16xf32>
        tpu.vector_store %arg11[%swap3A_579, %swap3A_580], %swap3A_583 {strides = array<i32>} : memref<16x768xf32, #tpu.memory_space<vmem>>, vector<1x16xf32>,
        %get3A_584 = arith.index_cast %scan3A_123 : i32 to index
        %get3A_585 = arith.constant 528 : index
        %get3A_586 = tpu.vector_load %arg7[%get3A_584, %get3A_585] {strides = array<i32>} : memref<16x768xf32, #tpu.memory_space<vmem>>, vector<1x16xf32>,
        %get3A_587 = vector.shape_cast %get3A_586 : vector<1x16xf32> to vector<16xf32>
        %get3A_588 = arith.index_cast %scan3A_123 : i32 to index
        %get3A_589 = arith.constant 528 : index
        %get3A_590 = tpu.vector_load %arg9[%get3A_588, %get3A_589] {strides = array<i32>} : memref<16x768xf32, #tpu.memory_space<vmem>>, vector<1x16xf32>,
        %get3A_591 = vector.shape_cast %get3A_590 : vector<1x16xf32> to vector<16xf32>
        %add3A_592 = arith.addf %get3A_587, %get3A_591 : vector<16xf32>
        %swap3A_593 = arith.index_cast %scan3A_123 : i32 to index
        %swap3A_594 = arith.constant 528 : index
        %swap3A_595 = tpu.vector_load %arg11[%swap3A_593, %swap3A_594] {strides = array<i32>} : memref<16x768xf32, #tpu.memory_space<vmem>>, vector<1x16xf32>,
        %swap3A_596 = vector.shape_cast %swap3A_595 : vector<1x16xf32> to vector<16xf32>
        %swap3A_597 = vector.shape_cast %add3A_592 : vector<16xf32> to vector<1x16xf32>
        tpu.vector_store %arg11[%swap3A_593, %swap3A_594], %swap3A_597 {strides = array<i32>} : memref<16x768xf32, #tpu.memory_space<vmem>>, vector<1x16xf32>,
        %get3A_598 = arith.index_cast %scan3A_123 : i32 to index
        %get3A_599 = arith.constant 544 : index
        %get3A_600 = tpu.vector_load %arg7[%get3A_598, %get3A_599] {strides = array<i32>} : memref<16x768xf32, #tpu.memory_space<vmem>>, vector<1x16xf32>,
        %get3A_601 = vector.shape_cast %get3A_600 : vector<1x16xf32> to vector<16xf32>
        %get3A_602 = arith.index_cast %scan3A_123 : i32 to index
        %get3A_603 = arith.constant 544 : index
        %get3A_604 = tpu.vector_load %arg9[%get3A_602, %get3A_603] {strides = array<i32>} : memref<16x768xf32, #tpu.memory_space<vmem>>, vector<1x16xf32>,
        %get3A_605 = vector.shape_cast %get3A_604 : vector<1x16xf32> to vector<16xf32>
        %add3A_606 = arith.addf %get3A_601, %get3A_605 : vector<16xf32>
        %swap3A_607 = arith.index_cast %scan3A_123 : i32 to index
        %swap3A_608 = arith.constant 544 : index
        %swap3A_609 = tpu.vector_load %arg11[%swap3A_607, %swap3A_608] {strides = array<i32>} : memref<16x768xf32, #tpu.memory_space<vmem>>, vector<1x16xf32>,
        %swap3A_610 = vector.shape_cast %swap3A_609 : vector<1x16xf32> to vector<16xf32>
        %swap3A_611 = vector.shape_cast %add3A_606 : vector<16xf32> to vector<1x16xf32>
        tpu.vector_store %arg11[%swap3A_607, %swap3A_608], %swap3A_611 {strides = array<i32>} : memref<16x768xf32, #tpu.memory_space<vmem>>, vector<1x16xf32>,
        %get3A_612 = arith.index_cast %scan3A_123 : i32 to index
        %get3A_613 = arith.constant 560 : index
        %get3A_614 = tpu.vector_load %arg7[%get3A_612, %get3A_613] {strides = array<i32>} : memref<16x768xf32, #tpu.memory_space<vmem>>, vector<1x16xf32>,
        %get3A_615 = vector.shape_cast %get3A_614 : vector<1x16xf32> to vector<16xf32>
        %get3A_616 = arith.index_cast %scan3A_123 : i32 to index
        %get3A_617 = arith.constant 560 : index
        %get3A_618 = tpu.vector_load %arg9[%get3A_616, %get3A_617] {strides = array<i32>} : memref<16x768xf32, #tpu.memory_space<vmem>>, vector<1x16xf32>,
        %get3A_619 = vector.shape_cast %get3A_618 : vector<1x16xf32> to vector<16xf32>
        %add3A_620 = arith.addf %get3A_615, %get3A_619 : vector<16xf32>
        %swap3A_621 = arith.index_cast %scan3A_123 : i32 to index
        %swap3A_622 = arith.constant 560 : index
        %swap3A_623 = tpu.vector_load %arg11[%swap3A_621, %swap3A_622] {strides = array<i32>} : memref<16x768xf32, #tpu.memory_space<vmem>>, vector<1x16xf32>,
        %swap3A_624 = vector.shape_cast %swap3A_623 : vector<1x16xf32> to vector<16xf32>
        %swap3A_625 = vector.shape_cast %add3A_620 : vector<16xf32> to vector<1x16xf32>
        tpu.vector_store %arg11[%swap3A_621, %swap3A_622], %swap3A_625 {strides = array<i32>} : memref<16x768xf32, #tpu.memory_space<vmem>>, vector<1x16xf32>,
        %get3A_626 = arith.index_cast %scan3A_123 : i32 to index
        %get3A_627 = arith.constant 576 : index
        %get3A_628 = tpu.vector_load %arg7[%get3A_626, %get3A_627] {strides = array<i32>} : memref<16x768xf32, #tpu.memory_space<vmem>>, vector<1x16xf32>,
        %get3A_629 = vector.shape_cast %get3A_628 : vector<1x16xf32> to vector<16xf32>
        %get3A_630 = arith.index_cast %scan3A_123 : i32 to index
        %get3A_631 = arith.constant 576 : index
        %get3A_632 = tpu.vector_load %arg9[%get3A_630, %get3A_631] {strides = array<i32>} : memref<16x768xf32, #tpu.memory_space<vmem>>, vector<1x16xf32>,
        %get3A_633 = vector.shape_cast %get3A_632 : vector<1x16xf32> to vector<16xf32>
        %add3A_634 = arith.addf %get3A_629, %get3A_633 : vector<16xf32>
        %swap3A_635 = arith.index_cast %scan3A_123 : i32 to index
        %swap3A_636 = arith.constant 576 : index
        %swap3A_637 = tpu.vector_load %arg11[%swap3A_635, %swap3A_636] {strides = array<i32>} : memref<16x768xf32, #tpu.memory_space<vmem>>, vector<1x16xf32>,
        %swap3A_638 = vector.shape_cast %swap3A_637 : vector<1x16xf32> to vector<16xf32>
        %swap3A_639 = vector.shape_cast %add3A_634 : vector<16xf32> to vector<1x16xf32>
        tpu.vector_store %arg11[%swap3A_635, %swap3A_636], %swap3A_639 {strides = array<i32>} : memref<16x768xf32, #tpu.memory_space<vmem>>, vector<1x16xf32>,
        %get3A_640 = arith.index_cast %scan3A_123 : i32 to index
        %get3A_641 = arith.constant 592 : index
        %get3A_642 = tpu.vector_load %arg7[%get3A_640, %get3A_641] {strides = array<i32>} : memref<16x768xf32, #tpu.memory_space<vmem>>, vector<1x16xf32>,
        %get3A_643 = vector.shape_cast %get3A_642 : vector<1x16xf32> to vector<16xf32>
        %get3A_644 = arith.index_cast %scan3A_123 : i32 to index
        %get3A_645 = arith.constant 592 : index
        %get3A_646 = tpu.vector_load %arg9[%get3A_644, %get3A_645] {strides = array<i32>} : memref<16x768xf32, #tpu.memory_space<vmem>>, vector<1x16xf32>,
        %get3A_647 = vector.shape_cast %get3A_646 : vector<1x16xf32> to vector<16xf32>
        %add3A_648 = arith.addf %get3A_643, %get3A_647 : vector<16xf32>
        %swap3A_649 = arith.index_cast %scan3A_123 : i32 to index
        %swap3A_650 = arith.constant 592 : index
        %swap3A_651 = tpu.vector_load %arg11[%swap3A_649, %swap3A_650] {strides = array<i32>} : memref<16x768xf32, #tpu.memory_space<vmem>>, vector<1x16xf32>,
        %swap3A_652 = vector.shape_cast %swap3A_651 : vector<1x16xf32> to vector<16xf32>
        %swap3A_653 = vector.shape_cast %add3A_648 : vector<16xf32> to vector<1x16xf32>
        tpu.vector_store %arg11[%swap3A_649, %swap3A_650], %swap3A_653 {strides = array<i32>} : memref<16x768xf32, #tpu.memory_space<vmem>>, vector<1x16xf32>,
        %get3A_654 = arith.index_cast %scan3A_123 : i32 to index
        %get3A_655 = arith.constant 608 : index
        %get3A_656 = tpu.vector_load %arg7[%get3A_654, %get3A_655] {strides = array<i32>} : memref<16x768xf32, #tpu.memory_space<vmem>>, vector<1x16xf32>,
        %get3A_657 = vector.shape_cast %get3A_656 : vector<1x16xf32> to vector<16xf32>
        %get3A_658 = arith.index_cast %scan3A_123 : i32 to index
        %get3A_659 = arith.constant 608 : index
        %get3A_660 = tpu.vector_load %arg9[%get3A_658, %get3A_659] {strides = array<i32>} : memref<16x768xf32, #tpu.memory_space<vmem>>, vector<1x16xf32>,
        %get3A_661 = vector.shape_cast %get3A_660 : vector<1x16xf32> to vector<16xf32>
        %add3A_662 = arith.addf %get3A_657, %get3A_661 : vector<16xf32>
        %swap3A_663 = arith.index_cast %scan3A_123 : i32 to index
        %swap3A_664 = arith.constant 608 : index
        %swap3A_665 = tpu.vector_load %arg11[%swap3A_663, %swap3A_664] {strides = array<i32>} : memref<16x768xf32, #tpu.memory_space<vmem>>, vector<1x16xf32>,
        %swap3A_666 = vector.shape_cast %swap3A_665 : vector<1x16xf32> to vector<16xf32>
        %swap3A_667 = vector.shape_cast %add3A_662 : vector<16xf32> to vector<1x16xf32>
        tpu.vector_store %arg11[%swap3A_663, %swap3A_664], %swap3A_667 {strides = array<i32>} : memref<16x768xf32, #tpu.memory_space<vmem>>, vector<1x16xf32>,
        %get3A_668 = arith.index_cast %scan3A_123 : i32 to index
        %get3A_669 = arith.constant 624 : index
        %get3A_670 = tpu.vector_load %arg7[%get3A_668, %get3A_669] {strides = array<i32>} : memref<16x768xf32, #tpu.memory_space<vmem>>, vector<1x16xf32>,
        %get3A_671 = vector.shape_cast %get3A_670 : vector<1x16xf32> to vector<16xf32>
        %get3A_672 = arith.index_cast %scan3A_123 : i32 to index
        %get3A_673 = arith.constant 624 : index
        %get3A_674 = tpu.vector_load %arg9[%get3A_672, %get3A_673] {strides = array<i32>} : memref<16x768xf32, #tpu.memory_space<vmem>>, vector<1x16xf32>,
        %get3A_675 = vector.shape_cast %get3A_674 : vector<1x16xf32> to vector<16xf32>
        %add3A_676 = arith.addf %get3A_671, %get3A_675 : vector<16xf32>
        %swap3A_677 = arith.index_cast %scan3A_123 : i32 to index
        %swap3A_678 = arith.constant 624 : index
        %swap3A_679 = tpu.vector_load %arg11[%swap3A_677, %swap3A_678] {strides = array<i32>} : memref<16x768xf32, #tpu.memory_space<vmem>>, vector<1x16xf32>,
        %swap3A_680 = vector.shape_cast %swap3A_679 : vector<1x16xf32> to vector<16xf32>
        %swap3A_681 = vector.shape_cast %add3A_676 : vector<16xf32> to vector<1x16xf32>
        tpu.vector_store %arg11[%swap3A_677, %swap3A_678], %swap3A_681 {strides = array<i32>} : memref<16x768xf32, #tpu.memory_space<vmem>>, vector<1x16xf32>,
        %get3A_682 = arith.index_cast %scan3A_123 : i32 to index
        %get3A_683 = arith.constant 640 : index
        %get3A_684 = tpu.vector_load %arg7[%get3A_682, %get3A_683] {strides = array<i32>} : memref<16x768xf32, #tpu.memory_space<vmem>>, vector<1x16xf32>,
        %get3A_685 = vector.shape_cast %get3A_684 : vector<1x16xf32> to vector<16xf32>
        %get3A_686 = arith.index_cast %scan3A_123 : i32 to index
        %get3A_687 = arith.constant 640 : index
        %get3A_688 = tpu.vector_load %arg9[%get3A_686, %get3A_687] {strides = array<i32>} : memref<16x768xf32, #tpu.memory_space<vmem>>, vector<1x16xf32>,
        %get3A_689 = vector.shape_cast %get3A_688 : vector<1x16xf32> to vector<16xf32>
        %add3A_690 = arith.addf %get3A_685, %get3A_689 : vector<16xf32>
        %swap3A_691 = arith.index_cast %scan3A_123 : i32 to index
        %swap3A_692 = arith.constant 640 : index
        %swap3A_693 = tpu.vector_load %arg11[%swap3A_691, %swap3A_692] {strides = array<i32>} : memref<16x768xf32, #tpu.memory_space<vmem>>, vector<1x16xf32>,
        %swap3A_694 = vector.shape_cast %swap3A_693 : vector<1x16xf32> to vector<16xf32>
        %swap3A_695 = vector.shape_cast %add3A_690 : vector<16xf32> to vector<1x16xf32>
        tpu.vector_store %arg11[%swap3A_691, %swap3A_692], %swap3A_695 {strides = array<i32>} : memref<16x768xf32, #tpu.memory_space<vmem>>, vector<1x16xf32>,
        %get3A_696 = arith.index_cast %scan3A_123 : i32 to index
        %get3A_697 = arith.constant 656 : index
        %get3A_698 = tpu.vector_load %arg7[%get3A_696, %get3A_697] {strides = array<i32>} : memref<16x768xf32, #tpu.memory_space<vmem>>, vector<1x16xf32>,
        %get3A_699 = vector.shape_cast %get3A_698 : vector<1x16xf32> to vector<16xf32>
        %get3A_700 = arith.index_cast %scan3A_123 : i32 to index
        %get3A_701 = arith.constant 656 : index
        %get3A_702 = tpu.vector_load %arg9[%get3A_700, %get3A_701] {strides = array<i32>} : memref<16x768xf32, #tpu.memory_space<vmem>>, vector<1x16xf32>,
        %get3A_703 = vector.shape_cast %get3A_702 : vector<1x16xf32> to vector<16xf32>
        %add3A_704 = arith.addf %get3A_699, %get3A_703 : vector<16xf32>
        %swap3A_705 = arith.index_cast %scan3A_123 : i32 to index
        %swap3A_706 = arith.constant 656 : index
        %swap3A_707 = tpu.vector_load %arg11[%swap3A_705, %swap3A_706] {strides = array<i32>} : memref<16x768xf32, #tpu.memory_space<vmem>>, vector<1x16xf32>,
        %swap3A_708 = vector.shape_cast %swap3A_707 : vector<1x16xf32> to vector<16xf32>
        %swap3A_709 = vector.shape_cast %add3A_704 : vector<16xf32> to vector<1x16xf32>
        tpu.vector_store %arg11[%swap3A_705, %swap3A_706], %swap3A_709 {strides = array<i32>} : memref<16x768xf32, #tpu.memory_space<vmem>>, vector<1x16xf32>,
        %get3A_710 = arith.index_cast %scan3A_123 : i32 to index
        %get3A_711 = arith.constant 672 : index
        %get3A_712 = tpu.vector_load %arg7[%get3A_710, %get3A_711] {strides = array<i32>} : memref<16x768xf32, #tpu.memory_space<vmem>>, vector<1x16xf32>,
        %get3A_713 = vector.shape_cast %get3A_712 : vector<1x16xf32> to vector<16xf32>
        %get3A_714 = arith.index_cast %scan3A_123 : i32 to index
        %get3A_715 = arith.constant 672 : index
        %get3A_716 = tpu.vector_load %arg9[%get3A_714, %get3A_715] {strides = array<i32>} : memref<16x768xf32, #tpu.memory_space<vmem>>, vector<1x16xf32>,
        %get3A_717 = vector.shape_cast %get3A_716 : vector<1x16xf32> to vector<16xf32>
        %add3A_718 = arith.addf %get3A_713, %get3A_717 : vector<16xf32>
        %swap3A_719 = arith.index_cast %scan3A_123 : i32 to index
        %swap3A_720 = arith.constant 672 : index
        %swap3A_721 = tpu.vector_load %arg11[%swap3A_719, %swap3A_720] {strides = array<i32>} : memref<16x768xf32, #tpu.memory_space<vmem>>, vector<1x16xf32>,
        %swap3A_722 = vector.shape_cast %swap3A_721 : vector<1x16xf32> to vector<16xf32>
        %swap3A_723 = vector.shape_cast %add3A_718 : vector<16xf32> to vector<1x16xf32>
        tpu.vector_store %arg11[%swap3A_719, %swap3A_720], %swap3A_723 {strides = array<i32>} : memref<16x768xf32, #tpu.memory_space<vmem>>, vector<1x16xf32>,
        %get3A_724 = arith.index_cast %scan3A_123 : i32 to index
        %get3A_725 = arith.constant 688 : index
        %get3A_726 = tpu.vector_load %arg7[%get3A_724, %get3A_725] {strides = array<i32>} : memref<16x768xf32, #tpu.memory_space<vmem>>, vector<1x16xf32>,
        %get3A_727 = vector.shape_cast %get3A_726 : vector<1x16xf32> to vector<16xf32>
        %get3A_728 = arith.index_cast %scan3A_123 : i32 to index
        %get3A_729 = arith.constant 688 : index
        %get3A_730 = tpu.vector_load %arg9[%get3A_728, %get3A_729] {strides = array<i32>} : memref<16x768xf32, #tpu.memory_space<vmem>>, vector<1x16xf32>,
        %get3A_731 = vector.shape_cast %get3A_730 : vector<1x16xf32> to vector<16xf32>
        %add3A_732 = arith.addf %get3A_727, %get3A_731 : vector<16xf32>
        %swap3A_733 = arith.index_cast %scan3A_123 : i32 to index
        %swap3A_734 = arith.constant 688 : index
        %swap3A_735 = tpu.vector_load %arg11[%swap3A_733, %swap3A_734] {strides = array<i32>} : memref<16x768xf32, #tpu.memory_space<vmem>>, vector<1x16xf32>,
        %swap3A_736 = vector.shape_cast %swap3A_735 : vector<1x16xf32> to vector<16xf32>
        %swap3A_737 = vector.shape_cast %add3A_732 : vector<16xf32> to vector<1x16xf32>
        tpu.vector_store %arg11[%swap3A_733, %swap3A_734], %swap3A_737 {strides = array<i32>} : memref<16x768xf32, #tpu.memory_space<vmem>>, vector<1x16xf32>,
        %get3A_738 = arith.index_cast %scan3A_123 : i32 to index
        %get3A_739 = arith.constant 704 : index
        %get3A_740 = tpu.vector_load %arg7[%get3A_738, %get3A_739] {strides = array<i32>} : memref<16x768xf32, #tpu.memory_space<vmem>>, vector<1x16xf32>,
        %get3A_741 = vector.shape_cast %get3A_740 : vector<1x16xf32> to vector<16xf32>
        %get3A_742 = arith.index_cast %scan3A_123 : i32 to index
        %get3A_743 = arith.constant 704 : index
        %get3A_744 = tpu.vector_load %arg9[%get3A_742, %get3A_743] {strides = array<i32>} : memref<16x768xf32, #tpu.memory_space<vmem>>, vector<1x16xf32>,
        %get3A_745 = vector.shape_cast %get3A_744 : vector<1x16xf32> to vector<16xf32>
        %add3A_746 = arith.addf %get3A_741, %get3A_745 : vector<16xf32>
        %swap3A_747 = arith.index_cast %scan3A_123 : i32 to index
        %swap3A_748 = arith.constant 704 : index
        %swap3A_749 = tpu.vector_load %arg11[%swap3A_747, %swap3A_748] {strides = array<i32>} : memref<16x768xf32, #tpu.memory_space<vmem>>, vector<1x16xf32>,
        %swap3A_750 = vector.shape_cast %swap3A_749 : vector<1x16xf32> to vector<16xf32>
        %swap3A_751 = vector.shape_cast %add3A_746 : vector<16xf32> to vector<1x16xf32>
        tpu.vector_store %arg11[%swap3A_747, %swap3A_748], %swap3A_751 {strides = array<i32>} : memref<16x768xf32, #tpu.memory_space<vmem>>, vector<1x16xf32>,
        %get3A_752 = arith.index_cast %scan3A_123 : i32 to index
        %get3A_753 = arith.constant 720 : index
        %get3A_754 = tpu.vector_load %arg7[%get3A_752, %get3A_753] {strides = array<i32>} : memref<16x768xf32, #tpu.memory_space<vmem>>, vector<1x16xf32>,
        %get3A_755 = vector.shape_cast %get3A_754 : vector<1x16xf32> to vector<16xf32>
        %get3A_756 = arith.index_cast %scan3A_123 : i32 to index
        %get3A_757 = arith.constant 720 : index
        %get3A_758 = tpu.vector_load %arg9[%get3A_756, %get3A_757] {strides = array<i32>} : memref<16x768xf32, #tpu.memory_space<vmem>>, vector<1x16xf32>,
        %get3A_759 = vector.shape_cast %get3A_758 : vector<1x16xf32> to vector<16xf32>
        %add3A_760 = arith.addf %get3A_755, %get3A_759 : vector<16xf32>
        %swap3A_761 = arith.index_cast %scan3A_123 : i32 to index
        %swap3A_762 = arith.constant 720 : index
        %swap3A_763 = tpu.vector_load %arg11[%swap3A_761, %swap3A_762] {strides = array<i32>} : memref<16x768xf32, #tpu.memory_space<vmem>>, vector<1x16xf32>,
        %swap3A_764 = vector.shape_cast %swap3A_763 : vector<1x16xf32> to vector<16xf32>
        %swap3A_765 = vector.shape_cast %add3A_760 : vector<16xf32> to vector<1x16xf32>
        tpu.vector_store %arg11[%swap3A_761, %swap3A_762], %swap3A_765 {strides = array<i32>} : memref<16x768xf32, #tpu.memory_space<vmem>>, vector<1x16xf32>,
        %get3A_766 = arith.index_cast %scan3A_123 : i32 to index
        %get3A_767 = arith.constant 736 : index
        %get3A_768 = tpu.vector_load %arg7[%get3A_766, %get3A_767] {strides = array<i32>} : memref<16x768xf32, #tpu.memory_space<vmem>>, vector<1x16xf32>,
        %get3A_769 = vector.shape_cast %get3A_768 : vector<1x16xf32> to vector<16xf32>
        %get3A_770 = arith.index_cast %scan3A_123 : i32 to index
        %get3A_771 = arith.constant 736 : index
        %get3A_772 = tpu.vector_load %arg9[%get3A_770, %get3A_771] {strides = array<i32>} : memref<16x768xf32, #tpu.memory_space<vmem>>, vector<1x16xf32>,
        %get3A_773 = vector.shape_cast %get3A_772 : vector<1x16xf32> to vector<16xf32>
        %add3A_774 = arith.addf %get3A_769, %get3A_773 : vector<16xf32>
        %swap3A_775 = arith.index_cast %scan3A_123 : i32 to index
        %swap3A_776 = arith.constant 736 : index
        %swap3A_777 = tpu.vector_load %arg11[%swap3A_775, %swap3A_776] {strides = array<i32>} : memref<16x768xf32, #tpu.memory_space<vmem>>, vector<1x16xf32>,
        %swap3A_778 = vector.shape_cast %swap3A_777 : vector<1x16xf32> to vector<16xf32>
        %swap3A_779 = vector.shape_cast %add3A_774 : vector<16xf32> to vector<1x16xf32>
        tpu.vector_store %arg11[%swap3A_775, %swap3A_776], %swap3A_779 {strides = array<i32>} : memref<16x768xf32, #tpu.memory_space<vmem>>, vector<1x16xf32>,
        %get3A_780 = arith.index_cast %scan3A_123 : i32 to index
        %get3A_781 = arith.constant 752 : index
        %get3A_782 = tpu.vector_load %arg7[%get3A_780, %get3A_781] {strides = array<i32>} : memref<16x768xf32, #tpu.memory_space<vmem>>, vector<1x16xf32>,
        %get3A_783 = vector.shape_cast %get3A_782 : vector<1x16xf32> to vector<16xf32>
        %get3A_784 = arith.index_cast %scan3A_123 : i32 to index
        %get3A_785 = arith.constant 752 : index
        %get3A_786 = tpu.vector_load %arg9[%get3A_784, %get3A_785] {strides = array<i32>} : memref<16x768xf32, #tpu.memory_space<vmem>>, vector<1x16xf32>,
        %get3A_787 = vector.shape_cast %get3A_786 : vector<1x16xf32> to vector<16xf32>
        %add3A_788 = arith.addf %get3A_783, %get3A_787 : vector<16xf32>
        %swap3A_789 = arith.index_cast %scan3A_123 : i32 to index
        %swap3A_790 = arith.constant 752 : index
        %swap3A_791 = tpu.vector_load %arg11[%swap3A_789, %swap3A_790] {strides = array<i32>} : memref<16x768xf32, #tpu.memory_space<vmem>>, vector<1x16xf32>,
        %swap3A_792 = vector.shape_cast %swap3A_791 : vector<1x16xf32> to vector<16xf32>
        %swap3A_793 = vector.shape_cast %add3A_788 : vector<16xf32> to vector<1x16xf32>
        tpu.vector_store %arg11[%swap3A_789, %swap3A_790], %swap3A_793 {strides = array<i32>} : memref<16x768xf32, #tpu.memory_space<vmem>>, vector<1x16xf32>,
      }
      %scan3A_71 = arith.constant 16 : i32
      %dma_start3A_72 = arith.constant 0 : i32
      %dma_start3A_73 = tpu.memref_slice %arg5[%add3A_51, %dma_start3A_72] : memref<32768x768xf32, #tpu.memory_space<hbm>> -> memref<16x768xf32, #tpu.memory_space<hbm>>
      %dma_start3A_74 = arith.constant 0 : i32
      %dma_start3A_75 = tpu.memref_slice %arg5[%add3A_51, %dma_start3A_74] : memref<32768x768xf32, #tpu.memory_space<hbm>> -> memref<16x768xf32, #tpu.memory_space<hbm>>
      tpu.enqueue_dma source(%arg11 : memref<16x768xf32, #tpu.memory_space<vmem>>) target(%dma_start3A_75 : memref<16x768xf32, #tpu.memory_space<hbm>>) target_semaphore(%arg17 : memref<!tpu.dma_semaphore, #tpu.memory_space<semaphore_mem>>)
      %add3A_76 = arith.constant 2 : i32
      %add3A_77 = arith.addi %add3A_48, %add3A_76 : i32
      %lt3A = arith.constant 64 : i32
      %lt3A_78 = arith.cmpi slt, %add3A_77, %lt3A : i32
      %convert_element_type3A_79 = arith.extui %lt3A_78 : i1 to i32
      %cond3A_80 = arith.constant 0 : i32
      %cond3A_81 = arith.cmpi ne, %convert_element_type3A_79, %cond3A_80 : i32
      scf.if %cond3A_81 {
        %add3A_123 = arith.constant 2 : i32
        %add3A_124 = arith.addi %add3A_48, %add3A_123 : i32
        %mul3A_125 = arith.constant 16 : i32
        %mul3A_126 = arith.muli %add3A_124, %mul3A_125 : i32
        %add3A_127 = arith.addi %mul3A_2, %mul3A_126 : i32
        %dma_start3A_128 = arith.constant 0 : i32
        %dma_start3A_129 = tpu.memref_slice %arg2[%add3A_127, %dma_start3A_128] : memref<32768x768xf32, #tpu.memory_space<hbm>> -> memref<16x768xf32, #tpu.memory_space<hbm>>
        %dma_start3A_130 = arith.constant 0 : i32
        %dma_start3A_131 = tpu.memref_slice %arg2[%add3A_127, %dma_start3A_130] : memref<32768x768xf32, #tpu.memory_space<hbm>> -> memref<16x768xf32, #tpu.memory_space<hbm>>
        tpu.enqueue_dma source(%dma_start3A_131 : memref<16x768xf32, #tpu.memory_space<hbm>>) target(%arg7 : memref<16x768xf32, #tpu.memory_space<vmem>>) target_semaphore(%arg13 : memref<!tpu.dma_semaphore, #tpu.memory_space<semaphore_mem>>)
        %add3A_132 = arith.constant 2 : i32
        %add3A_133 = arith.addi %add3A_48, %add3A_132 : i32
        %dma_start3A_134 = arith.constant 0 : i32
        %dma_start3A_135 = tpu.memref_slice %arg6[%add3A_133, %dma_start3A_134] : memref<64x16xi32, #tpu.memory_space<vmem>> -> memref<1x16xi32, #tpu.memory_space<vmem>>
        %dma_start3A_136 = tpu.memref_squeeze %dma_start3A_135 : memref<1x16xi32, #tpu.memory_space<vmem>> -> memref<16xi32, #tpu.memory_space<vmem>>
        %dma_start3A_137 = arith.constant 0 : i32
        %dma_start3A_138 = arith.constant 0 : i32
        %dma_start3A_139 = tpu.memref_slice %arg4[%dma_start3A_137, %dma_start3A_138] : memref<8192x768xf32, #tpu.memory_space<hbm>> -> memref<8192x768xf32, #tpu.memory_space<hbm>>
        tpu.enqueue_indirect_dma source(%dma_start3A_139 : memref<8192x768xf32, #tpu.memory_space<hbm>>) target(%arg9 : memref<16x768xf32, #tpu.memory_space<vmem>>) offsets(%dma_start3A_136 : memref<16xi32, #tpu.memory_space<vmem>>) semaphore(%arg15 : memref<!tpu.dma_semaphore, #tpu.memory_space<semaphore_mem>>)
      } else {
      }
      %mul3A_82 = arith.constant 2 : i32
      %mul3A_83 = arith.muli %mul3A_82, %scan3A_44 : i32
      %add3A_84 = arith.constant 1 : i32
      %add3A_85 = arith.addi %mul3A_83, %add3A_84 : i32
      %mul3A_86 = arith.constant 16 : i32
      %mul3A_87 = arith.muli %add3A_85, %mul3A_86 : i32
      %add3A_88 = arith.addi %mul3A_2, %mul3A_87 : i32
      %dma_wait3A_89 = arith.constant 0 : i32
      %dma_wait3A_90 = arith.constant 0 : i32
      %dma_wait3A_91 = tpu.memref_slice %arg2[%dma_wait3A_89, %dma_wait3A_90] : memref<32768x768xf32, #tpu.memory_space<hbm>> -> memref<16x768xf32, #tpu.memory_space<hbm>>
      %dma_wait3A_92 = arith.constant 0 : i32
      %dma_wait3A_93 = arith.constant 0 : i32
      %dma_wait3A_94 = tpu.memref_slice %arg2[%dma_wait3A_92, %dma_wait3A_93] : memref<32768x768xf32, #tpu.memory_space<hbm>> -> memref<16x768xf32, #tpu.memory_space<hbm>>
      tpu.wait_dma2 semaphore(%arg14 : memref<!tpu.dma_semaphore, #tpu.memory_space<semaphore_mem>>) src(%dma_wait3A_94 : memref<16x768xf32, #tpu.memory_space<hbm>>) dst(%arg8 : memref<16x768xf32, #tpu.memory_space<vmem>>)
      %dma_wait3A_95 = arith.constant 0 : i32
      %dma_wait3A_96 = arith.constant 0 : i32
      %dma_wait3A_97 = tpu.memref_slice %arg2[%dma_wait3A_95, %dma_wait3A_96] : memref<32768x768xf32, #tpu.memory_space<hbm>> -> memref<16x768xf32, #tpu.memory_space<hbm>>
      %dma_wait3A_98 = arith.constant 0 : i32
      %dma_wait3A_99 = arith.constant 0 : i32
      %dma_wait3A_100 = tpu.memref_slice %arg2[%dma_wait3A_98, %dma_wait3A_99] : memref<32768x768xf32, #tpu.memory_space<hbm>> -> memref<16x768xf32, #tpu.memory_space<hbm>>
      tpu.wait_dma2 semaphore(%arg16 : memref<!tpu.dma_semaphore, #tpu.memory_space<semaphore_mem>>) src(%dma_wait3A_100 : memref<16x768xf32, #tpu.memory_space<hbm>>) dst(%arg10 : memref<16x768xf32, #tpu.memory_space<vmem>>)
      %ge3A_101 = arith.constant 2 : i32
      %ge3A_102 = arith.cmpi sge, %add3A_85, %ge3A_101 : i32
      %convert_element_type3A_103 = arith.extui %ge3A_102 : i1 to i32
      %cond3A_104 = arith.constant 0 : i32
      %cond3A_105 = arith.cmpi ne, %convert_element_type3A_103, %cond3A_104 : i32
      scf.if %cond3A_105 {
        %dma_wait3A_123 = arith.constant 0 : i32
        %dma_wait3A_124 = arith.constant 0 : i32
        %dma_wait3A_125 = tpu.memref_slice %arg2[%dma_wait3A_123, %dma_wait3A_124] : memref<32768x768xf32, #tpu.memory_space<hbm>> -> memref<16x768xf32, #tpu.memory_space<hbm>>
        %dma_wait3A_126 = arith.constant 0 : i32
        %dma_wait3A_127 = arith.constant 0 : i32
        %dma_wait3A_128 = tpu.memref_slice %arg2[%dma_wait3A_126, %dma_wait3A_127] : memref<32768x768xf32, #tpu.memory_space<hbm>> -> memref<16x768xf32, #tpu.memory_space<hbm>>
        tpu.wait_dma2 semaphore(%arg18 : memref<!tpu.dma_semaphore, #tpu.memory_space<semaphore_mem>>) src(%dma_wait3A_128 : memref<16x768xf32, #tpu.memory_space<hbm>>) dst(%arg12 : memref<16x768xf32, #tpu.memory_space<vmem>>)
      } else {
      }
      %scan3A_106 = arith.constant 0 : i32
      %scan3A_107 = arith.constant 0 : i32
      %scan3A_108 = arith.constant 16 : i32
      %scan3A_109 = arith.addi %scan3A_107, %scan3A_108 : i32
      %scan3A_110 = arith.constant 1 : i32
      scf.for %scan3A_123 = %scan3A_107 to %scan3A_109 step %scan3A_110  : i32 {
        %get3A = arith.index_cast %scan3A_123 : i32 to index
        %get3A_124 = arith.constant 0 : index
        %get3A_125 = tpu.vector_load %arg8[%get3A, %get3A_124] {strides = array<i32>} : memref<16x768xf32, #tpu.memory_space<vmem>>, vector<1x16xf32>,
        %get3A_126 = vector.shape_cast %get3A_125 : vector<1x16xf32> to vector<16xf32>
        %get3A_127 = arith.index_cast %scan3A_123 : i32 to index
        %get3A_128 = arith.constant 0 : index
        %get3A_129 = tpu.vector_load %arg10[%get3A_127, %get3A_128] {strides = array<i32>} : memref<16x768xf32, #tpu.memory_space<vmem>>, vector<1x16xf32>,
        %get3A_130 = vector.shape_cast %get3A_129 : vector<1x16xf32> to vector<16xf32>
        %add3A_131 = arith.addf %get3A_126, %get3A_130 : vector<16xf32>
        %swap3A = arith.index_cast %scan3A_123 : i32 to index
        %swap3A_132 = arith.constant 0 : index
        %swap3A_133 = tpu.vector_load %arg12[%swap3A, %swap3A_132] {strides = array<i32>} : memref<16x768xf32, #tpu.memory_space<vmem>>, vector<1x16xf32>,
        %swap3A_134 = vector.shape_cast %swap3A_133 : vector<1x16xf32> to vector<16xf32>
        %swap3A_135 = vector.shape_cast %add3A_131 : vector<16xf32> to vector<1x16xf32>
        tpu.vector_store %arg12[%swap3A, %swap3A_132], %swap3A_135 {strides = array<i32>} : memref<16x768xf32, #tpu.memory_space<vmem>>, vector<1x16xf32>,
        %get3A_136 = arith.index_cast %scan3A_123 : i32 to index
        %get3A_137 = arith.constant 16 : index
        %get3A_138 = tpu.vector_load %arg8[%get3A_136, %get3A_137] {strides = array<i32>} : memref<16x768xf32, #tpu.memory_space<vmem>>, vector<1x16xf32>,
        %get3A_139 = vector.shape_cast %get3A_138 : vector<1x16xf32> to vector<16xf32>
        %get3A_140 = arith.index_cast %scan3A_123 : i32 to index
        %get3A_141 = arith.constant 16 : index
        %get3A_142 = tpu.vector_load %arg10[%get3A_140, %get3A_141] {strides = array<i32>} : memref<16x768xf32, #tpu.memory_space<vmem>>, vector<1x16xf32>,
        %get3A_143 = vector.shape_cast %get3A_142 : vector<1x16xf32> to vector<16xf32>
        %add3A_144 = arith.addf %get3A_139, %get3A_143 : vector<16xf32>
        %swap3A_145 = arith.index_cast %scan3A_123 : i32 to index
        %swap3A_146 = arith.constant 16 : index
        %swap3A_147 = tpu.vector_load %arg12[%swap3A_145, %swap3A_146] {strides = array<i32>} : memref<16x768xf32, #tpu.memory_space<vmem>>, vector<1x16xf32>,
        %swap3A_148 = vector.shape_cast %swap3A_147 : vector<1x16xf32> to vector<16xf32>
        %swap3A_149 = vector.shape_cast %add3A_144 : vector<16xf32> to vector<1x16xf32>
        tpu.vector_store %arg12[%swap3A_145, %swap3A_146], %swap3A_149 {strides = array<i32>} : memref<16x768xf32, #tpu.memory_space<vmem>>, vector<1x16xf32>,
        %get3A_150 = arith.index_cast %scan3A_123 : i32 to index
        %get3A_151 = arith.constant 32 : index
        %get3A_152 = tpu.vector_load %arg8[%get3A_150, %get3A_151] {strides = array<i32>} : memref<16x768xf32, #tpu.memory_space<vmem>>, vector<1x16xf32>,
        %get3A_153 = vector.shape_cast %get3A_152 : vector<1x16xf32> to vector<16xf32>
        %get3A_154 = arith.index_cast %scan3A_123 : i32 to index
        %get3A_155 = arith.constant 32 : index
        %get3A_156 = tpu.vector_load %arg10[%get3A_154, %get3A_155] {strides = array<i32>} : memref<16x768xf32, #tpu.memory_space<vmem>>, vector<1x16xf32>,
        %get3A_157 = vector.shape_cast %get3A_156 : vector<1x16xf32> to vector<16xf32>
        %add3A_158 = arith.addf %get3A_153, %get3A_157 : vector<16xf32>
        %swap3A_159 = arith.index_cast %scan3A_123 : i32 to index
        %swap3A_160 = arith.constant 32 : index
        %swap3A_161 = tpu.vector_load %arg12[%swap3A_159, %swap3A_160] {strides = array<i32>} : memref<16x768xf32, #tpu.memory_space<vmem>>, vector<1x16xf32>,
        %swap3A_162 = vector.shape_cast %swap3A_161 : vector<1x16xf32> to vector<16xf32>
        %swap3A_163 = vector.shape_cast %add3A_158 : vector<16xf32> to vector<1x16xf32>
        tpu.vector_store %arg12[%swap3A_159, %swap3A_160], %swap3A_163 {strides = array<i32>} : memref<16x768xf32, #tpu.memory_space<vmem>>, vector<1x16xf32>,
        %get3A_164 = arith.index_cast %scan3A_123 : i32 to index
        %get3A_165 = arith.constant 48 : index
        %get3A_166 = tpu.vector_load %arg8[%get3A_164, %get3A_165] {strides = array<i32>} : memref<16x768xf32, #tpu.memory_space<vmem>>, vector<1x16xf32>,
        %get3A_167 = vector.shape_cast %get3A_166 : vector<1x16xf32> to vector<16xf32>
        %get3A_168 = arith.index_cast %scan3A_123 : i32 to index
        %get3A_169 = arith.constant 48 : index
        %get3A_170 = tpu.vector_load %arg10[%get3A_168, %get3A_169] {strides = array<i32>} : memref<16x768xf32, #tpu.memory_space<vmem>>, vector<1x16xf32>,
        %get3A_171 = vector.shape_cast %get3A_170 : vector<1x16xf32> to vector<16xf32>
        %add3A_172 = arith.addf %get3A_167, %get3A_171 : vector<16xf32>
        %swap3A_173 = arith.index_cast %scan3A_123 : i32 to index
        %swap3A_174 = arith.constant 48 : index
        %swap3A_175 = tpu.vector_load %arg12[%swap3A_173, %swap3A_174] {strides = array<i32>} : memref<16x768xf32, #tpu.memory_space<vmem>>, vector<1x16xf32>,
        %swap3A_176 = vector.shape_cast %swap3A_175 : vector<1x16xf32> to vector<16xf32>
        %swap3A_177 = vector.shape_cast %add3A_172 : vector<16xf32> to vector<1x16xf32>
        tpu.vector_store %arg12[%swap3A_173, %swap3A_174], %swap3A_177 {strides = array<i32>} : memref<16x768xf32, #tpu.memory_space<vmem>>, vector<1x16xf32>,
        %get3A_178 = arith.index_cast %scan3A_123 : i32 to index
        %get3A_179 = arith.constant 64 : index
        %get3A_180 = tpu.vector_load %arg8[%get3A_178, %get3A_179] {strides = array<i32>} : memref<16x768xf32, #tpu.memory_space<vmem>>, vector<1x16xf32>,
        %get3A_181 = vector.shape_cast %get3A_180 : vector<1x16xf32> to vector<16xf32>
        %get3A_182 = arith.index_cast %scan3A_123 : i32 to index
        %get3A_183 = arith.constant 64 : index
        %get3A_184 = tpu.vector_load %arg10[%get3A_182, %get3A_183] {strides = array<i32>} : memref<16x768xf32, #tpu.memory_space<vmem>>, vector<1x16xf32>,
        %get3A_185 = vector.shape_cast %get3A_184 : vector<1x16xf32> to vector<16xf32>
        %add3A_186 = arith.addf %get3A_181, %get3A_185 : vector<16xf32>
        %swap3A_187 = arith.index_cast %scan3A_123 : i32 to index
        %swap3A_188 = arith.constant 64 : index
        %swap3A_189 = tpu.vector_load %arg12[%swap3A_187, %swap3A_188] {strides = array<i32>} : memref<16x768xf32, #tpu.memory_space<vmem>>, vector<1x16xf32>,
        %swap3A_190 = vector.shape_cast %swap3A_189 : vector<1x16xf32> to vector<16xf32>
        %swap3A_191 = vector.shape_cast %add3A_186 : vector<16xf32> to vector<1x16xf32>
        tpu.vector_store %arg12[%swap3A_187, %swap3A_188], %swap3A_191 {strides = array<i32>} : memref<16x768xf32, #tpu.memory_space<vmem>>, vector<1x16xf32>,
        %get3A_192 = arith.index_cast %scan3A_123 : i32 to index
        %get3A_193 = arith.constant 80 : index
        %get3A_194 = tpu.vector_load %arg8[%get3A_192, %get3A_193] {strides = array<i32>} : memref<16x768xf32, #tpu.memory_space<vmem>>, vector<1x16xf32>,
        %get3A_195 = vector.shape_cast %get3A_194 : vector<1x16xf32> to vector<16xf32>
        %get3A_196 = arith.index_cast %scan3A_123 : i32 to index
        %get3A_197 = arith.constant 80 : index
        %get3A_198 = tpu.vector_load %arg10[%get3A_196, %get3A_197] {strides = array<i32>} : memref<16x768xf32, #tpu.memory_space<vmem>>, vector<1x16xf32>,
        %get3A_199 = vector.shape_cast %get3A_198 : vector<1x16xf32> to vector<16xf32>
        %add3A_200 = arith.addf %get3A_195, %get3A_199 : vector<16xf32>
        %swap3A_201 = arith.index_cast %scan3A_123 : i32 to index
        %swap3A_202 = arith.constant 80 : index
        %swap3A_203 = tpu.vector_load %arg12[%swap3A_201, %swap3A_202] {strides = array<i32>} : memref<16x768xf32, #tpu.memory_space<vmem>>, vector<1x16xf32>,
        %swap3A_204 = vector.shape_cast %swap3A_203 : vector<1x16xf32> to vector<16xf32>
        %swap3A_205 = vector.shape_cast %add3A_200 : vector<16xf32> to vector<1x16xf32>
        tpu.vector_store %arg12[%swap3A_201, %swap3A_202], %swap3A_205 {strides = array<i32>} : memref<16x768xf32, #tpu.memory_space<vmem>>, vector<1x16xf32>,
        %get3A_206 = arith.index_cast %scan3A_123 : i32 to index
        %get3A_207 = arith.constant 96 : index
        %get3A_208 = tpu.vector_load %arg8[%get3A_206, %get3A_207] {strides = array<i32>} : memref<16x768xf32, #tpu.memory_space<vmem>>, vector<1x16xf32>,
        %get3A_209 = vector.shape_cast %get3A_208 : vector<1x16xf32> to vector<16xf32>
        %get3A_210 = arith.index_cast %scan3A_123 : i32 to index
        %get3A_211 = arith.constant 96 : index
        %get3A_212 = tpu.vector_load %arg10[%get3A_210, %get3A_211] {strides = array<i32>} : memref<16x768xf32, #tpu.memory_space<vmem>>, vector<1x16xf32>,
        %get3A_213 = vector.shape_cast %get3A_212 : vector<1x16xf32> to vector<16xf32>
        %add3A_214 = arith.addf %get3A_209, %get3A_213 : vector<16xf32>
        %swap3A_215 = arith.index_cast %scan3A_123 : i32 to index
        %swap3A_216 = arith.constant 96 : index
        %swap3A_217 = tpu.vector_load %arg12[%swap3A_215, %swap3A_216] {strides = array<i32>} : memref<16x768xf32, #tpu.memory_space<vmem>>, vector<1x16xf32>,
        %swap3A_218 = vector.shape_cast %swap3A_217 : vector<1x16xf32> to vector<16xf32>
        %swap3A_219 = vector.shape_cast %add3A_214 : vector<16xf32> to vector<1x16xf32>
        tpu.vector_store %arg12[%swap3A_215, %swap3A_216], %swap3A_219 {strides = array<i32>} : memref<16x768xf32, #tpu.memory_space<vmem>>, vector<1x16xf32>,
        %get3A_220 = arith.index_cast %scan3A_123 : i32 to index
        %get3A_221 = arith.constant 112 : index
        %get3A_222 = tpu.vector_load %arg8[%get3A_220, %get3A_221] {strides = array<i32>} : memref<16x768xf32, #tpu.memory_space<vmem>>, vector<1x16xf32>,
        %get3A_223 = vector.shape_cast %get3A_222 : vector<1x16xf32> to vector<16xf32>
        %get3A_224 = arith.index_cast %scan3A_123 : i32 to index
        %get3A_225 = arith.constant 112 : index
        %get3A_226 = tpu.vector_load %arg10[%get3A_224, %get3A_225] {strides = array<i32>} : memref<16x768xf32, #tpu.memory_space<vmem>>, vector<1x16xf32>,
        %get3A_227 = vector.shape_cast %get3A_226 : vector<1x16xf32> to vector<16xf32>
        %add3A_228 = arith.addf %get3A_223, %get3A_227 : vector<16xf32>
        %swap3A_229 = arith.index_cast %scan3A_123 : i32 to index
        %swap3A_230 = arith.constant 112 : index
        %swap3A_231 = tpu.vector_load %arg12[%swap3A_229, %swap3A_230] {strides = array<i32>} : memref<16x768xf32, #tpu.memory_space<vmem>>, vector<1x16xf32>,
        %swap3A_232 = vector.shape_cast %swap3A_231 : vector<1x16xf32> to vector<16xf32>
        %swap3A_233 = vector.shape_cast %add3A_228 : vector<16xf32> to vector<1x16xf32>
        tpu.vector_store %arg12[%swap3A_229, %swap3A_230], %swap3A_233 {strides = array<i32>} : memref<16x768xf32, #tpu.memory_space<vmem>>, vector<1x16xf32>,
        %get3A_234 = arith.index_cast %scan3A_123 : i32 to index
        %get3A_235 = arith.constant 128 : index
        %get3A_236 = tpu.vector_load %arg8[%get3A_234, %get3A_235] {strides = array<i32>} : memref<16x768xf32, #tpu.memory_space<vmem>>, vector<1x16xf32>,
        %get3A_237 = vector.shape_cast %get3A_236 : vector<1x16xf32> to vector<16xf32>
        %get3A_238 = arith.index_cast %scan3A_123 : i32 to index
        %get3A_239 = arith.constant 128 : index
        %get3A_240 = tpu.vector_load %arg10[%get3A_238, %get3A_239] {strides = array<i32>} : memref<16x768xf32, #tpu.memory_space<vmem>>, vector<1x16xf32>,
        %get3A_241 = vector.shape_cast %get3A_240 : vector<1x16xf32> to vector<16xf32>
        %add3A_242 = arith.addf %get3A_237, %get3A_241 : vector<16xf32>
        %swap3A_243 = arith.index_cast %scan3A_123 : i32 to index
        %swap3A_244 = arith.constant 128 : index
        %swap3A_245 = tpu.vector_load %arg12[%swap3A_243, %swap3A_244] {strides = array<i32>} : memref<16x768xf32, #tpu.memory_space<vmem>>, vector<1x16xf32>,
        %swap3A_246 = vector.shape_cast %swap3A_245 : vector<1x16xf32> to vector<16xf32>
        %swap3A_247 = vector.shape_cast %add3A_242 : vector<16xf32> to vector<1x16xf32>
        tpu.vector_store %arg12[%swap3A_243, %swap3A_244], %swap3A_247 {strides = array<i32>} : memref<16x768xf32, #tpu.memory_space<vmem>>, vector<1x16xf32>,
        %get3A_248 = arith.index_cast %scan3A_123 : i32 to index
        %get3A_249 = arith.constant 144 : index
        %get3A_250 = tpu.vector_load %arg8[%get3A_248, %get3A_249] {strides = array<i32>} : memref<16x768xf32, #tpu.memory_space<vmem>>, vector<1x16xf32>,
        %get3A_251 = vector.shape_cast %get3A_250 : vector<1x16xf32> to vector<16xf32>
        %get3A_252 = arith.index_cast %scan3A_123 : i32 to index
        %get3A_253 = arith.constant 144 : index
        %get3A_254 = tpu.vector_load %arg10[%get3A_252, %get3A_253] {strides = array<i32>} : memref<16x768xf32, #tpu.memory_space<vmem>>, vector<1x16xf32>,
        %get3A_255 = vector.shape_cast %get3A_254 : vector<1x16xf32> to vector<16xf32>
        %add3A_256 = arith.addf %get3A_251, %get3A_255 : vector<16xf32>
        %swap3A_257 = arith.index_cast %scan3A_123 : i32 to index
        %swap3A_258 = arith.constant 144 : index
        %swap3A_259 = tpu.vector_load %arg12[%swap3A_257, %swap3A_258] {strides = array<i32>} : memref<16x768xf32, #tpu.memory_space<vmem>>, vector<1x16xf32>,
        %swap3A_260 = vector.shape_cast %swap3A_259 : vector<1x16xf32> to vector<16xf32>
        %swap3A_261 = vector.shape_cast %add3A_256 : vector<16xf32> to vector<1x16xf32>
        tpu.vector_store %arg12[%swap3A_257, %swap3A_258], %swap3A_261 {strides = array<i32>} : memref<16x768xf32, #tpu.memory_space<vmem>>, vector<1x16xf32>,
        %get3A_262 = arith.index_cast %scan3A_123 : i32 to index
        %get3A_263 = arith.constant 160 : index
        %get3A_264 = tpu.vector_load %arg8[%get3A_262, %get3A_263] {strides = array<i32>} : memref<16x768xf32, #tpu.memory_space<vmem>>, vector<1x16xf32>,
        %get3A_265 = vector.shape_cast %get3A_264 : vector<1x16xf32> to vector<16xf32>
        %get3A_266 = arith.index_cast %scan3A_123 : i32 to index
        %get3A_267 = arith.constant 160 : index
        %get3A_268 = tpu.vector_load %arg10[%get3A_266, %get3A_267] {strides = array<i32>} : memref<16x768xf32, #tpu.memory_space<vmem>>, vector<1x16xf32>,
        %get3A_269 = vector.shape_cast %get3A_268 : vector<1x16xf32> to vector<16xf32>
        %add3A_270 = arith.addf %get3A_265, %get3A_269 : vector<16xf32>
        %swap3A_271 = arith.index_cast %scan3A_123 : i32 to index
        %swap3A_272 = arith.constant 160 : index
        %swap3A_273 = tpu.vector_load %arg12[%swap3A_271, %swap3A_272] {strides = array<i32>} : memref<16x768xf32, #tpu.memory_space<vmem>>, vector<1x16xf32>,
        %swap3A_274 = vector.shape_cast %swap3A_273 : vector<1x16xf32> to vector<16xf32>
        %swap3A_275 = vector.shape_cast %add3A_270 : vector<16xf32> to vector<1x16xf32>
        tpu.vector_store %arg12[%swap3A_271, %swap3A_272], %swap3A_275 {strides = array<i32>} : memref<16x768xf32, #tpu.memory_space<vmem>>, vector<1x16xf32>,
        %get3A_276 = arith.index_cast %scan3A_123 : i32 to index
        %get3A_277 = arith.constant 176 : index
        %get3A_278 = tpu.vector_load %arg8[%get3A_276, %get3A_277] {strides = array<i32>} : memref<16x768xf32, #tpu.memory_space<vmem>>, vector<1x16xf32>,
        %get3A_279 = vector.shape_cast %get3A_278 : vector<1x16xf32> to vector<16xf32>
        %get3A_280 = arith.index_cast %scan3A_123 : i32 to index
        %get3A_281 = arith.constant 176 : index
        %get3A_282 = tpu.vector_load %arg10[%get3A_280, %get3A_281] {strides = array<i32>} : memref<16x768xf32, #tpu.memory_space<vmem>>, vector<1x16xf32>,
        %get3A_283 = vector.shape_cast %get3A_282 : vector<1x16xf32> to vector<16xf32>
        %add3A_284 = arith.addf %get3A_279, %get3A_283 : vector<16xf32>
        %swap3A_285 = arith.index_cast %scan3A_123 : i32 to index
        %swap3A_286 = arith.constant 176 : index
        %swap3A_287 = tpu.vector_load %arg12[%swap3A_285, %swap3A_286] {strides = array<i32>} : memref<16x768xf32, #tpu.memory_space<vmem>>, vector<1x16xf32>,
        %swap3A_288 = vector.shape_cast %swap3A_287 : vector<1x16xf32> to vector<16xf32>
        %swap3A_289 = vector.shape_cast %add3A_284 : vector<16xf32> to vector<1x16xf32>
        tpu.vector_store %arg12[%swap3A_285, %swap3A_286], %swap3A_289 {strides = array<i32>} : memref<16x768xf32, #tpu.memory_space<vmem>>, vector<1x16xf32>,
        %get3A_290 = arith.index_cast %scan3A_123 : i32 to index
        %get3A_291 = arith.constant 192 : index
        %get3A_292 = tpu.vector_load %arg8[%get3A_290, %get3A_291] {strides = array<i32>} : memref<16x768xf32, #tpu.memory_space<vmem>>, vector<1x16xf32>,
        %get3A_293 = vector.shape_cast %get3A_292 : vector<1x16xf32> to vector<16xf32>
        %get3A_294 = arith.index_cast %scan3A_123 : i32 to index
        %get3A_295 = arith.constant 192 : index
        %get3A_296 = tpu.vector_load %arg10[%get3A_294, %get3A_295] {strides = array<i32>} : memref<16x768xf32, #tpu.memory_space<vmem>>, vector<1x16xf32>,
        %get3A_297 = vector.shape_cast %get3A_296 : vector<1x16xf32> to vector<16xf32>
        %add3A_298 = arith.addf %get3A_293, %get3A_297 : vector<16xf32>
        %swap3A_299 = arith.index_cast %scan3A_123 : i32 to index
        %swap3A_300 = arith.constant 192 : index
        %swap3A_301 = tpu.vector_load %arg12[%swap3A_299, %swap3A_300] {strides = array<i32>} : memref<16x768xf32, #tpu.memory_space<vmem>>, vector<1x16xf32>,
        %swap3A_302 = vector.shape_cast %swap3A_301 : vector<1x16xf32> to vector<16xf32>
        %swap3A_303 = vector.shape_cast %add3A_298 : vector<16xf32> to vector<1x16xf32>
        tpu.vector_store %arg12[%swap3A_299, %swap3A_300], %swap3A_303 {strides = array<i32>} : memref<16x768xf32, #tpu.memory_space<vmem>>, vector<1x16xf32>,
        %get3A_304 = arith.index_cast %scan3A_123 : i32 to index
        %get3A_305 = arith.constant 208 : index
        %get3A_306 = tpu.vector_load %arg8[%get3A_304, %get3A_305] {strides = array<i32>} : memref<16x768xf32, #tpu.memory_space<vmem>>, vector<1x16xf32>,
        %get3A_307 = vector.shape_cast %get3A_306 : vector<1x16xf32> to vector<16xf32>
        %get3A_308 = arith.index_cast %scan3A_123 : i32 to index
        %get3A_309 = arith.constant 208 : index
        %get3A_310 = tpu.vector_load %arg10[%get3A_308, %get3A_309] {strides = array<i32>} : memref<16x768xf32, #tpu.memory_space<vmem>>, vector<1x16xf32>,
        %get3A_311 = vector.shape_cast %get3A_310 : vector<1x16xf32> to vector<16xf32>
        %add3A_312 = arith.addf %get3A_307, %get3A_311 : vector<16xf32>
        %swap3A_313 = arith.index_cast %scan3A_123 : i32 to index
        %swap3A_314 = arith.constant 208 : index
        %swap3A_315 = tpu.vector_load %arg12[%swap3A_313, %swap3A_314] {strides = array<i32>} : memref<16x768xf32, #tpu.memory_space<vmem>>, vector<1x16xf32>,
        %swap3A_316 = vector.shape_cast %swap3A_315 : vector<1x16xf32> to vector<16xf32>
        %swap3A_317 = vector.shape_cast %add3A_312 : vector<16xf32> to vector<1x16xf32>
        tpu.vector_store %arg12[%swap3A_313, %swap3A_314], %swap3A_317 {strides = array<i32>} : memref<16x768xf32, #tpu.memory_space<vmem>>, vector<1x16xf32>,
        %get3A_318 = arith.index_cast %scan3A_123 : i32 to index
        %get3A_319 = arith.constant 224 : index
        %get3A_320 = tpu.vector_load %arg8[%get3A_318, %get3A_319] {strides = array<i32>} : memref<16x768xf32, #tpu.memory_space<vmem>>, vector<1x16xf32>,
        %get3A_321 = vector.shape_cast %get3A_320 : vector<1x16xf32> to vector<16xf32>
        %get3A_322 = arith.index_cast %scan3A_123 : i32 to index
        %get3A_323 = arith.constant 224 : index
        %get3A_324 = tpu.vector_load %arg10[%get3A_322, %get3A_323] {strides = array<i32>} : memref<16x768xf32, #tpu.memory_space<vmem>>, vector<1x16xf32>,
        %get3A_325 = vector.shape_cast %get3A_324 : vector<1x16xf32> to vector<16xf32>
        %add3A_326 = arith.addf %get3A_321, %get3A_325 : vector<16xf32>
        %swap3A_327 = arith.index_cast %scan3A_123 : i32 to index
        %swap3A_328 = arith.constant 224 : index
        %swap3A_329 = tpu.vector_load %arg12[%swap3A_327, %swap3A_328] {strides = array<i32>} : memref<16x768xf32, #tpu.memory_space<vmem>>, vector<1x16xf32>,
        %swap3A_330 = vector.shape_cast %swap3A_329 : vector<1x16xf32> to vector<16xf32>
        %swap3A_331 = vector.shape_cast %add3A_326 : vector<16xf32> to vector<1x16xf32>
        tpu.vector_store %arg12[%swap3A_327, %swap3A_328], %swap3A_331 {strides = array<i32>} : memref<16x768xf32, #tpu.memory_space<vmem>>, vector<1x16xf32>,
        %get3A_332 = arith.index_cast %scan3A_123 : i32 to index
        %get3A_333 = arith.constant 240 : index
        %get3A_334 = tpu.vector_load %arg8[%get3A_332, %get3A_333] {strides = array<i32>} : memref<16x768xf32, #tpu.memory_space<vmem>>, vector<1x16xf32>,
        %get3A_335 = vector.shape_cast %get3A_334 : vector<1x16xf32> to vector<16xf32>
        %get3A_336 = arith.index_cast %scan3A_123 : i32 to index
        %get3A_337 = arith.constant 240 : index
        %get3A_338 = tpu.vector_load %arg10[%get3A_336, %get3A_337] {strides = array<i32>} : memref<16x768xf32, #tpu.memory_space<vmem>>, vector<1x16xf32>,
        %get3A_339 = vector.shape_cast %get3A_338 : vector<1x16xf32> to vector<16xf32>
        %add3A_340 = arith.addf %get3A_335, %get3A_339 : vector<16xf32>
        %swap3A_341 = arith.index_cast %scan3A_123 : i32 to index
        %swap3A_342 = arith.constant 240 : index
        %swap3A_343 = tpu.vector_load %arg12[%swap3A_341, %swap3A_342] {strides = array<i32>} : memref<16x768xf32, #tpu.memory_space<vmem>>, vector<1x16xf32>,
        %swap3A_344 = vector.shape_cast %swap3A_343 : vector<1x16xf32> to vector<16xf32>
        %swap3A_345 = vector.shape_cast %add3A_340 : vector<16xf32> to vector<1x16xf32>
        tpu.vector_store %arg12[%swap3A_341, %swap3A_342], %swap3A_345 {strides = array<i32>} : memref<16x768xf32, #tpu.memory_space<vmem>>, vector<1x16xf32>,
        %get3A_346 = arith.index_cast %scan3A_123 : i32 to index
        %get3A_347 = arith.constant 256 : index
        %get3A_348 = tpu.vector_load %arg8[%get3A_346, %get3A_347] {strides = array<i32>} : memref<16x768xf32, #tpu.memory_space<vmem>>, vector<1x16xf32>,
        %get3A_349 = vector.shape_cast %get3A_348 : vector<1x16xf32> to vector<16xf32>
        %get3A_350 = arith.index_cast %scan3A_123 : i32 to index
        %get3A_351 = arith.constant 256 : index
        %get3A_352 = tpu.vector_load %arg10[%get3A_350, %get3A_351] {strides = array<i32>} : memref<16x768xf32, #tpu.memory_space<vmem>>, vector<1x16xf32>,
        %get3A_353 = vector.shape_cast %get3A_352 : vector<1x16xf32> to vector<16xf32>
        %add3A_354 = arith.addf %get3A_349, %get3A_353 : vector<16xf32>
        %swap3A_355 = arith.index_cast %scan3A_123 : i32 to index
        %swap3A_356 = arith.constant 256 : index
        %swap3A_357 = tpu.vector_load %arg12[%swap3A_355, %swap3A_356] {strides = array<i32>} : memref<16x768xf32, #tpu.memory_space<vmem>>, vector<1x16xf32>,
        %swap3A_358 = vector.shape_cast %swap3A_357 : vector<1x16xf32> to vector<16xf32>
        %swap3A_359 = vector.shape_cast %add3A_354 : vector<16xf32> to vector<1x16xf32>
        tpu.vector_store %arg12[%swap3A_355, %swap3A_356], %swap3A_359 {strides = array<i32>} : memref<16x768xf32, #tpu.memory_space<vmem>>, vector<1x16xf32>,
        %get3A_360 = arith.index_cast %scan3A_123 : i32 to index
        %get3A_361 = arith.constant 272 : index
        %get3A_362 = tpu.vector_load %arg8[%get3A_360, %get3A_361] {strides = array<i32>} : memref<16x768xf32, #tpu.memory_space<vmem>>, vector<1x16xf32>,
        %get3A_363 = vector.shape_cast %get3A_362 : vector<1x16xf32> to vector<16xf32>
        %get3A_364 = arith.index_cast %scan3A_123 : i32 to index
        %get3A_365 = arith.constant 272 : index
        %get3A_366 = tpu.vector_load %arg10[%get3A_364, %get3A_365] {strides = array<i32>} : memref<16x768xf32, #tpu.memory_space<vmem>>, vector<1x16xf32>,
        %get3A_367 = vector.shape_cast %get3A_366 : vector<1x16xf32> to vector<16xf32>
        %add3A_368 = arith.addf %get3A_363, %get3A_367 : vector<16xf32>
        %swap3A_369 = arith.index_cast %scan3A_123 : i32 to index
        %swap3A_370 = arith.constant 272 : index
        %swap3A_371 = tpu.vector_load %arg12[%swap3A_369, %swap3A_370] {strides = array<i32>} : memref<16x768xf32, #tpu.memory_space<vmem>>, vector<1x16xf32>,
        %swap3A_372 = vector.shape_cast %swap3A_371 : vector<1x16xf32> to vector<16xf32>
        %swap3A_373 = vector.shape_cast %add3A_368 : vector<16xf32> to vector<1x16xf32>
        tpu.vector_store %arg12[%swap3A_369, %swap3A_370], %swap3A_373 {strides = array<i32>} : memref<16x768xf32, #tpu.memory_space<vmem>>, vector<1x16xf32>,
        %get3A_374 = arith.index_cast %scan3A_123 : i32 to index
        %get3A_375 = arith.constant 288 : index
        %get3A_376 = tpu.vector_load %arg8[%get3A_374, %get3A_375] {strides = array<i32>} : memref<16x768xf32, #tpu.memory_space<vmem>>, vector<1x16xf32>,
        %get3A_377 = vector.shape_cast %get3A_376 : vector<1x16xf32> to vector<16xf32>
        %get3A_378 = arith.index_cast %scan3A_123 : i32 to index
        %get3A_379 = arith.constant 288 : index
        %get3A_380 = tpu.vector_load %arg10[%get3A_378, %get3A_379] {strides = array<i32>} : memref<16x768xf32, #tpu.memory_space<vmem>>, vector<1x16xf32>,
        %get3A_381 = vector.shape_cast %get3A_380 : vector<1x16xf32> to vector<16xf32>
        %add3A_382 = arith.addf %get3A_377, %get3A_381 : vector<16xf32>
        %swap3A_383 = arith.index_cast %scan3A_123 : i32 to index
        %swap3A_384 = arith.constant 288 : index
        %swap3A_385 = tpu.vector_load %arg12[%swap3A_383, %swap3A_384] {strides = array<i32>} : memref<16x768xf32, #tpu.memory_space<vmem>>, vector<1x16xf32>,
        %swap3A_386 = vector.shape_cast %swap3A_385 : vector<1x16xf32> to vector<16xf32>
        %swap3A_387 = vector.shape_cast %add3A_382 : vector<16xf32> to vector<1x16xf32>
        tpu.vector_store %arg12[%swap3A_383, %swap3A_384], %swap3A_387 {strides = array<i32>} : memref<16x768xf32, #tpu.memory_space<vmem>>, vector<1x16xf32>,
        %get3A_388 = arith.index_cast %scan3A_123 : i32 to index
        %get3A_389 = arith.constant 304 : index
        %get3A_390 = tpu.vector_load %arg8[%get3A_388, %get3A_389] {strides = array<i32>} : memref<16x768xf32, #tpu.memory_space<vmem>>, vector<1x16xf32>,
        %get3A_391 = vector.shape_cast %get3A_390 : vector<1x16xf32> to vector<16xf32>
        %get3A_392 = arith.index_cast %scan3A_123 : i32 to index
        %get3A_393 = arith.constant 304 : index
        %get3A_394 = tpu.vector_load %arg10[%get3A_392, %get3A_393] {strides = array<i32>} : memref<16x768xf32, #tpu.memory_space<vmem>>, vector<1x16xf32>,
        %get3A_395 = vector.shape_cast %get3A_394 : vector<1x16xf32> to vector<16xf32>
        %add3A_396 = arith.addf %get3A_391, %get3A_395 : vector<16xf32>
        %swap3A_397 = arith.index_cast %scan3A_123 : i32 to index
        %swap3A_398 = arith.constant 304 : index
        %swap3A_399 = tpu.vector_load %arg12[%swap3A_397, %swap3A_398] {strides = array<i32>} : memref<16x768xf32, #tpu.memory_space<vmem>>, vector<1x16xf32>,
        %swap3A_400 = vector.shape_cast %swap3A_399 : vector<1x16xf32> to vector<16xf32>
        %swap3A_401 = vector.shape_cast %add3A_396 : vector<16xf32> to vector<1x16xf32>
        tpu.vector_store %arg12[%swap3A_397, %swap3A_398], %swap3A_401 {strides = array<i32>} : memref<16x768xf32, #tpu.memory_space<vmem>>, vector<1x16xf32>,
        %get3A_402 = arith.index_cast %scan3A_123 : i32 to index
        %get3A_403 = arith.constant 320 : index
        %get3A_404 = tpu.vector_load %arg8[%get3A_402, %get3A_403] {strides = array<i32>} : memref<16x768xf32, #tpu.memory_space<vmem>>, vector<1x16xf32>,
        %get3A_405 = vector.shape_cast %get3A_404 : vector<1x16xf32> to vector<16xf32>
        %get3A_406 = arith.index_cast %scan3A_123 : i32 to index
        %get3A_407 = arith.constant 320 : index
        %get3A_408 = tpu.vector_load %arg10[%get3A_406, %get3A_407] {strides = array<i32>} : memref<16x768xf32, #tpu.memory_space<vmem>>, vector<1x16xf32>,
        %get3A_409 = vector.shape_cast %get3A_408 : vector<1x16xf32> to vector<16xf32>
        %add3A_410 = arith.addf %get3A_405, %get3A_409 : vector<16xf32>
        %swap3A_411 = arith.index_cast %scan3A_123 : i32 to index
        %swap3A_412 = arith.constant 320 : index
        %swap3A_413 = tpu.vector_load %arg12[%swap3A_411, %swap3A_412] {strides = array<i32>} : memref<16x768xf32, #tpu.memory_space<vmem>>, vector<1x16xf32>,
        %swap3A_414 = vector.shape_cast %swap3A_413 : vector<1x16xf32> to vector<16xf32>
        %swap3A_415 = vector.shape_cast %add3A_410 : vector<16xf32> to vector<1x16xf32>
        tpu.vector_store %arg12[%swap3A_411, %swap3A_412], %swap3A_415 {strides = array<i32>} : memref<16x768xf32, #tpu.memory_space<vmem>>, vector<1x16xf32>,
        %get3A_416 = arith.index_cast %scan3A_123 : i32 to index
        %get3A_417 = arith.constant 336 : index
        %get3A_418 = tpu.vector_load %arg8[%get3A_416, %get3A_417] {strides = array<i32>} : memref<16x768xf32, #tpu.memory_space<vmem>>, vector<1x16xf32>,
        %get3A_419 = vector.shape_cast %get3A_418 : vector<1x16xf32> to vector<16xf32>
        %get3A_420 = arith.index_cast %scan3A_123 : i32 to index
        %get3A_421 = arith.constant 336 : index
        %get3A_422 = tpu.vector_load %arg10[%get3A_420, %get3A_421] {strides = array<i32>} : memref<16x768xf32, #tpu.memory_space<vmem>>, vector<1x16xf32>,
        %get3A_423 = vector.shape_cast %get3A_422 : vector<1x16xf32> to vector<16xf32>
        %add3A_424 = arith.addf %get3A_419, %get3A_423 : vector<16xf32>
        %swap3A_425 = arith.index_cast %scan3A_123 : i32 to index
        %swap3A_426 = arith.constant 336 : index
        %swap3A_427 = tpu.vector_load %arg12[%swap3A_425, %swap3A_426] {strides = array<i32>} : memref<16x768xf32, #tpu.memory_space<vmem>>, vector<1x16xf32>,
        %swap3A_428 = vector.shape_cast %swap3A_427 : vector<1x16xf32> to vector<16xf32>
        %swap3A_429 = vector.shape_cast %add3A_424 : vector<16xf32> to vector<1x16xf32>
        tpu.vector_store %arg12[%swap3A_425, %swap3A_426], %swap3A_429 {strides = array<i32>} : memref<16x768xf32, #tpu.memory_space<vmem>>, vector<1x16xf32>,
        %get3A_430 = arith.index_cast %scan3A_123 : i32 to index
        %get3A_431 = arith.constant 352 : index
        %get3A_432 = tpu.vector_load %arg8[%get3A_430, %get3A_431] {strides = array<i32>} : memref<16x768xf32, #tpu.memory_space<vmem>>, vector<1x16xf32>,
        %get3A_433 = vector.shape_cast %get3A_432 : vector<1x16xf32> to vector<16xf32>
        %get3A_434 = arith.index_cast %scan3A_123 : i32 to index
        %get3A_435 = arith.constant 352 : index
        %get3A_436 = tpu.vector_load %arg10[%get3A_434, %get3A_435] {strides = array<i32>} : memref<16x768xf32, #tpu.memory_space<vmem>>, vector<1x16xf32>,
        %get3A_437 = vector.shape_cast %get3A_436 : vector<1x16xf32> to vector<16xf32>
        %add3A_438 = arith.addf %get3A_433, %get3A_437 : vector<16xf32>
        %swap3A_439 = arith.index_cast %scan3A_123 : i32 to index
        %swap3A_440 = arith.constant 352 : index
        %swap3A_441 = tpu.vector_load %arg12[%swap3A_439, %swap3A_440] {strides = array<i32>} : memref<16x768xf32, #tpu.memory_space<vmem>>, vector<1x16xf32>,
        %swap3A_442 = vector.shape_cast %swap3A_441 : vector<1x16xf32> to vector<16xf32>
        %swap3A_443 = vector.shape_cast %add3A_438 : vector<16xf32> to vector<1x16xf32>
        tpu.vector_store %arg12[%swap3A_439, %swap3A_440], %swap3A_443 {strides = array<i32>} : memref<16x768xf32, #tpu.memory_space<vmem>>, vector<1x16xf32>,
        %get3A_444 = arith.index_cast %scan3A_123 : i32 to index
        %get3A_445 = arith.constant 368 : index
        %get3A_446 = tpu.vector_load %arg8[%get3A_444, %get3A_445] {strides = array<i32>} : memref<16x768xf32, #tpu.memory_space<vmem>>, vector<1x16xf32>,
        %get3A_447 = vector.shape_cast %get3A_446 : vector<1x16xf32> to vector<16xf32>
        %get3A_448 = arith.index_cast %scan3A_123 : i32 to index
        %get3A_449 = arith.constant 368 : index
        %get3A_450 = tpu.vector_load %arg10[%get3A_448, %get3A_449] {strides = array<i32>} : memref<16x768xf32, #tpu.memory_space<vmem>>, vector<1x16xf32>,
        %get3A_451 = vector.shape_cast %get3A_450 : vector<1x16xf32> to vector<16xf32>
        %add3A_452 = arith.addf %get3A_447, %get3A_451 : vector<16xf32>
        %swap3A_453 = arith.index_cast %scan3A_123 : i32 to index
        %swap3A_454 = arith.constant 368 : index
        %swap3A_455 = tpu.vector_load %arg12[%swap3A_453, %swap3A_454] {strides = array<i32>} : memref<16x768xf32, #tpu.memory_space<vmem>>, vector<1x16xf32>,
        %swap3A_456 = vector.shape_cast %swap3A_455 : vector<1x16xf32> to vector<16xf32>
        %swap3A_457 = vector.shape_cast %add3A_452 : vector<16xf32> to vector<1x16xf32>
        tpu.vector_store %arg12[%swap3A_453, %swap3A_454], %swap3A_457 {strides = array<i32>} : memref<16x768xf32, #tpu.memory_space<vmem>>, vector<1x16xf32>,
        %get3A_458 = arith.index_cast %scan3A_123 : i32 to index
        %get3A_459 = arith.constant 384 : index
        %get3A_460 = tpu.vector_load %arg8[%get3A_458, %get3A_459] {strides = array<i32>} : memref<16x768xf32, #tpu.memory_space<vmem>>, vector<1x16xf32>,
        %get3A_461 = vector.shape_cast %get3A_460 : vector<1x16xf32> to vector<16xf32>
        %get3A_462 = arith.index_cast %scan3A_123 : i32 to index
        %get3A_463 = arith.constant 384 : index
        %get3A_464 = tpu.vector_load %arg10[%get3A_462, %get3A_463] {strides = array<i32>} : memref<16x768xf32, #tpu.memory_space<vmem>>, vector<1x16xf32>,
        %get3A_465 = vector.shape_cast %get3A_464 : vector<1x16xf32> to vector<16xf32>
        %add3A_466 = arith.addf %get3A_461, %get3A_465 : vector<16xf32>
        %swap3A_467 = arith.index_cast %scan3A_123 : i32 to index
        %swap3A_468 = arith.constant 384 : index
        %swap3A_469 = tpu.vector_load %arg12[%swap3A_467, %swap3A_468] {strides = array<i32>} : memref<16x768xf32, #tpu.memory_space<vmem>>, vector<1x16xf32>,
        %swap3A_470 = vector.shape_cast %swap3A_469 : vector<1x16xf32> to vector<16xf32>
        %swap3A_471 = vector.shape_cast %add3A_466 : vector<16xf32> to vector<1x16xf32>
        tpu.vector_store %arg12[%swap3A_467, %swap3A_468], %swap3A_471 {strides = array<i32>} : memref<16x768xf32, #tpu.memory_space<vmem>>, vector<1x16xf32>,
        %get3A_472 = arith.index_cast %scan3A_123 : i32 to index
        %get3A_473 = arith.constant 400 : index
        %get3A_474 = tpu.vector_load %arg8[%get3A_472, %get3A_473] {strides = array<i32>} : memref<16x768xf32, #tpu.memory_space<vmem>>, vector<1x16xf32>,
        %get3A_475 = vector.shape_cast %get3A_474 : vector<1x16xf32> to vector<16xf32>
        %get3A_476 = arith.index_cast %scan3A_123 : i32 to index
        %get3A_477 = arith.constant 400 : index
        %get3A_478 = tpu.vector_load %arg10[%get3A_476, %get3A_477] {strides = array<i32>} : memref<16x768xf32, #tpu.memory_space<vmem>>, vector<1x16xf32>,
        %get3A_479 = vector.shape_cast %get3A_478 : vector<1x16xf32> to vector<16xf32>
        %add3A_480 = arith.addf %get3A_475, %get3A_479 : vector<16xf32>
        %swap3A_481 = arith.index_cast %scan3A_123 : i32 to index
        %swap3A_482 = arith.constant 400 : index
        %swap3A_483 = tpu.vector_load %arg12[%swap3A_481, %swap3A_482] {strides = array<i32>} : memref<16x768xf32, #tpu.memory_space<vmem>>, vector<1x16xf32>,
        %swap3A_484 = vector.shape_cast %swap3A_483 : vector<1x16xf32> to vector<16xf32>
        %swap3A_485 = vector.shape_cast %add3A_480 : vector<16xf32> to vector<1x16xf32>
        tpu.vector_store %arg12[%swap3A_481, %swap3A_482], %swap3A_485 {strides = array<i32>} : memref<16x768xf32, #tpu.memory_space<vmem>>, vector<1x16xf32>,
        %get3A_486 = arith.index_cast %scan3A_123 : i32 to index
        %get3A_487 = arith.constant 416 : index
        %get3A_488 = tpu.vector_load %arg8[%get3A_486, %get3A_487] {strides = array<i32>} : memref<16x768xf32, #tpu.memory_space<vmem>>, vector<1x16xf32>,
        %get3A_489 = vector.shape_cast %get3A_488 : vector<1x16xf32> to vector<16xf32>
        %get3A_490 = arith.index_cast %scan3A_123 : i32 to index
        %get3A_491 = arith.constant 416 : index
        %get3A_492 = tpu.vector_load %arg10[%get3A_490, %get3A_491] {strides = array<i32>} : memref<16x768xf32, #tpu.memory_space<vmem>>, vector<1x16xf32>,
        %get3A_493 = vector.shape_cast %get3A_492 : vector<1x16xf32> to vector<16xf32>
        %add3A_494 = arith.addf %get3A_489, %get3A_493 : vector<16xf32>
        %swap3A_495 = arith.index_cast %scan3A_123 : i32 to index
        %swap3A_496 = arith.constant 416 : index
        %swap3A_497 = tpu.vector_load %arg12[%swap3A_495, %swap3A_496] {strides = array<i32>} : memref<16x768xf32, #tpu.memory_space<vmem>>, vector<1x16xf32>,
        %swap3A_498 = vector.shape_cast %swap3A_497 : vector<1x16xf32> to vector<16xf32>
        %swap3A_499 = vector.shape_cast %add3A_494 : vector<16xf32> to vector<1x16xf32>
        tpu.vector_store %arg12[%swap3A_495, %swap3A_496], %swap3A_499 {strides = array<i32>} : memref<16x768xf32, #tpu.memory_space<vmem>>, vector<1x16xf32>,
        %get3A_500 = arith.index_cast %scan3A_123 : i32 to index
        %get3A_501 = arith.constant 432 : index
        %get3A_502 = tpu.vector_load %arg8[%get3A_500, %get3A_501] {strides = array<i32>} : memref<16x768xf32, #tpu.memory_space<vmem>>, vector<1x16xf32>,
        %get3A_503 = vector.shape_cast %get3A_502 : vector<1x16xf32> to vector<16xf32>
        %get3A_504 = arith.index_cast %scan3A_123 : i32 to index
        %get3A_505 = arith.constant 432 : index
        %get3A_506 = tpu.vector_load %arg10[%get3A_504, %get3A_505] {strides = array<i32>} : memref<16x768xf32, #tpu.memory_space<vmem>>, vector<1x16xf32>,
        %get3A_507 = vector.shape_cast %get3A_506 : vector<1x16xf32> to vector<16xf32>
        %add3A_508 = arith.addf %get3A_503, %get3A_507 : vector<16xf32>
        %swap3A_509 = arith.index_cast %scan3A_123 : i32 to index
        %swap3A_510 = arith.constant 432 : index
        %swap3A_511 = tpu.vector_load %arg12[%swap3A_509, %swap3A_510] {strides = array<i32>} : memref<16x768xf32, #tpu.memory_space<vmem>>, vector<1x16xf32>,
        %swap3A_512 = vector.shape_cast %swap3A_511 : vector<1x16xf32> to vector<16xf32>
        %swap3A_513 = vector.shape_cast %add3A_508 : vector<16xf32> to vector<1x16xf32>
        tpu.vector_store %arg12[%swap3A_509, %swap3A_510], %swap3A_513 {strides = array<i32>} : memref<16x768xf32, #tpu.memory_space<vmem>>, vector<1x16xf32>,
        %get3A_514 = arith.index_cast %scan3A_123 : i32 to index
        %get3A_515 = arith.constant 448 : index
        %get3A_516 = tpu.vector_load %arg8[%get3A_514, %get3A_515] {strides = array<i32>} : memref<16x768xf32, #tpu.memory_space<vmem>>, vector<1x16xf32>,
        %get3A_517 = vector.shape_cast %get3A_516 : vector<1x16xf32> to vector<16xf32>
        %get3A_518 = arith.index_cast %scan3A_123 : i32 to index
        %get3A_519 = arith.constant 448 : index
        %get3A_520 = tpu.vector_load %arg10[%get3A_518, %get3A_519] {strides = array<i32>} : memref<16x768xf32, #tpu.memory_space<vmem>>, vector<1x16xf32>,
        %get3A_521 = vector.shape_cast %get3A_520 : vector<1x16xf32> to vector<16xf32>
        %add3A_522 = arith.addf %get3A_517, %get3A_521 : vector<16xf32>
        %swap3A_523 = arith.index_cast %scan3A_123 : i32 to index
        %swap3A_524 = arith.constant 448 : index
        %swap3A_525 = tpu.vector_load %arg12[%swap3A_523, %swap3A_524] {strides = array<i32>} : memref<16x768xf32, #tpu.memory_space<vmem>>, vector<1x16xf32>,
        %swap3A_526 = vector.shape_cast %swap3A_525 : vector<1x16xf32> to vector<16xf32>
        %swap3A_527 = vector.shape_cast %add3A_522 : vector<16xf32> to vector<1x16xf32>
        tpu.vector_store %arg12[%swap3A_523, %swap3A_524], %swap3A_527 {strides = array<i32>} : memref<16x768xf32, #tpu.memory_space<vmem>>, vector<1x16xf32>,
        %get3A_528 = arith.index_cast %scan3A_123 : i32 to index
        %get3A_529 = arith.constant 464 : index
        %get3A_530 = tpu.vector_load %arg8[%get3A_528, %get3A_529] {strides = array<i32>} : memref<16x768xf32, #tpu.memory_space<vmem>>, vector<1x16xf32>,
        %get3A_531 = vector.shape_cast %get3A_530 : vector<1x16xf32> to vector<16xf32>
        %get3A_532 = arith.index_cast %scan3A_123 : i32 to index
        %get3A_533 = arith.constant 464 : index
        %get3A_534 = tpu.vector_load %arg10[%get3A_532, %get3A_533] {strides = array<i32>} : memref<16x768xf32, #tpu.memory_space<vmem>>, vector<1x16xf32>,
        %get3A_535 = vector.shape_cast %get3A_534 : vector<1x16xf32> to vector<16xf32>
        %add3A_536 = arith.addf %get3A_531, %get3A_535 : vector<16xf32>
        %swap3A_537 = arith.index_cast %scan3A_123 : i32 to index
        %swap3A_538 = arith.constant 464 : index
        %swap3A_539 = tpu.vector_load %arg12[%swap3A_537, %swap3A_538] {strides = array<i32>} : memref<16x768xf32, #tpu.memory_space<vmem>>, vector<1x16xf32>,
        %swap3A_540 = vector.shape_cast %swap3A_539 : vector<1x16xf32> to vector<16xf32>
        %swap3A_541 = vector.shape_cast %add3A_536 : vector<16xf32> to vector<1x16xf32>
        tpu.vector_store %arg12[%swap3A_537, %swap3A_538], %swap3A_541 {strides = array<i32>} : memref<16x768xf32, #tpu.memory_space<vmem>>, vector<1x16xf32>,
        %get3A_542 = arith.index_cast %scan3A_123 : i32 to index
        %get3A_543 = arith.constant 480 : index
        %get3A_544 = tpu.vector_load %arg8[%get3A_542, %get3A_543] {strides = array<i32>} : memref<16x768xf32, #tpu.memory_space<vmem>>, vector<1x16xf32>,
        %get3A_545 = vector.shape_cast %get3A_544 : vector<1x16xf32> to vector<16xf32>
        %get3A_546 = arith.index_cast %scan3A_123 : i32 to index
        %get3A_547 = arith.constant 480 : index
        %get3A_548 = tpu.vector_load %arg10[%get3A_546, %get3A_547] {strides = array<i32>} : memref<16x768xf32, #tpu.memory_space<vmem>>, vector<1x16xf32>,
        %get3A_549 = vector.shape_cast %get3A_548 : vector<1x16xf32> to vector<16xf32>
        %add3A_550 = arith.addf %get3A_545, %get3A_549 : vector<16xf32>
        %swap3A_551 = arith.index_cast %scan3A_123 : i32 to index
        %swap3A_552 = arith.constant 480 : index
        %swap3A_553 = tpu.vector_load %arg12[%swap3A_551, %swap3A_552] {strides = array<i32>} : memref<16x768xf32, #tpu.memory_space<vmem>>, vector<1x16xf32>,
        %swap3A_554 = vector.shape_cast %swap3A_553 : vector<1x16xf32> to vector<16xf32>
        %swap3A_555 = vector.shape_cast %add3A_550 : vector<16xf32> to vector<1x16xf32>
        tpu.vector_store %arg12[%swap3A_551, %swap3A_552], %swap3A_555 {strides = array<i32>} : memref<16x768xf32, #tpu.memory_space<vmem>>, vector<1x16xf32>,
        %get3A_556 = arith.index_cast %scan3A_123 : i32 to index
        %get3A_557 = arith.constant 496 : index
        %get3A_558 = tpu.vector_load %arg8[%get3A_556, %get3A_557] {strides = array<i32>} : memref<16x768xf32, #tpu.memory_space<vmem>>, vector<1x16xf32>,
        %get3A_559 = vector.shape_cast %get3A_558 : vector<1x16xf32> to vector<16xf32>
        %get3A_560 = arith.index_cast %scan3A_123 : i32 to index
        %get3A_561 = arith.constant 496 : index
        %get3A_562 = tpu.vector_load %arg10[%get3A_560, %get3A_561] {strides = array<i32>} : memref<16x768xf32, #tpu.memory_space<vmem>>, vector<1x16xf32>,
        %get3A_563 = vector.shape_cast %get3A_562 : vector<1x16xf32> to vector<16xf32>
        %add3A_564 = arith.addf %get3A_559, %get3A_563 : vector<16xf32>
        %swap3A_565 = arith.index_cast %scan3A_123 : i32 to index
        %swap3A_566 = arith.constant 496 : index
        %swap3A_567 = tpu.vector_load %arg12[%swap3A_565, %swap3A_566] {strides = array<i32>} : memref<16x768xf32, #tpu.memory_space<vmem>>, vector<1x16xf32>,
        %swap3A_568 = vector.shape_cast %swap3A_567 : vector<1x16xf32> to vector<16xf32>
        %swap3A_569 = vector.shape_cast %add3A_564 : vector<16xf32> to vector<1x16xf32>
        tpu.vector_store %arg12[%swap3A_565, %swap3A_566], %swap3A_569 {strides = array<i32>} : memref<16x768xf32, #tpu.memory_space<vmem>>, vector<1x16xf32>,
        %get3A_570 = arith.index_cast %scan3A_123 : i32 to index
        %get3A_571 = arith.constant 512 : index
        %get3A_572 = tpu.vector_load %arg8[%get3A_570, %get3A_571] {strides = array<i32>} : memref<16x768xf32, #tpu.memory_space<vmem>>, vector<1x16xf32>,
        %get3A_573 = vector.shape_cast %get3A_572 : vector<1x16xf32> to vector<16xf32>
        %get3A_574 = arith.index_cast %scan3A_123 : i32 to index
        %get3A_575 = arith.constant 512 : index
        %get3A_576 = tpu.vector_load %arg10[%get3A_574, %get3A_575] {strides = array<i32>} : memref<16x768xf32, #tpu.memory_space<vmem>>, vector<1x16xf32>,
        %get3A_577 = vector.shape_cast %get3A_576 : vector<1x16xf32> to vector<16xf32>
        %add3A_578 = arith.addf %get3A_573, %get3A_577 : vector<16xf32>
        %swap3A_579 = arith.index_cast %scan3A_123 : i32 to index
        %swap3A_580 = arith.constant 512 : index
        %swap3A_581 = tpu.vector_load %arg12[%swap3A_579, %swap3A_580] {strides = array<i32>} : memref<16x768xf32, #tpu.memory_space<vmem>>, vector<1x16xf32>,
        %swap3A_582 = vector.shape_cast %swap3A_581 : vector<1x16xf32> to vector<16xf32>
        %swap3A_583 = vector.shape_cast %add3A_578 : vector<16xf32> to vector<1x16xf32>
        tpu.vector_store %arg12[%swap3A_579, %swap3A_580], %swap3A_583 {strides = array<i32>} : memref<16x768xf32, #tpu.memory_space<vmem>>, vector<1x16xf32>,
        %get3A_584 = arith.index_cast %scan3A_123 : i32 to index
        %get3A_585 = arith.constant 528 : index
        %get3A_586 = tpu.vector_load %arg8[%get3A_584, %get3A_585] {strides = array<i32>} : memref<16x768xf32, #tpu.memory_space<vmem>>, vector<1x16xf32>,
        %get3A_587 = vector.shape_cast %get3A_586 : vector<1x16xf32> to vector<16xf32>
        %get3A_588 = arith.index_cast %scan3A_123 : i32 to index
        %get3A_589 = arith.constant 528 : index
        %get3A_590 = tpu.vector_load %arg10[%get3A_588, %get3A_589] {strides = array<i32>} : memref<16x768xf32, #tpu.memory_space<vmem>>, vector<1x16xf32>,
        %get3A_591 = vector.shape_cast %get3A_590 : vector<1x16xf32> to vector<16xf32>
        %add3A_592 = arith.addf %get3A_587, %get3A_591 : vector<16xf32>
        %swap3A_593 = arith.index_cast %scan3A_123 : i32 to index
        %swap3A_594 = arith.constant 528 : index
        %swap3A_595 = tpu.vector_load %arg12[%swap3A_593, %swap3A_594] {strides = array<i32>} : memref<16x768xf32, #tpu.memory_space<vmem>>, vector<1x16xf32>,
        %swap3A_596 = vector.shape_cast %swap3A_595 : vector<1x16xf32> to vector<16xf32>
        %swap3A_597 = vector.shape_cast %add3A_592 : vector<16xf32> to vector<1x16xf32>
        tpu.vector_store %arg12[%swap3A_593, %swap3A_594], %swap3A_597 {strides = array<i32>} : memref<16x768xf32, #tpu.memory_space<vmem>>, vector<1x16xf32>,
        %get3A_598 = arith.index_cast %scan3A_123 : i32 to index
        %get3A_599 = arith.constant 544 : index
        %get3A_600 = tpu.vector_load %arg8[%get3A_598, %get3A_599] {strides = array<i32>} : memref<16x768xf32, #tpu.memory_space<vmem>>, vector<1x16xf32>,
        %get3A_601 = vector.shape_cast %get3A_600 : vector<1x16xf32> to vector<16xf32>
        %get3A_602 = arith.index_cast %scan3A_123 : i32 to index
        %get3A_603 = arith.constant 544 : index
        %get3A_604 = tpu.vector_load %arg10[%get3A_602, %get3A_603] {strides = array<i32>} : memref<16x768xf32, #tpu.memory_space<vmem>>, vector<1x16xf32>,
        %get3A_605 = vector.shape_cast %get3A_604 : vector<1x16xf32> to vector<16xf32>
        %add3A_606 = arith.addf %get3A_601, %get3A_605 : vector<16xf32>
        %swap3A_607 = arith.index_cast %scan3A_123 : i32 to index
        %swap3A_608 = arith.constant 544 : index
        %swap3A_609 = tpu.vector_load %arg12[%swap3A_607, %swap3A_608] {strides = array<i32>} : memref<16x768xf32, #tpu.memory_space<vmem>>, vector<1x16xf32>,
        %swap3A_610 = vector.shape_cast %swap3A_609 : vector<1x16xf32> to vector<16xf32>
        %swap3A_611 = vector.shape_cast %add3A_606 : vector<16xf32> to vector<1x16xf32>
        tpu.vector_store %arg12[%swap3A_607, %swap3A_608], %swap3A_611 {strides = array<i32>} : memref<16x768xf32, #tpu.memory_space<vmem>>, vector<1x16xf32>,
        %get3A_612 = arith.index_cast %scan3A_123 : i32 to index
        %get3A_613 = arith.constant 560 : index
        %get3A_614 = tpu.vector_load %arg8[%get3A_612, %get3A_613] {strides = array<i32>} : memref<16x768xf32, #tpu.memory_space<vmem>>, vector<1x16xf32>,
        %get3A_615 = vector.shape_cast %get3A_614 : vector<1x16xf32> to vector<16xf32>
        %get3A_616 = arith.index_cast %scan3A_123 : i32 to index
        %get3A_617 = arith.constant 560 : index
        %get3A_618 = tpu.vector_load %arg10[%get3A_616, %get3A_617] {strides = array<i32>} : memref<16x768xf32, #tpu.memory_space<vmem>>, vector<1x16xf32>,
        %get3A_619 = vector.shape_cast %get3A_618 : vector<1x16xf32> to vector<16xf32>
        %add3A_620 = arith.addf %get3A_615, %get3A_619 : vector<16xf32>
        %swap3A_621 = arith.index_cast %scan3A_123 : i32 to index
        %swap3A_622 = arith.constant 560 : index
        %swap3A_623 = tpu.vector_load %arg12[%swap3A_621, %swap3A_622] {strides = array<i32>} : memref<16x768xf32, #tpu.memory_space<vmem>>, vector<1x16xf32>,
        %swap3A_624 = vector.shape_cast %swap3A_623 : vector<1x16xf32> to vector<16xf32>
        %swap3A_625 = vector.shape_cast %add3A_620 : vector<16xf32> to vector<1x16xf32>
        tpu.vector_store %arg12[%swap3A_621, %swap3A_622], %swap3A_625 {strides = array<i32>} : memref<16x768xf32, #tpu.memory_space<vmem>>, vector<1x16xf32>,
        %get3A_626 = arith.index_cast %scan3A_123 : i32 to index
        %get3A_627 = arith.constant 576 : index
        %get3A_628 = tpu.vector_load %arg8[%get3A_626, %get3A_627] {strides = array<i32>} : memref<16x768xf32, #tpu.memory_space<vmem>>, vector<1x16xf32>,
        %get3A_629 = vector.shape_cast %get3A_628 : vector<1x16xf32> to vector<16xf32>
        %get3A_630 = arith.index_cast %scan3A_123 : i32 to index
        %get3A_631 = arith.constant 576 : index
        %get3A_632 = tpu.vector_load %arg10[%get3A_630, %get3A_631] {strides = array<i32>} : memref<16x768xf32, #tpu.memory_space<vmem>>, vector<1x16xf32>,
        %get3A_633 = vector.shape_cast %get3A_632 : vector<1x16xf32> to vector<16xf32>
        %add3A_634 = arith.addf %get3A_629, %get3A_633 : vector<16xf32>
        %swap3A_635 = arith.index_cast %scan3A_123 : i32 to index
        %swap3A_636 = arith.constant 576 : index
        %swap3A_637 = tpu.vector_load %arg12[%swap3A_635, %swap3A_636] {strides = array<i32>} : memref<16x768xf32, #tpu.memory_space<vmem>>, vector<1x16xf32>,
        %swap3A_638 = vector.shape_cast %swap3A_637 : vector<1x16xf32> to vector<16xf32>
        %swap3A_639 = vector.shape_cast %add3A_634 : vector<16xf32> to vector<1x16xf32>
        tpu.vector_store %arg12[%swap3A_635, %swap3A_636], %swap3A_639 {strides = array<i32>} : memref<16x768xf32, #tpu.memory_space<vmem>>, vector<1x16xf32>,
        %get3A_640 = arith.index_cast %scan3A_123 : i32 to index
        %get3A_641 = arith.constant 592 : index
        %get3A_642 = tpu.vector_load %arg8[%get3A_640, %get3A_641] {strides = array<i32>} : memref<16x768xf32, #tpu.memory_space<vmem>>, vector<1x16xf32>,
        %get3A_643 = vector.shape_cast %get3A_642 : vector<1x16xf32> to vector<16xf32>
        %get3A_644 = arith.index_cast %scan3A_123 : i32 to index
        %get3A_645 = arith.constant 592 : index
        %get3A_646 = tpu.vector_load %arg10[%get3A_644, %get3A_645] {strides = array<i32>} : memref<16x768xf32, #tpu.memory_space<vmem>>, vector<1x16xf32>,
        %get3A_647 = vector.shape_cast %get3A_646 : vector<1x16xf32> to vector<16xf32>
        %add3A_648 = arith.addf %get3A_643, %get3A_647 : vector<16xf32>
        %swap3A_649 = arith.index_cast %scan3A_123 : i32 to index
        %swap3A_650 = arith.constant 592 : index
        %swap3A_651 = tpu.vector_load %arg12[%swap3A_649, %swap3A_650] {strides = array<i32>} : memref<16x768xf32, #tpu.memory_space<vmem>>, vector<1x16xf32>,
        %swap3A_652 = vector.shape_cast %swap3A_651 : vector<1x16xf32> to vector<16xf32>
        %swap3A_653 = vector.shape_cast %add3A_648 : vector<16xf32> to vector<1x16xf32>
        tpu.vector_store %arg12[%swap3A_649, %swap3A_650], %swap3A_653 {strides = array<i32>} : memref<16x768xf32, #tpu.memory_space<vmem>>, vector<1x16xf32>,
        %get3A_654 = arith.index_cast %scan3A_123 : i32 to index
        %get3A_655 = arith.constant 608 : index
        %get3A_656 = tpu.vector_load %arg8[%get3A_654, %get3A_655] {strides = array<i32>} : memref<16x768xf32, #tpu.memory_space<vmem>>, vector<1x16xf32>,
        %get3A_657 = vector.shape_cast %get3A_656 : vector<1x16xf32> to vector<16xf32>
        %get3A_658 = arith.index_cast %scan3A_123 : i32 to index
        %get3A_659 = arith.constant 608 : index
        %get3A_660 = tpu.vector_load %arg10[%get3A_658, %get3A_659] {strides = array<i32>} : memref<16x768xf32, #tpu.memory_space<vmem>>, vector<1x16xf32>,
        %get3A_661 = vector.shape_cast %get3A_660 : vector<1x16xf32> to vector<16xf32>
        %add3A_662 = arith.addf %get3A_657, %get3A_661 : vector<16xf32>
        %swap3A_663 = arith.index_cast %scan3A_123 : i32 to index
        %swap3A_664 = arith.constant 608 : index
        %swap3A_665 = tpu.vector_load %arg12[%swap3A_663, %swap3A_664] {strides = array<i32>} : memref<16x768xf32, #tpu.memory_space<vmem>>, vector<1x16xf32>,
        %swap3A_666 = vector.shape_cast %swap3A_665 : vector<1x16xf32> to vector<16xf32>
        %swap3A_667 = vector.shape_cast %add3A_662 : vector<16xf32> to vector<1x16xf32>
        tpu.vector_store %arg12[%swap3A_663, %swap3A_664], %swap3A_667 {strides = array<i32>} : memref<16x768xf32, #tpu.memory_space<vmem>>, vector<1x16xf32>,
        %get3A_668 = arith.index_cast %scan3A_123 : i32 to index
        %get3A_669 = arith.constant 624 : index
        %get3A_670 = tpu.vector_load %arg8[%get3A_668, %get3A_669] {strides = array<i32>} : memref<16x768xf32, #tpu.memory_space<vmem>>, vector<1x16xf32>,
        %get3A_671 = vector.shape_cast %get3A_670 : vector<1x16xf32> to vector<16xf32>
        %get3A_672 = arith.index_cast %scan3A_123 : i32 to index
        %get3A_673 = arith.constant 624 : index
        %get3A_674 = tpu.vector_load %arg10[%get3A_672, %get3A_673] {strides = array<i32>} : memref<16x768xf32, #tpu.memory_space<vmem>>, vector<1x16xf32>,
        %get3A_675 = vector.shape_cast %get3A_674 : vector<1x16xf32> to vector<16xf32>
        %add3A_676 = arith.addf %get3A_671, %get3A_675 : vector<16xf32>
        %swap3A_677 = arith.index_cast %scan3A_123 : i32 to index
        %swap3A_678 = arith.constant 624 : index
        %swap3A_679 = tpu.vector_load %arg12[%swap3A_677, %swap3A_678] {strides = array<i32>} : memref<16x768xf32, #tpu.memory_space<vmem>>, vector<1x16xf32>,
        %swap3A_680 = vector.shape_cast %swap3A_679 : vector<1x16xf32> to vector<16xf32>
        %swap3A_681 = vector.shape_cast %add3A_676 : vector<16xf32> to vector<1x16xf32>
        tpu.vector_store %arg12[%swap3A_677, %swap3A_678], %swap3A_681 {strides = array<i32>} : memref<16x768xf32, #tpu.memory_space<vmem>>, vector<1x16xf32>,
        %get3A_682 = arith.index_cast %scan3A_123 : i32 to index
        %get3A_683 = arith.constant 640 : index
        %get3A_684 = tpu.vector_load %arg8[%get3A_682, %get3A_683] {strides = array<i32>} : memref<16x768xf32, #tpu.memory_space<vmem>>, vector<1x16xf32>,
        %get3A_685 = vector.shape_cast %get3A_684 : vector<1x16xf32> to vector<16xf32>
        %get3A_686 = arith.index_cast %scan3A_123 : i32 to index
        %get3A_687 = arith.constant 640 : index
        %get3A_688 = tpu.vector_load %arg10[%get3A_686, %get3A_687] {strides = array<i32>} : memref<16x768xf32, #tpu.memory_space<vmem>>, vector<1x16xf32>,
        %get3A_689 = vector.shape_cast %get3A_688 : vector<1x16xf32> to vector<16xf32>
        %add3A_690 = arith.addf %get3A_685, %get3A_689 : vector<16xf32>
        %swap3A_691 = arith.index_cast %scan3A_123 : i32 to index
        %swap3A_692 = arith.constant 640 : index
        %swap3A_693 = tpu.vector_load %arg12[%swap3A_691, %swap3A_692] {strides = array<i32>} : memref<16x768xf32, #tpu.memory_space<vmem>>, vector<1x16xf32>,
        %swap3A_694 = vector.shape_cast %swap3A_693 : vector<1x16xf32> to vector<16xf32>
        %swap3A_695 = vector.shape_cast %add3A_690 : vector<16xf32> to vector<1x16xf32>
        tpu.vector_store %arg12[%swap3A_691, %swap3A_692], %swap3A_695 {strides = array<i32>} : memref<16x768xf32, #tpu.memory_space<vmem>>, vector<1x16xf32>,
        %get3A_696 = arith.index_cast %scan3A_123 : i32 to index
        %get3A_697 = arith.constant 656 : index
        %get3A_698 = tpu.vector_load %arg8[%get3A_696, %get3A_697] {strides = array<i32>} : memref<16x768xf32, #tpu.memory_space<vmem>>, vector<1x16xf32>,
        %get3A_699 = vector.shape_cast %get3A_698 : vector<1x16xf32> to vector<16xf32>
        %get3A_700 = arith.index_cast %scan3A_123 : i32 to index
        %get3A_701 = arith.constant 656 : index
        %get3A_702 = tpu.vector_load %arg10[%get3A_700, %get3A_701] {strides = array<i32>} : memref<16x768xf32, #tpu.memory_space<vmem>>, vector<1x16xf32>,
        %get3A_703 = vector.shape_cast %get3A_702 : vector<1x16xf32> to vector<16xf32>
        %add3A_704 = arith.addf %get3A_699, %get3A_703 : vector<16xf32>
        %swap3A_705 = arith.index_cast %scan3A_123 : i32 to index
        %swap3A_706 = arith.constant 656 : index
        %swap3A_707 = tpu.vector_load %arg12[%swap3A_705, %swap3A_706] {strides = array<i32>} : memref<16x768xf32, #tpu.memory_space<vmem>>, vector<1x16xf32>,
        %swap3A_708 = vector.shape_cast %swap3A_707 : vector<1x16xf32> to vector<16xf32>
        %swap3A_709 = vector.shape_cast %add3A_704 : vector<16xf32> to vector<1x16xf32>
        tpu.vector_store %arg12[%swap3A_705, %swap3A_706], %swap3A_709 {strides = array<i32>} : memref<16x768xf32, #tpu.memory_space<vmem>>, vector<1x16xf32>,
        %get3A_710 = arith.index_cast %scan3A_123 : i32 to index
        %get3A_711 = arith.constant 672 : index
        %get3A_712 = tpu.vector_load %arg8[%get3A_710, %get3A_711] {strides = array<i32>} : memref<16x768xf32, #tpu.memory_space<vmem>>, vector<1x16xf32>,
        %get3A_713 = vector.shape_cast %get3A_712 : vector<1x16xf32> to vector<16xf32>
        %get3A_714 = arith.index_cast %scan3A_123 : i32 to index
        %get3A_715 = arith.constant 672 : index
        %get3A_716 = tpu.vector_load %arg10[%get3A_714, %get3A_715] {strides = array<i32>} : memref<16x768xf32, #tpu.memory_space<vmem>>, vector<1x16xf32>,
        %get3A_717 = vector.shape_cast %get3A_716 : vector<1x16xf32> to vector<16xf32>
        %add3A_718 = arith.addf %get3A_713, %get3A_717 : vector<16xf32>
        %swap3A_719 = arith.index_cast %scan3A_123 : i32 to index
        %swap3A_720 = arith.constant 672 : index
        %swap3A_721 = tpu.vector_load %arg12[%swap3A_719, %swap3A_720] {strides = array<i32>} : memref<16x768xf32, #tpu.memory_space<vmem>>, vector<1x16xf32>,
        %swap3A_722 = vector.shape_cast %swap3A_721 : vector<1x16xf32> to vector<16xf32>
        %swap3A_723 = vector.shape_cast %add3A_718 : vector<16xf32> to vector<1x16xf32>
        tpu.vector_store %arg12[%swap3A_719, %swap3A_720], %swap3A_723 {strides = array<i32>} : memref<16x768xf32, #tpu.memory_space<vmem>>, vector<1x16xf32>,
        %get3A_724 = arith.index_cast %scan3A_123 : i32 to index
        %get3A_725 = arith.constant 688 : index
        %get3A_726 = tpu.vector_load %arg8[%get3A_724, %get3A_725] {strides = array<i32>} : memref<16x768xf32, #tpu.memory_space<vmem>>, vector<1x16xf32>,
        %get3A_727 = vector.shape_cast %get3A_726 : vector<1x16xf32> to vector<16xf32>
        %get3A_728 = arith.index_cast %scan3A_123 : i32 to index
        %get3A_729 = arith.constant 688 : index
        %get3A_730 = tpu.vector_load %arg10[%get3A_728, %get3A_729] {strides = array<i32>} : memref<16x768xf32, #tpu.memory_space<vmem>>, vector<1x16xf32>,
        %get3A_731 = vector.shape_cast %get3A_730 : vector<1x16xf32> to vector<16xf32>
        %add3A_732 = arith.addf %get3A_727, %get3A_731 : vector<16xf32>
        %swap3A_733 = arith.index_cast %scan3A_123 : i32 to index
        %swap3A_734 = arith.constant 688 : index
        %swap3A_735 = tpu.vector_load %arg12[%swap3A_733, %swap3A_734] {strides = array<i32>} : memref<16x768xf32, #tpu.memory_space<vmem>>, vector<1x16xf32>,
        %swap3A_736 = vector.shape_cast %swap3A_735 : vector<1x16xf32> to vector<16xf32>
        %swap3A_737 = vector.shape_cast %add3A_732 : vector<16xf32> to vector<1x16xf32>
        tpu.vector_store %arg12[%swap3A_733, %swap3A_734], %swap3A_737 {strides = array<i32>} : memref<16x768xf32, #tpu.memory_space<vmem>>, vector<1x16xf32>,
        %get3A_738 = arith.index_cast %scan3A_123 : i32 to index
        %get3A_739 = arith.constant 704 : index
        %get3A_740 = tpu.vector_load %arg8[%get3A_738, %get3A_739] {strides = array<i32>} : memref<16x768xf32, #tpu.memory_space<vmem>>, vector<1x16xf32>,
        %get3A_741 = vector.shape_cast %get3A_740 : vector<1x16xf32> to vector<16xf32>
        %get3A_742 = arith.index_cast %scan3A_123 : i32 to index
        %get3A_743 = arith.constant 704 : index
        %get3A_744 = tpu.vector_load %arg10[%get3A_742, %get3A_743] {strides = array<i32>} : memref<16x768xf32, #tpu.memory_space<vmem>>, vector<1x16xf32>,
        %get3A_745 = vector.shape_cast %get3A_744 : vector<1x16xf32> to vector<16xf32>
        %add3A_746 = arith.addf %get3A_741, %get3A_745 : vector<16xf32>
        %swap3A_747 = arith.index_cast %scan3A_123 : i32 to index
        %swap3A_748 = arith.constant 704 : index
        %swap3A_749 = tpu.vector_load %arg12[%swap3A_747, %swap3A_748] {strides = array<i32>} : memref<16x768xf32, #tpu.memory_space<vmem>>, vector<1x16xf32>,
        %swap3A_750 = vector.shape_cast %swap3A_749 : vector<1x16xf32> to vector<16xf32>
        %swap3A_751 = vector.shape_cast %add3A_746 : vector<16xf32> to vector<1x16xf32>
        tpu.vector_store %arg12[%swap3A_747, %swap3A_748], %swap3A_751 {strides = array<i32>} : memref<16x768xf32, #tpu.memory_space<vmem>>, vector<1x16xf32>,
        %get3A_752 = arith.index_cast %scan3A_123 : i32 to index
        %get3A_753 = arith.constant 720 : index
        %get3A_754 = tpu.vector_load %arg8[%get3A_752, %get3A_753] {strides = array<i32>} : memref<16x768xf32, #tpu.memory_space<vmem>>, vector<1x16xf32>,
        %get3A_755 = vector.shape_cast %get3A_754 : vector<1x16xf32> to vector<16xf32>
        %get3A_756 = arith.index_cast %scan3A_123 : i32 to index
        %get3A_757 = arith.constant 720 : index
        %get3A_758 = tpu.vector_load %arg10[%get3A_756, %get3A_757] {strides = array<i32>} : memref<16x768xf32, #tpu.memory_space<vmem>>, vector<1x16xf32>,
        %get3A_759 = vector.shape_cast %get3A_758 : vector<1x16xf32> to vector<16xf32>
        %add3A_760 = arith.addf %get3A_755, %get3A_759 : vector<16xf32>
        %swap3A_761 = arith.index_cast %scan3A_123 : i32 to index
        %swap3A_762 = arith.constant 720 : index
        %swap3A_763 = tpu.vector_load %arg12[%swap3A_761, %swap3A_762] {strides = array<i32>} : memref<16x768xf32, #tpu.memory_space<vmem>>, vector<1x16xf32>,
        %swap3A_764 = vector.shape_cast %swap3A_763 : vector<1x16xf32> to vector<16xf32>
        %swap3A_765 = vector.shape_cast %add3A_760 : vector<16xf32> to vector<1x16xf32>
        tpu.vector_store %arg12[%swap3A_761, %swap3A_762], %swap3A_765 {strides = array<i32>} : memref<16x768xf32, #tpu.memory_space<vmem>>, vector<1x16xf32>,
        %get3A_766 = arith.index_cast %scan3A_123 : i32 to index
        %get3A_767 = arith.constant 736 : index
        %get3A_768 = tpu.vector_load %arg8[%get3A_766, %get3A_767] {strides = array<i32>} : memref<16x768xf32, #tpu.memory_space<vmem>>, vector<1x16xf32>,
        %get3A_769 = vector.shape_cast %get3A_768 : vector<1x16xf32> to vector<16xf32>
        %get3A_770 = arith.index_cast %scan3A_123 : i32 to index
        %get3A_771 = arith.constant 736 : index
        %get3A_772 = tpu.vector_load %arg10[%get3A_770, %get3A_771] {strides = array<i32>} : memref<16x768xf32, #tpu.memory_space<vmem>>, vector<1x16xf32>,
        %get3A_773 = vector.shape_cast %get3A_772 : vector<1x16xf32> to vector<16xf32>
        %add3A_774 = arith.addf %get3A_769, %get3A_773 : vector<16xf32>
        %swap3A_775 = arith.index_cast %scan3A_123 : i32 to index
        %swap3A_776 = arith.constant 736 : index
        %swap3A_777 = tpu.vector_load %arg12[%swap3A_775, %swap3A_776] {strides = array<i32>} : memref<16x768xf32, #tpu.memory_space<vmem>>, vector<1x16xf32>,
        %swap3A_778 = vector.shape_cast %swap3A_777 : vector<1x16xf32> to vector<16xf32>
        %swap3A_779 = vector.shape_cast %add3A_774 : vector<16xf32> to vector<1x16xf32>
        tpu.vector_store %arg12[%swap3A_775, %swap3A_776], %swap3A_779 {strides = array<i32>} : memref<16x768xf32, #tpu.memory_space<vmem>>, vector<1x16xf32>,
        %get3A_780 = arith.index_cast %scan3A_123 : i32 to index
        %get3A_781 = arith.constant 752 : index
        %get3A_782 = tpu.vector_load %arg8[%get3A_780, %get3A_781] {strides = array<i32>} : memref<16x768xf32, #tpu.memory_space<vmem>>, vector<1x16xf32>,
        %get3A_783 = vector.shape_cast %get3A_782 : vector<1x16xf32> to vector<16xf32>
        %get3A_784 = arith.index_cast %scan3A_123 : i32 to index
        %get3A_785 = arith.constant 752 : index
        %get3A_786 = tpu.vector_load %arg10[%get3A_784, %get3A_785] {strides = array<i32>} : memref<16x768xf32, #tpu.memory_space<vmem>>, vector<1x16xf32>,
        %get3A_787 = vector.shape_cast %get3A_786 : vector<1x16xf32> to vector<16xf32>
        %add3A_788 = arith.addf %get3A_783, %get3A_787 : vector<16xf32>
        %swap3A_789 = arith.index_cast %scan3A_123 : i32 to index
        %swap3A_790 = arith.constant 752 : index
        %swap3A_791 = tpu.vector_load %arg12[%swap3A_789, %swap3A_790] {strides = array<i32>} : memref<16x768xf32, #tpu.memory_space<vmem>>, vector<1x16xf32>,
        %swap3A_792 = vector.shape_cast %swap3A_791 : vector<1x16xf32> to vector<16xf32>
        %swap3A_793 = vector.shape_cast %add3A_788 : vector<16xf32> to vector<1x16xf32>
        tpu.vector_store %arg12[%swap3A_789, %swap3A_790], %swap3A_793 {strides = array<i32>} : memref<16x768xf32, #tpu.memory_space<vmem>>, vector<1x16xf32>,
      }
      %scan3A_111 = arith.constant 16 : i32
      %dma_start3A_112 = arith.constant 0 : i32
      %dma_start3A_113 = tpu.memref_slice %arg5[%add3A_88, %dma_start3A_112] : memref<32768x768xf32, #tpu.memory_space<hbm>> -> memref<16x768xf32, #tpu.memory_space<hbm>>
      %dma_start3A_114 = arith.constant 0 : i32
      %dma_start3A_115 = tpu.memref_slice %arg5[%add3A_88, %dma_start3A_114] : memref<32768x768xf32, #tpu.memory_space<hbm>> -> memref<16x768xf32, #tpu.memory_space<hbm>>
      tpu.enqueue_dma source(%arg12 : memref<16x768xf32, #tpu.memory_space<vmem>>) target(%dma_start3A_115 : memref<16x768xf32, #tpu.memory_space<hbm>>) target_semaphore(%arg18 : memref<!tpu.dma_semaphore, #tpu.memory_space<semaphore_mem>>)
      %add3A_116 = arith.constant 2 : i32
      %add3A_117 = arith.addi %add3A_85, %add3A_116 : i32
      %lt3A_118 = arith.constant 64 : i32
      %lt3A_119 = arith.cmpi slt, %add3A_117, %lt3A_118 : i32
      %convert_element_type3A_120 = arith.extui %lt3A_119 : i1 to i32
      %cond3A_121 = arith.constant 0 : i32
      %cond3A_122 = arith.cmpi ne, %convert_element_type3A_120, %cond3A_121 : i32
      scf.if %cond3A_122 {
        %add3A_123 = arith.constant 2 : i32
        %add3A_124 = arith.addi %add3A_85, %add3A_123 : i32
        %mul3A_125 = arith.constant 16 : i32
        %mul3A_126 = arith.muli %add3A_124, %mul3A_125 : i32
        %add3A_127 = arith.addi %mul3A_2, %mul3A_126 : i32
        %dma_start3A_128 = arith.constant 0 : i32
        %dma_start3A_129 = tpu.memref_slice %arg2[%add3A_127, %dma_start3A_128] : memref<32768x768xf32, #tpu.memory_space<hbm>> -> memref<16x768xf32, #tpu.memory_space<hbm>>
        %dma_start3A_130 = arith.constant 0 : i32
        %dma_start3A_131 = tpu.memref_slice %arg2[%add3A_127, %dma_start3A_130] : memref<32768x768xf32, #tpu.memory_space<hbm>> -> memref<16x768xf32, #tpu.memory_space<hbm>>
        tpu.enqueue_dma source(%dma_start3A_131 : memref<16x768xf32, #tpu.memory_space<hbm>>) target(%arg8 : memref<16x768xf32, #tpu.memory_space<vmem>>) target_semaphore(%arg14 : memref<!tpu.dma_semaphore, #tpu.memory_space<semaphore_mem>>)
        %add3A_132 = arith.constant 2 : i32
        %add3A_133 = arith.addi %add3A_85, %add3A_132 : i32
        %dma_start3A_134 = arith.constant 0 : i32
        %dma_start3A_135 = tpu.memref_slice %arg6[%add3A_133, %dma_start3A_134] : memref<64x16xi32, #tpu.memory_space<vmem>> -> memref<1x16xi32, #tpu.memory_space<vmem>>
        %dma_start3A_136 = tpu.memref_squeeze %dma_start3A_135 : memref<1x16xi32, #tpu.memory_space<vmem>> -> memref<16xi32, #tpu.memory_space<vmem>>
        %dma_start3A_137 = arith.constant 0 : i32
        %dma_start3A_138 = arith.constant 0 : i32
        %dma_start3A_139 = tpu.memref_slice %arg4[%dma_start3A_137, %dma_start3A_138] : memref<8192x768xf32, #tpu.memory_space<hbm>> -> memref<8192x768xf32, #tpu.memory_space<hbm>>
        tpu.enqueue_indirect_dma source(%dma_start3A_139 : memref<8192x768xf32, #tpu.memory_space<hbm>>) target(%arg10 : memref<16x768xf32, #tpu.memory_space<vmem>>) offsets(%dma_start3A_136 : memref<16xi32, #tpu.memory_space<vmem>>) semaphore(%arg16 : memref<!tpu.dma_semaphore, #tpu.memory_space<semaphore_mem>>)
      } else {
      }
    }
    %scan3A_32 = arith.constant 32 : i32
    %dma_wait3A = arith.constant 0 : i32
    %dma_wait3A_33 = arith.constant 0 : i32
    %dma_wait3A_34 = tpu.memref_slice %arg2[%dma_wait3A, %dma_wait3A_33] : memref<32768x768xf32, #tpu.memory_space<hbm>> -> memref<16x768xf32, #tpu.memory_space<hbm>>
    %dma_wait3A_35 = arith.constant 0 : i32
    %dma_wait3A_36 = arith.constant 0 : i32
    %dma_wait3A_37 = tpu.memref_slice %arg2[%dma_wait3A_35, %dma_wait3A_36] : memref<32768x768xf32, #tpu.memory_space<hbm>> -> memref<16x768xf32, #tpu.memory_space<hbm>>
    tpu.wait_dma2 semaphore(%arg17 : memref<!tpu.dma_semaphore, #tpu.memory_space<semaphore_mem>>) src(%dma_wait3A_37 : memref<16x768xf32, #tpu.memory_space<hbm>>) dst(%arg11 : memref<16x768xf32, #tpu.memory_space<vmem>>)
    %dma_wait3A_38 = arith.constant 0 : i32
    %dma_wait3A_39 = arith.constant 0 : i32
    %dma_wait3A_40 = tpu.memref_slice %arg2[%dma_wait3A_38, %dma_wait3A_39] : memref<32768x768xf32, #tpu.memory_space<hbm>> -> memref<16x768xf32, #tpu.memory_space<hbm>>
    %dma_wait3A_41 = arith.constant 0 : i32
    %dma_wait3A_42 = arith.constant 0 : i32
    %dma_wait3A_43 = tpu.memref_slice %arg2[%dma_wait3A_41, %dma_wait3A_42] : memref<32768x768xf32, #tpu.memory_space<hbm>> -> memref<16x768xf32, #tpu.memory_space<hbm>>
    tpu.wait_dma2 semaphore(%arg18 : memref<!tpu.dma_semaphore, #tpu.memory_space<semaphore_mem>>) src(%dma_wait3A_43 : memref<16x768xf32, #tpu.memory_space<hbm>>) dst(%arg12 : memref<16x768xf32, #tpu.memory_space<vmem>>)
    return
  }
}

</mosaic_0001>

<sc_bundles>
// kernel: kernel.3.cloned.1.call-start
scs
__scs_entry_jumppad:
0x0: {  	(pc) =	sbr.rel $0x88, $3  }
0x1: {  	(tag) =	ssettag $0x0;
	lr =	simm.s32 $0x1  }
0x2: {  	[smem:$0x3F9E] =	sst lr;
	_ =	strace $0xD0000000  }
0x3: {  	_ = 	snop  }
0x4: {  	_ = 	snop  }
0x5: {  	_ = 	snop  }
0x6: {  	_ = 	snop  }
0x7: {  	_ = 	snop  }
__scs_overlays_trampoline_lowered:
0x8: {  	[smem:$0x3FAD] =	sst s0  }
0x9: {  	[smem:$0x3FAE] =	sst s1  }
0xa: {  	[smem:$0x3FAF] =	sst s2  }
0xb: {  	[smem:$0x3FB0] =	sst s3  }
0xc: {  	[smem:$0x3FB1] =	sst s4  }
0xd: {  	[smem:$0x3FB2] =	sst s5  }
0xe: {  	[smem:$0x3FB3] =	sst s6  }
0xf: {  	[smem:$0x3FB4] =	sst s7  }
0x10: {  	[smem:$0x3FB5] =	sst s8  }
0x11: {  	[smem:$0x3FB6] =	sst s9;
	s0 =	simm.s32 @!p0 $0x0  }
0x12: {  	s1 =	sld [smem:$0x3F9C];
	s0 =	simm.s32 @p0 $0x1  }
0x13: {  	[smem:$0x3FB7] =	sst s0;
	s0 =	simm.s32 @!p1 $0x0  }
0x14: {  	s2 =	sld [smem:$0x3F9B];
	s0 =	simm.s32 @p1 $0x1  }
0x15: {  	[smem:$0x3FB8] =	sst s0;
	s0 =	simm.s32 @!p2 $0x0  }
0x16: {  	s3 =	sld [smem:$0x3FDB];
	s0 =	simm.s32 @p2 $0x1  }
0x17: {  	s4 =	simm.s32 $0x1BF5;
	[smem:$0x3FBA] =	sst s0  }
0x18: {  	s0 =	sld [smem:$0x3F9D];
	_ =	swait.ge [sflag:s4], $0x0  }
0x19: {  	s7 =	sld [smem:$0x3F9E]  }
0x1a: {  	s8 =	sadd.s32 $0xFFFFE003, lr  }
0x1b: {  	s9 =	sadd.s32 $0xFFFFFEF7, lr;
	s5 =	simm.s32 $0xFFFFFFFF;
	p2 =	slt.u32 s8, $0xFFFFF086  }
0x1c: {  	p1 =	slt.u32 s9, $0xF7A;
	s5 =	simm.s32 @!p2 $0x0  }
0x1d: {  	s5 =	simm.s32 @p1 $0x1;
	p0 =	seq.s32 s7, s2  }
0x1e: {  	s7 =	smul.u32 @!p0 $0xF7A, s2;
	p2 =	seq.s32 @!p0 s5, $0x0  }
0x1f: {  	s9 =	smul.u32 $0xF7A, s1;
	s8 =	simm.s32 @!p0 $0x1BF5;
	p2 =	por !p2, p0  }
0x20: {  	[sflag:s8] =	ssyncset.s32 @!p0 $0xFFFFF086;
	s6 =	sadd.s32 @!p0 s3, s7;
	s7 =	simm.s32 @!p0 $0x108  }
0x21: {  	s3 =	sadd.s32 s3, s9;
	s6 =	sadd.s32 @!p0 $0x88, s6;
	s7 =	simm.s32 @p2 $0x1082  }
0x22: {  	[simem:s7], [sflag:s8] =	dma.local @!p0 [hbm:s6], $0xF7A  }
0x23: {  	s9 =	sor.u32 $0xD0000000, s2;
	s6 =	simm.s32 $0x108;
	_ =	swait.ge @!p0 [sflag:s8], $0x0  }
0x24: {  	s3 =	sadd.s32 $0x88, s3;
	s6 =	simm.s32 @!p1 $0x1082;
	[sflag:s4] =	ssyncset.s32 $0xFFFFF086  }
0x25: {  	[simem:s6], [sflag:s4] =	dma.local [hbm:s3], $0xF7A  }
0x26: {  	[smem:$0x3F9E] =	sst s1;
	(tag) =	ssettag s2;
	_ =	strace s9  }
0x27: {  	s1 =	sld [smem:$0x3FAE]  }
0x28: {  	s2 =	sld [smem:$0x3FAF]  }
0x29: {  	s4 =	sld [smem:$0x3FB1]  }
0x2a: {  	p0 =	seq.s32 s5, $0x0;
	s5 =	sld [smem:$0x3FB2]  }
0x2b: {  	s6 =	sld [smem:$0x3FB3]  }
0x2c: {  	s7 =	sld [smem:$0x3FB4]  }
0x2d: {  	s3 =	simm.s32 $0x108;
	s8 =	sld [smem:$0x3FB5]  }
0x2e: {  	s3 =	simm.s32 @!p0 $0x1082;
	s9 =	sld [smem:$0x3FB6]  }
0x2f: {  	lr =	sadd.s32 s0, s3;
	s0 =	sld [smem:$0x3FAD]  }
0x30: {  	s3 =	sld [smem:$0x3FB0]  }
0x31: {  	[smem:$0x3FB9] =	sst s10  }
0x32: {  	s10 =	sld [smem:$0x3FB7];
	_ =	sdelay $0x3  }
0x33: {  	p0 =	seq.s32 s10, $0x1;
	s10 =	sld [smem:$0x3FB9];
	_ =	sdelay $0x3  }
0x34: {  	[smem:$0x3FB9] =	sst s10  }
0x35: {  	s10 =	sld [smem:$0x3FB8];
	_ =	sdelay $0x3  }
0x36: {  	p1 =	seq.s32 s10, $0x1;
	s10 =	sld [smem:$0x3FB9];
	_ =	sdelay $0x3  }
0x37: {  	[smem:$0x3FB9] =	sst s10  }
0x38: {  	s10 =	sld [smem:$0x3FBA]  }
0x39: {  	_ = 	snop;
	(pc) =	sbr.ind lr, $3  }
0x3a: {  	_ = 	snop  }
0x3b: {  	_ = 	snop  }
0x3c: {  	p2 =	seq.s32 s10, $0x1;
	s10 =	sld [smem:$0x3FB9]  }
0x3d: {  	_ =	shalt  }
0x3e: {  	_ =	shalt  }
0x3f: {  	_ =	shalt  }
0x40: {  	_ =	shalt  }
0x41: {  	_ =	shalt  }
0x42: {  	_ =	shalt  }
0x43: {  	_ =	shalt  }
0x44: {  	_ =	shalt  }
0x45: {  	_ =	shalt  }
0x46: {  	_ =	shalt  }
0x47: {  	_ =	shalt  }
0x48: {  	_ =	shalt  }
0x49: {  	_ =	shalt  }
0x4a: {  	_ =	shalt  }
0x4b: {  	_ =	shalt  }
0x4c: {  	_ =	shalt  }
0x4d: {  	_ =	shalt  }
0x4e: {  	_ =	shalt  }
0x4f: {  	_ =	shalt  }
0x50: {  	_ =	shalt  }
0x51: {  	_ =	shalt  }
0x52: {  	_ =	shalt  }
0x53: {  	_ =	shalt  }
0x54: {  	_ =	shalt  }
0x55: {  	_ =	shalt  }
0x56: {  	_ =	shalt  }
0x57: {  	_ =	shalt  }
0x58: {  	_ =	shalt  }
0x59: {  	_ =	shalt  }
0x5a: {  	_ =	shalt  }
0x5b: {  	_ =	shalt  }
0x5c: {  	_ =	shalt  }
0x5d: {  	_ =	shalt  }
0x5e: {  	_ =	shalt  }
0x5f: {  	_ =	shalt  }
0x60: {  	_ =	shalt  }
0x61: {  	_ =	shalt  }
0x62: {  	_ =	shalt  }
0x63: {  	_ =	shalt  }
0x64: {  	_ =	shalt  }
0x65: {  	_ =	shalt  }
0x66: {  	_ =	shalt  }
0x67: {  	_ =	shalt  }
0x68: {  	_ =	shalt  }
0x69: {  	_ =	shalt  }
0x6a: {  	_ =	shalt  }
0x6b: {  	_ =	shalt  }
0x6c: {  	_ =	shalt  }
0x6d: {  	_ =	shalt  }
0x6e: {  	_ =	shalt  }
0x6f: {  	_ =	shalt  }
0x70: {  	_ =	shalt  }
0x71: {  	_ =	shalt  }
0x72: {  	_ =	shalt  }
0x73: {  	_ =	shalt  }
0x74: {  	_ =	shalt  }
0x75: {  	_ =	shalt  }
0x76: {  	_ =	shalt  }
0x77: {  	_ =	shalt  }
0x78: {  	_ =	shalt  }
0x79: {  	_ =	shalt  }
0x7a: {  	_ =	shalt  }
0x7b: {  	_ =	shalt  }
0x7c: {  	_ =	shalt  }
0x7d: {  	_ =	shalt  }
0x7e: {  	_ =	shalt  }
0x7f: {  	_ =	shalt  }
0x80: {  	_ =	shalt  }
0x81: {  	_ =	shalt  }
0x82: {  	_ =	shalt  }
0x83: {  	_ =	shalt  }
0x84: {  	_ =	shalt  }
0x85: {  	_ =	shalt  }
0x86: {  	_ =	shalt  }
0x87: {  	_ =	shalt  }
.Lfunc_end0:
.L_simem_size_0:
called_computation_lowered:
.L_overlay_start_0:
0x88: {  	s2 =	sld [smem:$0x3FD9]  }
0x89: {  	s3 =	sld [smem:$0x3FFE];
	_ =	sdelay $0x1  }
0x8a: {  	s1 =	srdreg.scid  }
0x8b: {  	s0 =	sand.u32 $0x1, s1  }
0x8c: {  	s17 =	sshll.u32 s0, $0xA;
	s2 =	sadd.s32 s3, s2  }
0x8d: {  	s2 =	sadd.s32 s2, s17  }
0x8e: {  	[smem:$0x3FC5] =	sst s2  }
0x8f: {  	_ = 	snop  }
0x90: {  	s2 =	sld [smem:$0x3FC9]  }
0x91: {  	s18 =	sld [smem:$0x3FC7]  }
0x92: {  	s4 =	sld [smem:$0x3FD0];
	(tm) =	ssettm $0x1  }
0x93: {  	s5 =	sld [smem:$0x3FFB];
	_ =	sdelay $0x3  }
0x94: {  	_ =	strace s5  }
0x95: {  	s5 =	sld [smem:$0x3FFC];
	_ =	sdelay $0x3  }
0x96: {  	_ =	strace s5  }
0x97: {  	s5 =	sld [smem:$0x3FFD];
	_ =	sdelay $0x3  }
0x98: {  	_ =	strace s5  }
0x99: {  	_ =	strace $0x8FFFFFFF  }
0x9a: {  	s19 =	sld [smem:$0x3FDB];
	_ =	sdelay $0x1  }
0x9b: {  	s6 =	simm.s32 $_scs_section_size  }
0x9c: {  	s7 =	simm.s32 $_size__tile_overlayer_lowered;
	s8 =	simm.s32 $_tile_overlayer_lowered  }
0x9d: {  	s22 =	simm.s32 $0x1BFF;
	s21 =	sshll.u32 s8, $0x1;
	s5 =	sadd.s32 s6, s19  }
0x9e: {  	s9 =	simm.s32 $0x0;
	s20 =	sshll.u32 s7, $0x1;
	s7 =	sadd.s32 s21, s5  }
0x9f: {  	[timem:s9], [sflag:s22] =	dma.local [hbm:s7], s20  }
0xa0: {  	_ =	swait.ge [sflag:s22], s20  }
0xa1: {  	s6 =	ssub.s32 $0x0, s20;
	[sflag:s22] =	ssyncset.done $0x0  }
0xa2: {  	[sflag:s22] =	ssyncadd.s32 s6;
	_ =	sdelay $0x1  }
0xa3: {  	s23 =	simm.s32 $0x1B8B  }
0xa4: {  	_ =	swait.ge [sflag:s23], $0x1  }
0xa5: {  	[sflag:s23] =	ssyncset.done $0x0  }
0xa6: {  	s25 =	simm.s32 $0x1B8E;
	s24 =	sld [smem:$0x3FFE];
	[sflag:s23] =	ssyncadd.s32 $0xFFFFFFFF  }
0xa7: {  	s26 =	simm.s32 $execute0_lowered;
	[smem:$0x3FD2] =	sst s25  }
0xa8: {  	s7 =	sshll.u32 s26, $0x1;
	_ =	strace $0x80000046;
	[dreg:$0x1] =	wrdreg $0xFFFFFFFF  }
0xa9: {  	s28 =	simm.s32 $_size_execute0_lowered;
	s5 =	sadd.s32 s5, s7;
	[dreg:$0x0] =	wrdreg $0x0  }
0xaa: {  	s7 =	sshll.u32 s28, $0x1;
	[dreg:$0x2] =	wrdreg s5  }
0xab: {  	[dreg:$0x3] =	wrdreg s7  }
0xac: {  	[dreg:$0x4] =	wrdreg $0xC0  }
0xad: {  	_ =	task [dreg:s9], $0x5FFFF  }
0xae: {  	[dreg:$0x1] =	wrdreg $0xFFFFFFFF  }
0xaf: {  	[dreg:$0x0] =	wrdreg $0x60  }
0xb0: {  	[dreg:$0x2] =	wrdreg s2  }
0xb1: {  	[dreg:$0x3] =	wrdreg s24  }
0xb2: {  	[dreg:$0x4] =	wrdreg s18  }
0xb3: {  	[dreg:$0x5] =	wrdreg s4  }
0xb4: {  	[dreg:$0x6] =	wrdreg $0x9  }
0xb5: {  	_ =	task.clear_ibuf [dreg:s9], $0x7FFFF;
	_ =	strace $0x90000046  }
0xb6: {  	s29 =	simm.s32 $0x9;
	_ =	strace $0x80000048  }
0xb7: {  	_ =	swait.ge [sflag:s29], $0x1  }
0xb8: {  	[sflag:s29] =	ssyncadd.s32 $0xFFFFFFFF  }
0xb9: {  	_ =	strace $0x90000048  }
0xba: {  	_ =	sfence  }
0xbb: {  	s30 =	sld [smem:$0x0];
	_ =	sdelay $0x2  }
0xbc: {  	s31 =	sshll.u32 s1, $0xD;
	s1 =	sshrl.u32 s1, $0x2  }
0xbd: {  	s3 =	sand.u32 $0x4000, s31;
	s1 =	sadd.s32 s1, s30  }
0xbe: {  	s0 =	sor.u32 s3, s0;
	s1 =	sshll.u32 s1, $0x11  }
0xbf: {  	s0 =	sor.u32 s1, s0  }
0xc0: {  	s0 =	sadd.s32 $0x8F2B, s0  }
0xc1: {  	[sflag:s0] =	ssyncadd.remote.s32 $0x1  }
0xc2: {  	_ =	sfence.sel $0xFFFF  }
0xc3: {  	[dreg:$0x0] =	wrdreg $0xFFFFFFFF;
	(pc) =	sbr.abs _section_cstart, $3  }
0xc4: {  	[dreg:$0x1] =	wrdreg $0xFFFFFFFF  }
0xc5: {  	_ =	task.clear_ibuf [dreg:s9], $0x2FFFF;
	_ =	strace $0x9FFFFFFF  }
0xc6: {  	(tm) =	ssettm $0x7FFFFFFF  }
0xc7: {  	_ =	shalt  }
tec
execute0_lowered:
.L_overlay_start_1:
0x0: {  	(tag) =	ssettag $0x1  }
0x1: {  	s1 =	rddreg [dreg:$0x0]  }
0x2: {  	s0 =	rddreg [dreg:$0x1]  }
0x3: {  	s3 =	rddreg [dreg:$0x2];
	s2 =	srdreg.scid  }
0x4: {  	s5 =	stileid.u32;
	s4 =	rddreg [dreg:$0x3]  }
0x5: {  	s15 =	simm.s32 $0x5000;
	s23 =	simm.s32 $0xB000;
	s24 =	simm.s32 $0xB800  }
0x6: {  	s25 =	simm.s32 $0xC000;
	s28 =	simm.s32 $0xD000;
	s29 =	simm.s32 $0xD800  }
0x7: {  	s30 =	simm.s32 $0x1;
	s31 =	simm.s32 $0x3;
	s14 =	simm.s32 $0x4  }
0x8: {  	s17 =	simm.s32 $0x11000;
	s19 =	simm.s32 $0x6;
	s20 =	simm.s32 $0x0  }
0x9: {  	s2 =	sand.u32 $0x1, s2;
	s6 =	sshll.u32 s5, $0x1;
	s5 =	simm.s32 $0x0  }
0xa: {  	s10 =	sadd.s32 $0x100, s3;
	s11 =	sadd.s32 $0x200, s3;
	s6 =	sor.u32 s2, s6  }
0xb: {  	[smem:$0x7FF] =	sst s5;
	s2 =	ssub.s32 $0x2, s2;
	s7 =	smul.u32 $0x18000, s6  }
0xc: {  	_ =	strace $0x80000047;
	s6 =	sshll.u32 s6, $0xA;
	s8 =	sshrl.u32 s2, $0x1  }
.Ltmp0:
0xd: {  	s0 =	sadd.s32 s6, s0;
	s7 =	sadd.s32 s1, s7;
	(pc) =	sbr.rel .LBB2_1-.Ltmp0, $4  }
0xe: {  	s2 =	ssub.s32 s2, s8;
	s0 =	sadd.s32 $0x400, s0;
	[dreg:$0x5] =	wrdreg s7  }
0xf: {  	v2 =	vlaneseq.u32;
	s13 =	sadd.s32 $0x600, s4;
	s26 =	smax.u32 s2, $0x1;
	[dreg:$0x7] =	wrdreg s0  }
0x10: {  	vm0 =	vmmov $0xffff;
	v1 =	vshrl.u32 v2, $0x3;
	s2 =	simm.s32 $0xE000;
	s7 =	sadd.s32 $0x600, s7;
	[dreg:$0x8] =	wrdreg s26  }
0x11: {  	v0 =	vand.u32 $0x7, v2;
	v2 =	vor.u32 $0x8, v2;
	v1 =	vmul.u32 $0x8, v1;
	s26 =	simm.s32 $0xC800;
	s0 =	simm.s32 $0x2;
	[dreg:$0x6] =	wrdreg s7  }
.LBB2_8:
0x12: {  	s7 =	simm.s32 $0x5  }
0x13: {  	_ =	swait.ge [sflag:s7], $0x3000  }
0x14: {  	[sflag:s7] =	ssyncset.done $0x0  }
0x15: {  	[sflag:s7] =	ssyncadd.s32 $0xFFFFD000  }
0x16: {  	_ =	swait.ge [sflag:s19], $0x3000  }
0x17: {  	s20 =	sadd.s32 $0x1, s20;
	s22 =	rddreg [dreg:$0x8]  }
0x18: {  	p0 =	sne.s32 s20, s22  }
.Ltmp1:
0x19: {  	_ = 	snop;
	(pc) =	sbr.rel @!p0 .LBB2_9-.Ltmp1, $3  }
0x1a: {  	_ =	sdelay $0x1  }
0x1b: {  	[sflag:s19] =	ssyncset.done $0x0  }
0x1c: {  	[sflag:s19] =	ssyncadd.s32 $0xFFFFD000  }
.LBB2_1:
0x1d: {  	s7 =	rddreg [dreg:$0x5];
	s8 =	simm.s32 $0x2000  }
0x1e: {  	[tilespmem:s8], [sflag:$0x1] =	stream.linear.gather [hbm4b:s7+s5], $0x3000, $0x38;
	[tilespmem:$0x14000] =	vst v63  }
0x1f: {  	s21 =	rddreg [dreg:$0x6]  }
0x20: {  	[tilespmem:s15], [sflag:$0x2] =	stream.linear.gather [hbm4b:s21+s5], $0x3000, $0x38;
	[tilespmem:$0x14000] =	vst v63  }
0x21: {  	s22 =	rddreg [dreg:$0x7];
	s8 =	simm.s32 $0x7  }
0x22: {  	[tilespmem:s5], [sflag:$0x7] =	stream.linear.gather [hbm4b:s22+s5], $0x2000, $0x38;
	[tilespmem:$0x14000] =	vst v63  }
0x23: {  	_ =	swait.ge [sflag:s8], $0x2000  }
0x24: {  	[sflag:s8] =	ssyncset.done $0x0  }
0x25: {  	[sflag:s8] =	ssyncadd.s32 $0xFFFFE000  }
0x26: {  	v3 =	vld [tilespmem:$0x0];
	_ =	sdelay $0x4  }
0x27: {  	v4 =	vshrl.u32 v3, $0x3  }
0x28: {  	v4 =	vmul.u32 $0x30, v4  }
0x29: {  	v3 =	vand.u32 $0x7, v3  }
0x2a: {  	v3 =	vor.u32 v3, v4  }
0x2b: {  	v4 =	vperm.xlane v3, v0;
	_ =	sdelay $0x1  }
0x2c: {  	v4 =	vadd.s32 v1, v4;
	_ =	sdelay $0x3  }
0x2d: {  	s9 =	simm.s32 $0x8000;
	v3 =	vperm.xlane v3, v2  }
0x2e: {  	[tilespmem:s9], [sflag:$0x3] =	stream.indirect_vreg.gather [hbm4b:s3+s5], $0x80, v4, vm0, $0xb8;
	[tilespmem:$0x14000] =	vst v63  }
0x2f: {  	s12 =	simm.s32 $0x8800;
	v3 =	vadd.s32 v1, v3  }
0x30: {  	[tilespmem:s12], [sflag:$0x3] =	stream.indirect_vreg.gather [hbm4b:s10+s5], $0x80, v4, vm0, $0xb8;
	[tilespmem:$0x14000] =	vst v63  }
0x31: {  	s16 =	simm.s32 $0x9000  }
0x32: {  	[tilespmem:s16], [sflag:$0x3] =	stream.indirect_vreg.gather [hbm4b:s11+s5], $0x80, v4, vm0, $0xb8;
	[tilespmem:$0x14000] =	vst v63  }
0x33: {  	s18 =	simm.s32 $0x9800  }
0x34: {  	[tilespmem:s18], [sflag:$0x3] =	stream.indirect_vreg.gather [hbm4b:s3+s5], $0x80, v3, vm0, $0xb8;
	[tilespmem:$0x14000] =	vst v63  }
0x35: {  	s21 =	simm.s32 $0xA000  }
0x36: {  	[tilespmem:s21], [sflag:$0x3] =	stream.indirect_vreg.gather [hbm4b:s10+s5], $0x80, v3, vm0, $0xb8;
	[tilespmem:$0x14000] =	vst v63  }
0x37: {  	s22 =	simm.s32 $0xA800  }
0x38: {  	[tilespmem:s22], [sflag:$0x3] =	stream.indirect_vreg.gather [hbm4b:s11+s5], $0x80, v3, vm0, $0xb8;
	[tilespmem:$0x14000] =	vst v63  }
0x39: {  	v3 =	vld [tilespmem:$0x80];
	_ =	sdelay $0x4  }
0x3a: {  	v63 =	vshrl.u32 v3, $0x3  }
0x3b: {  	v4 =	vmul.u32 $0x30, v63  }
0x3c: {  	v3 =	vand.u32 $0x7, v3  }
0x3d: {  	v3 =	vor.u32 v3, v4  }
0x3e: {  	v4 =	vperm.xlane v3, v0;
	_ =	sdelay $0x1  }
0x3f: {  	v4 =	vadd.s32 v1, v4;
	_ =	sdelay $0x3  }
0x40: {  	v3 =	vperm.xlane v3, v2  }
0x41: {  	[tilespmem:s23], [sflag:$0x4] =	stream.indirect_vreg.gather [hbm4b:s3+s5], $0x80, v4, vm0, $0xb8;
	[tilespmem:$0x14000] =	vst v63  }
0x42: {  	v3 =	vadd.s32 v1, v3  }
0x43: {  	[tilespmem:s24], [sflag:$0x4] =	stream.indirect_vreg.gather [hbm4b:s10+s5], $0x80, v4, vm0, $0xb8;
	[tilespmem:$0x14000] =	vst v63  }
0x44: {  	_ = 	snop  }
0x45: {  	[tilespmem:s25], [sflag:$0x4] =	stream.indirect_vreg.gather [hbm4b:s11+s5], $0x80, v4, vm0, $0xb8;
	[tilespmem:$0x14000] =	vst v63  }
0x46: {  	_ = 	snop  }
0x47: {  	[tilespmem:s26], [sflag:$0x4] =	stream.indirect_vreg.gather [hbm4b:s3+s5], $0x80, v3, vm0, $0xb8;
	[tilespmem:$0x14000] =	vst v63  }
0x48: {  	_ = 	snop  }
0x49: {  	[tilespmem:s28], [sflag:$0x4] =	stream.indirect_vreg.gather [hbm4b:s10+s5], $0x80, v3, vm0, $0xb8;
	[tilespmem:$0x14000] =	vst v63  }
0x4a: {  	s21 =	simm.s32 $0x0  }
0x4b: {  	[tilespmem:s29], [sflag:$0x4] =	stream.indirect_vreg.gather [hbm4b:s11+s5], $0x80, v3, vm0, $0xb8;
	[tilespmem:$0x14000] =	vst v63  }
.LBB2_2:
0x4c: {  	_ =	swait.ge [sflag:s30], $0x3000  }
0x4d: {  	[sflag:s30] =	ssyncset.done $0x0  }
0x4e: {  	[sflag:s30] =	ssyncadd.s32 $0xFFFFD000  }
0x4f: {  	_ =	swait.ge [sflag:s31], $0x3000  }
0x50: {  	p0 =	seq.s32 s21, $0x0;
	[sflag:s31] =	ssyncset.done $0x0  }
0x51: {  	s8 =	simm.s32 $0x0;
	s7 =	simm.s32 @!p0 $0x5;
	[sflag:s31] =	ssyncadd.s32 $0xFFFFD000  }
0x52: {  	s9 =	simm.s32 $0x0;
	s8 =	smul.u32 $0x1800, s8;
	_ =	swait.ge @!p0 [sflag:s7], $0x3000  }
0x53: {  	s9 =	sand.u32 $0x380, s9;
	[sflag:s7] =	ssyncset.done @!p0 $0x0  }
0x54: {  	s9 =	sor.u32 s9, s8;
	[sflag:s7] =	ssyncadd.s32 @!p0 $0xFFFFD000  }
0x55: {  	v3 =	vld [tilespmem:s9+$0x3470]  }
0x56: {  	v4 =	vld [tilespmem:s9+$0x9470]  }
0x57: {  	v5 =	vld [tilespmem:s9+$0x2000]  }
0x58: {  	v6 =	vld [tilespmem:s9+$0x8000]  }
0x59: {  	v7 =	vld [tilespmem:s9+$0x2010]  }
0x5a: {  	v8 =	vld [tilespmem:s9+$0x8010]  }
0x5b: {  	v9 =	vld [tilespmem:s9+$0x2020]  }
0x5c: {  	v10 =	vld [tilespmem:s9+$0x2030];
	v3 =	vadd.f32 v4, v3  }
0x5d: {  	v4 =	vld [tilespmem:s9+$0x8020]  }
0x5e: {  	v5 =	vadd.f32 v6, v5;
	[tilespmem:s9+$0xF470] =	vst v3;
	v3 =	vld [tilespmem:s9+$0x8030]  }
0x5f: {  	v6 =	vld [tilespmem:s9+$0x2040]  }
0x60: {  	[tilespmem:s9+$0xE000] =	vst v5;
	v5 =	vadd.f32 v8, v7;
	v7 =	vld [tilespmem:s9+$0x8040]  }
0x61: {  	v8 =	vld [tilespmem:s9+$0x8050]  }
0x62: {  	[tilespmem:s9+$0xE010] =	vst v5;
	v5 =	vld [tilespmem:s9+$0x2050];
	v4 =	vadd.f32 v4, v9  }
0x63: {  	v9 =	vld [tilespmem:s9+$0x8060];
	v3 =	vadd.f32 v3, v10  }
0x64: {  	[tilespmem:s9+$0xE020] =	vst v4;
	v4 =	vld [tilespmem:s9+$0x2060]  }
0x65: {  	[tilespmem:s9+$0xE030] =	vst v3;
	v3 =	vadd.f32 v7, v6;
	v6 =	vld [tilespmem:s9+$0x2070]  }
0x66: {  	v7 =	vld [tilespmem:s9+$0x8070]  }
0x67: {  	[tilespmem:s9+$0xE040] =	vst v3;
	v3 =	vadd.f32 v8, v5;
	v5 =	vld [tilespmem:s9+$0x2400]  }
0x68: {  	v8 =	vld [tilespmem:s9+$0x8400]  }
0x69: {  	[tilespmem:s9+$0xE050] =	vst v3;
	v3 =	vadd.f32 v9, v4;
	v4 =	vld [tilespmem:s9+$0x2410]  }
0x6a: {  	v9 =	vld [tilespmem:s9+$0x8410]  }
0x6b: {  	[tilespmem:s9+$0xE060] =	vst v3;
	v3 =	vadd.f32 v7, v6;
	v6 =	vld [tilespmem:s9+$0x2420]  }
0x6c: {  	v7 =	vld [tilespmem:s9+$0x8420]  }
0x6d: {  	[tilespmem:s9+$0xE070] =	vst v3;
	v3 =	vadd.f32 v8, v5;
	v5 =	vld [tilespmem:s9+$0x2430]  }
0x6e: {  	v8 =	vld [tilespmem:s9+$0x8430]  }
0x6f: {  	[tilespmem:s9+$0xE400] =	vst v3;
	v3 =	vadd.f32 v9, v4;
	v4 =	vld [tilespmem:s9+$0x2440]  }
0x70: {  	v9 =	vld [tilespmem:s9+$0x8440]  }
0x71: {  	[tilespmem:s9+$0xE410] =	vst v3;
	v3 =	vadd.f32 v7, v6;
	v6 =	vld [tilespmem:s9+$0x2450]  }
0x72: {  	v7 =	vld [tilespmem:s9+$0x8450]  }
0x73: {  	[tilespmem:s9+$0xE420] =	vst v3;
	v3 =	vadd.f32 v8, v5;
	v5 =	vld [tilespmem:s9+$0x2460]  }
0x74: {  	v8 =	vld [tilespmem:s9+$0x8460]  }
0x75: {  	[tilespmem:s9+$0xE430] =	vst v3;
	v3 =	vadd.f32 v9, v4;
	v4 =	vld [tilespmem:s9+$0x2470]  }
0x76: {  	v9 =	vld [tilespmem:s9+$0x8470]  }
0x77: {  	[tilespmem:s9+$0xE440] =	vst v3;
	v3 =	vadd.f32 v7, v6;
	v6 =	vld [tilespmem:s9+$0x2800]  }
0x78: {  	v7 =	vld [tilespmem:s9+$0x8800]  }
0x79: {  	[tilespmem:s9+$0xE450] =	vst v3;
	v3 =	vadd.f32 v8, v5;
	v5 =	vld [tilespmem:s9+$0x2810]  }
0x7a: {  	v8 =	vld [tilespmem:s9+$0x8810]  }
0x7b: {  	[tilespmem:s9+$0xE460] =	vst v3;
	v3 =	vadd.f32 v9, v4;
	v4 =	vld [tilespmem:s9+$0x2820]  }
0x7c: {  	v9 =	vld [tilespmem:s9+$0x8820]  }
0x7d: {  	[tilespmem:s9+$0xE470] =	vst v3;
	v3 =	vadd.f32 v7, v6;
	v6 =	vld [tilespmem:s9+$0x2830]  }
0x7e: {  	v7 =	vld [tilespmem:s9+$0x8830]  }
0x7f: {  	[tilespmem:s9+$0xE800] =	vst v3;
	v3 =	vadd.f32 v8, v5;
	v5 =	vld [tilespmem:s9+$0x2840]  }
0x80: {  	v8 =	vld [tilespmem:s9+$0x8840]  }
0x81: {  	[tilespmem:s9+$0xE810] =	vst v3;
	v3 =	vadd.f32 v9, v4;
	v4 =	vld [tilespmem:s9+$0x2850]  }
0x82: {  	v9 =	vld [tilespmem:s9+$0x8850]  }
0x83: {  	[tilespmem:s9+$0xE820] =	vst v3;
	v3 =	vadd.f32 v7, v6;
	v6 =	vld [tilespmem:s9+$0x2860]  }
0x84: {  	v7 =	vld [tilespmem:s9+$0x8860]  }
0x85: {  	[tilespmem:s9+$0xE830] =	vst v3;
	v3 =	vadd.f32 v8, v5;
	v5 =	vld [tilespmem:s9+$0x2870]  }
0x86: {  	v8 =	vld [tilespmem:s9+$0x8870]  }
0x87: {  	[tilespmem:s9+$0xE840] =	vst v3;
	v3 =	vadd.f32 v9, v4;
	v4 =	vld [tilespmem:s9+$0x2C00]  }
0x88: {  	v9 =	vld [tilespmem:s9+$0x8C00]  }
0x89: {  	[tilespmem:s9+$0xE850] =	vst v3;
	v3 =	vadd.f32 v7, v6;
	v6 =	vld [tilespmem:s9+$0x2C10]  }
0x8a: {  	v7 =	vld [tilespmem:s9+$0x8C10]  }
0x8b: {  	[tilespmem:s9+$0xE860] =	vst v3;
	v3 =	vadd.f32 v8, v5;
	v5 =	vld [tilespmem:s9+$0x2C20]  }
0x8c: {  	v8 =	vld [tilespmem:s9+$0x8C20]  }
0x8d: {  	[tilespmem:s9+$0xE870] =	vst v3;
	v3 =	vadd.f32 v9, v4;
	v4 =	vld [tilespmem:s9+$0x2C30]  }
0x8e: {  	v9 =	vld [tilespmem:s9+$0x8C30]  }
0x8f: {  	[tilespmem:s9+$0xEC00] =	vst v3;
	v3 =	vadd.f32 v7, v6;
	v6 =	vld [tilespmem:s9+$0x2C40]  }
0x90: {  	v7 =	vld [tilespmem:s9+$0x8C40]  }
0x91: {  	[tilespmem:s9+$0xEC10] =	vst v3;
	v3 =	vadd.f32 v8, v5;
	v5 =	vld [tilespmem:s9+$0x2C50]  }
0x92: {  	v8 =	vld [tilespmem:s9+$0x8C50]  }
0x93: {  	[tilespmem:s9+$0xEC20] =	vst v3;
	v3 =	vadd.f32 v9, v4;
	v4 =	vld [tilespmem:s9+$0x2C60]  }
0x94: {  	v9 =	vld [tilespmem:s9+$0x8C60]  }
0x95: {  	[tilespmem:s9+$0xEC30] =	vst v3;
	v3 =	vadd.f32 v7, v6;
	v6 =	vld [tilespmem:s9+$0x2C70]  }
0x96: {  	v7 =	vld [tilespmem:s9+$0x8C70]  }
0x97: {  	[tilespmem:s9+$0xEC40] =	vst v3;
	v3 =	vadd.f32 v8, v5;
	v5 =	vld [tilespmem:s9+$0x3000]  }
0x98: {  	v8 =	vld [tilespmem:s9+$0x9000]  }
0x99: {  	[tilespmem:s9+$0xEC50] =	vst v3;
	v3 =	vadd.f32 v9, v4;
	v4 =	vld [tilespmem:s9+$0x3010]  }
0x9a: {  	v9 =	vld [tilespmem:s9+$0x9010]  }
0x9b: {  	[tilespmem:s9+$0xEC60] =	vst v3;
	v3 =	vadd.f32 v7, v6;
	v6 =	vld [tilespmem:s9+$0x3020]  }
0x9c: {  	v7 =	vld [tilespmem:s9+$0x9020]  }
0x9d: {  	[tilespmem:s9+$0xEC70] =	vst v3;
	v3 =	vadd.f32 v8, v5;
	v5 =	vld [tilespmem:s9+$0x3030]  }
0x9e: {  	v8 =	vld [tilespmem:s9+$0x9030]  }
0x9f: {  	[tilespmem:s9+$0xF000] =	vst v3;
	v3 =	vadd.f32 v9, v4;
	v4 =	vld [tilespmem:s9+$0x3040]  }
0xa0: {  	v9 =	vld [tilespmem:s9+$0x9040]  }
0xa1: {  	[tilespmem:s9+$0xF010] =	vst v3;
	v3 =	vadd.f32 v7, v6;
	v6 =	vld [tilespmem:s9+$0x3050]  }
0xa2: {  	v7 =	vld [tilespmem:s9+$0x9050]  }
0xa3: {  	[tilespmem:s9+$0xF020] =	vst v3;
	v3 =	vadd.f32 v8, v5;
	v5 =	vld [tilespmem:s9+$0x3060]  }
0xa4: {  	v8 =	vld [tilespmem:s9+$0x9060]  }
0xa5: {  	[tilespmem:s9+$0xF030] =	vst v3;
	v3 =	vadd.f32 v9, v4;
	v4 =	vld [tilespmem:s9+$0x3070]  }
0xa6: {  	v9 =	vld [tilespmem:s9+$0x9070]  }
0xa7: {  	[tilespmem:s9+$0xF040] =	vst v3;
	v3 =	vadd.f32 v7, v6;
	v6 =	vld [tilespmem:s9+$0x3400]  }
0xa8: {  	v7 =	vld [tilespmem:s9+$0x9400]  }
0xa9: {  	[tilespmem:s9+$0xF050] =	vst v3;
	v3 =	vadd.f32 v8, v5;
	v5 =	vld [tilespmem:s9+$0x3410]  }
0xaa: {  	v8 =	vld [tilespmem:s9+$0x9410]  }
0xab: {  	v10 =	vld [tilespmem:s9+$0x9420]  }
0xac: {  	[tilespmem:s9+$0xF060] =	vst v3;
	v3 =	vadd.f32 v9, v4;
	v9 =	vld [tilespmem:s9+$0x3420]  }
0xad: {  	v4 =	vld [tilespmem:s9+$0x3430]  }
0xae: {  	[tilespmem:s9+$0xF070] =	vst v3;
	v3 =	vadd.f32 v7, v6;
	v7 =	vld [tilespmem:s9+$0x9430]  }
0xaf: {  	v6 =	vadd.f32 v8, v5;
	v5 =	vld [tilespmem:s9+$0x9440]  }
0xb0: {  	s16 =	sshll.u32 s21, $0x5;
	[tilespmem:s9+$0xF400] =	vst v3;
	v3 =	vld [tilespmem:s9+$0x3440]  }
0xb1: {  	s22 =	sshll.u32 s21, $0x1;
	s18 =	simm.s32 $0x0;
	s12 =	simm.s32 $0x80;
	v8 =	vld [tilespmem:s9+$0x9450];
	v9 =	vadd.f32 v10, v9  }
0xb2: {  	s8 =	sor.u32 s6, s16;
	s16 =	smul.u32 $0x1800, s18;
	s7 =	simm.s32 $0x2;
	[tilespmem:s9+$0xF410] =	vst v6;
	v6 =	vld [tilespmem:s9+$0x3450]  }
.LBB2_3:
0xb3: {  	p1 =	sne.s32 s7, $0xF;
	s18 =	sand.u32 $0x380, s12;
	[tilespmem:s9+$0xF420] =	vst v9;
	v4 =	vadd.f32 v7, v4;
	v7 =	vld [tilespmem:s9+$0x3460]  }
0xb4: {  	s16 =	sor.u32 s18, s16;
	v9 =	vld [tilespmem:s9+$0x9460]  }
0xb5: {  	v10 =	vld [tilespmem:s16+$0x3470];
	[tilespmem:s9+$0xF430] =	vst v4;
	v3 =	vadd.f32 v5, v3  }
0xb6: {  	v4 =	vld [tilespmem:s16+$0x9470]  }
0xb7: {  	v5 =	vld [tilespmem:s16+$0x2000];
	[tilespmem:s9+$0xF440] =	vst v3;
	v3 =	vadd.f32 v8, v6  }
0xb8: {  	v6 =	vld [tilespmem:s16+$0x8000]  }
0xb9: {  	v8 =	vld [tilespmem:s16+$0x2010];
	[tilespmem:s9+$0xF450] =	vst v3;
	v3 =	vadd.f32 v9, v7  }
0xba: {  	v7 =	vld [tilespmem:s16+$0x8010]  }
0xbb: {  	v9 =	vld [tilespmem:s16+$0x2020];
	v4 =	vadd.f32 v4, v10;
	[tilespmem:s9+$0xF460] =	vst v3;
	s9 =	smov.u32 s16  }
0xbc: {  	v3 =	vld [tilespmem:s9+$0x8020]  }
0xbd: {  	v5 =	vadd.f32 v6, v5;
	v6 =	vld [tilespmem:s9+$0x2030];
	[tilespmem:s9+$0xF470] =	vst v4  }
0xbe: {  	v4 =	vld [tilespmem:s9+$0x8030]  }
0xbf: {  	[tilespmem:s9+$0xE000] =	vst v5;
	v5 =	vadd.f32 v7, v8;
	v7 =	vld [tilespmem:s9+$0x2040]  }
0xc0: {  	v8 =	vld [tilespmem:s9+$0x8040]  }
0xc1: {  	[tilespmem:s9+$0xE010] =	vst v5;
	v3 =	vadd.f32 v3, v9;
	v5 =	vld [tilespmem:s9+$0x2050]  }
0xc2: {  	v9 =	vld [tilespmem:s9+$0x8050]  }
0xc3: {  	[tilespmem:s9+$0xE020] =	vst v3;
	v3 =	vadd.f32 v4, v6;
	v4 =	vld [tilespmem:s9+$0x2060]  }
0xc4: {  	v6 =	vld [tilespmem:s9+$0x8060]  }
0xc5: {  	[tilespmem:s9+$0xE030] =	vst v3;
	v3 =	vadd.f32 v8, v7;
	v7 =	vld [tilespmem:s9+$0x2070]  }
0xc6: {  	v8 =	vld [tilespmem:s9+$0x8070]  }
0xc7: {  	[tilespmem:s9+$0xE040] =	vst v3;
	v3 =	vadd.f32 v9, v5;
	v5 =	vld [tilespmem:s9+$0x2400]  }
0xc8: {  	v9 =	vld [tilespmem:s9+$0x8400]  }
0xc9: {  	[tilespmem:s9+$0xE050] =	vst v3;
	v3 =	vadd.f32 v6, v4;
	v4 =	vld [tilespmem:s9+$0x2410]  }
0xca: {  	v6 =	vld [tilespmem:s9+$0x8410]  }
0xcb: {  	[tilespmem:s9+$0xE060] =	vst v3;
	v3 =	vadd.f32 v8, v7;
	v7 =	vld [tilespmem:s9+$0x2420]  }
0xcc: {  	v8 =	vld [tilespmem:s9+$0x8420]  }
0xcd: {  	[tilespmem:s9+$0xE070] =	vst v3;
	v3 =	vadd.f32 v9, v5;
	v5 =	vld [tilespmem:s9+$0x2430]  }
0xce: {  	v9 =	vld [tilespmem:s9+$0x8430]  }
0xcf: {  	[tilespmem:s9+$0xE400] =	vst v3;
	v3 =	vadd.f32 v6, v4;
	v4 =	vld [tilespmem:s9+$0x2440]  }
0xd0: {  	v6 =	vld [tilespmem:s9+$0x8440]  }
0xd1: {  	[tilespmem:s9+$0xE410] =	vst v3;
	v3 =	vadd.f32 v8, v7;
	v7 =	vld [tilespmem:s9+$0x2450]  }
0xd2: {  	v8 =	vld [tilespmem:s9+$0x8450]  }
0xd3: {  	[tilespmem:s9+$0xE420] =	vst v3;
	v3 =	vadd.f32 v9, v5;
	v5 =	vld [tilespmem:s9+$0x2460]  }
0xd4: {  	v9 =	vld [tilespmem:s9+$0x8460]  }
0xd5: {  	[tilespmem:s9+$0xE430] =	vst v3;
	v3 =	vadd.f32 v6, v4;
	v4 =	vld [tilespmem:s9+$0x2470]  }
0xd6: {  	v6 =	vld [tilespmem:s9+$0x8470]  }
0xd7: {  	[tilespmem:s9+$0xE440] =	vst v3;
	v3 =	vadd.f32 v8, v7;
	v7 =	vld [tilespmem:s9+$0x2800]  }
0xd8: {  	v8 =	vld [tilespmem:s9+$0x8800]  }
0xd9: {  	[tilespmem:s9+$0xE450] =	vst v3;
	v3 =	vadd.f32 v9, v5;
	v5 =	vld [tilespmem:s9+$0x2810]  }
0xda: {  	v9 =	vld [tilespmem:s9+$0x8810]  }
0xdb: {  	[tilespmem:s9+$0xE460] =	vst v3;
	v3 =	vadd.f32 v6, v4;
	v4 =	vld [tilespmem:s9+$0x2820]  }
0xdc: {  	v6 =	vld [tilespmem:s9+$0x8820]  }
0xdd: {  	[tilespmem:s9+$0xE470] =	vst v3;
	v3 =	vadd.f32 v8, v7;
	v7 =	vld [tilespmem:s9+$0x2830]  }
0xde: {  	v8 =	vld [tilespmem:s9+$0x8830]  }
0xdf: {  	[tilespmem:s9+$0xE800] =	vst v3;
	v3 =	vadd.f32 v9, v5;
	v5 =	vld [tilespmem:s9+$0x2840]  }
0xe0: {  	v9 =	vld [tilespmem:s9+$0x8840]  }
0xe1: {  	[tilespmem:s9+$0xE810] =	vst v3;
	v3 =	vadd.f32 v6, v4;
	v4 =	vld [tilespmem:s9+$0x2850]  }
0xe2: {  	v6 =	vld [tilespmem:s9+$0x8850]  }
0xe3: {  	[tilespmem:s9+$0xE820] =	vst v3;
	v3 =	vadd.f32 v8, v7;
	v7 =	vld [tilespmem:s9+$0x2860]  }
0xe4: {  	v8 =	vld [tilespmem:s9+$0x8860]  }
0xe5: {  	[tilespmem:s9+$0xE830] =	vst v3;
	v3 =	vadd.f32 v9, v5;
	v5 =	vld [tilespmem:s9+$0x2870]  }
0xe6: {  	v9 =	vld [tilespmem:s9+$0x8870]  }
0xe7: {  	[tilespmem:s9+$0xE840] =	vst v3;
	v3 =	vadd.f32 v6, v4;
	v4 =	vld [tilespmem:s9+$0x2C00]  }
0xe8: {  	v6 =	vld [tilespmem:s9+$0x8C00]  }
0xe9: {  	[tilespmem:s9+$0xE850] =	vst v3;
	v3 =	vadd.f32 v8, v7;
	v7 =	vld [tilespmem:s9+$0x2C10]  }
0xea: {  	v8 =	vld [tilespmem:s9+$0x8C10]  }
0xeb: {  	[tilespmem:s9+$0xE860] =	vst v3;
	v3 =	vadd.f32 v9, v5;
	v5 =	vld [tilespmem:s9+$0x2C20]  }
0xec: {  	v9 =	vld [tilespmem:s9+$0x8C20]  }
0xed: {  	[tilespmem:s9+$0xE870] =	vst v3;
	v3 =	vadd.f32 v6, v4;
	v4 =	vld [tilespmem:s9+$0x2C30]  }
0xee: {  	v6 =	vld [tilespmem:s9+$0x8C30]  }
0xef: {  	[tilespmem:s9+$0xEC00] =	vst v3;
	v3 =	vadd.f32 v8, v7;
	v7 =	vld [tilespmem:s9+$0x2C40]  }
0xf0: {  	v8 =	vld [tilespmem:s9+$0x8C40]  }
0xf1: {  	[tilespmem:s9+$0xEC10] =	vst v3;
	v3 =	vadd.f32 v9, v5;
	v5 =	vld [tilespmem:s9+$0x2C50]  }
0xf2: {  	v9 =	vld [tilespmem:s9+$0x8C50]  }
0xf3: {  	[tilespmem:s9+$0xEC20] =	vst v3;
	v3 =	vadd.f32 v6, v4;
	v4 =	vld [tilespmem:s9+$0x2C60]  }
0xf4: {  	v6 =	vld [tilespmem:s9+$0x8C60]  }
0xf5: {  	[tilespmem:s9+$0xEC30] =	vst v3;
	v3 =	vadd.f32 v8, v7;
	v7 =	vld [tilespmem:s9+$0x2C70]  }
0xf6: {  	v8 =	vld [tilespmem:s9+$0x8C70]  }
0xf7: {  	[tilespmem:s9+$0xEC40] =	vst v3;
	v3 =	vadd.f32 v9, v5;
	v5 =	vld [tilespmem:s9+$0x3000]  }
0xf8: {  	v9 =	vld [tilespmem:s9+$0x9000]  }
0xf9: {  	[tilespmem:s9+$0xEC50] =	vst v3;
	v3 =	vadd.f32 v6, v4;
	v4 =	vld [tilespmem:s9+$0x3010]  }
0xfa: {  	v6 =	vld [tilespmem:s9+$0x9010]  }
0xfb: {  	[tilespmem:s9+$0xEC60] =	vst v3;
	v3 =	vadd.f32 v8, v7;
	v7 =	vld [tilespmem:s9+$0x3020]  }
0xfc: {  	v8 =	vld [tilespmem:s9+$0x9020]  }
0xfd: {  	[tilespmem:s9+$0xEC70] =	vst v3;
	v3 =	vadd.f32 v9, v5;
	v5 =	vld [tilespmem:s9+$0x3030]  }
0xfe: {  	v9 =	vld [tilespmem:s9+$0x9030]  }
0xff: {  	[tilespmem:s9+$0xF000] =	vst v3;
	v3 =	vadd.f32 v6, v4;
	v4 =	vld [tilespmem:s9+$0x3040]  }
0x100: {  	v6 =	vld [tilespmem:s9+$0x9040]  }
0x101: {  	[tilespmem:s9+$0xF010] =	vst v3;
	v3 =	vadd.f32 v8, v7;
	v7 =	vld [tilespmem:s9+$0x3050]  }
0x102: {  	v8 =	vld [tilespmem:s9+$0x9050]  }
0x103: {  	[tilespmem:s9+$0xF020] =	vst v3;
	v3 =	vadd.f32 v9, v5;
	v5 =	vld [tilespmem:s9+$0x3060]  }
0x104: {  	v9 =	vld [tilespmem:s9+$0x9060]  }
0x105: {  	[tilespmem:s9+$0xF030] =	vst v3;
	v3 =	vadd.f32 v6, v4;
	v4 =	vld [tilespmem:s9+$0x3070]  }
0x106: {  	v6 =	vld [tilespmem:s9+$0x9070]  }
0x107: {  	[tilespmem:s9+$0xF040] =	vst v3;
	v3 =	vadd.f32 v8, v7;
	v7 =	vld [tilespmem:s9+$0x3400]  }
0x108: {  	v8 =	vld [tilespmem:s9+$0x9400]  }
0x109: {  	[tilespmem:s9+$0xF050] =	vst v3;
	v3 =	vadd.f32 v9, v5;
	v5 =	vld [tilespmem:s9+$0x3410]  }
0x10a: {  	v9 =	vld [tilespmem:s9+$0x9410]  }
0x10b: {  	[tilespmem:s9+$0xF060] =	vst v3;
	v3 =	vadd.f32 v6, v4;
	v6 =	vld [tilespmem:s9+$0x3420]  }
0x10c: {  	v10 =	vld [tilespmem:s9+$0x9420]  }
0x10d: {  	[tilespmem:s9+$0xF070] =	vst v3;
	v3 =	vadd.f32 v8, v7;
	v4 =	vld [tilespmem:s9+$0x3430]  }
.Ltmp2:
0x10e: {  	v7 =	vld [tilespmem:s9+$0x9430];
	(pc) =	sbr.rel @p1 .LBB2_3-.Ltmp2, $4  }
0x10f: {  	[tilespmem:s9+$0xF400] =	vst v3;
	v8 =	vadd.f32 v9, v5;
	v3 =	vld [tilespmem:s9+$0x3440]  }
0x110: {  	v5 =	vld [tilespmem:s9+$0x9440]  }
0x111: {  	s16 =	sshrl.u32 s7, $0x3;
	[tilespmem:s9+$0xF410] =	vst v8;
	v9 =	vadd.f32 v10, v6;
	v6 =	vld [tilespmem:s9+$0x3450]  }
0x112: {  	s12 =	sadd.s32 $0x80, s12;
	s7 =	sadd.s32 $0x1, s7;
	s16 =	smul.u32 $0x1800, s16;
	v8 =	vld [tilespmem:s9+$0x9450]  }
0x113: {  	[tilespmem:s9+$0xF420] =	vst v9;
	s7 =	sand.u32 $0x380, s12;
	v9 =	vld [tilespmem:s9+$0x3460];
	v4 =	vadd.f32 v7, v4  }
0x114: {  	v7 =	vld [tilespmem:s9+$0x9460];
	s7 =	sor.u32 s7, s16  }
0x115: {  	v10 =	vld [tilespmem:s7+$0x3470];
	[tilespmem:s9+$0xF430] =	vst v4;
	v3 =	vadd.f32 v5, v3  }
0x116: {  	v4 =	vld [tilespmem:s7+$0x9470]  }
0x117: {  	v5 =	vld [tilespmem:s7+$0x2000];
	[tilespmem:s9+$0xF440] =	vst v3;
	v3 =	vadd.f32 v8, v6  }
0x118: {  	v6 =	vld [tilespmem:s7+$0x8000]  }
0x119: {  	v8 =	vld [tilespmem:s7+$0x2010];
	[tilespmem:s9+$0xF450] =	vst v3;
	v3 =	vadd.f32 v7, v9  }
0x11a: {  	v7 =	vld [tilespmem:s7+$0x8010]  }
0x11b: {  	v9 =	vld [tilespmem:s7+$0x2020];
	[tilespmem:s9+$0xF460] =	vst v3  }
0x11c: {  	v3 =	vld [tilespmem:s7+$0x8020]  }
0x11d: {  	v11 =	vld [tilespmem:s7+$0x2030]  }
0x11e: {  	v12 =	vld [tilespmem:s7+$0x8030]  }
0x11f: {  	v13 =	vld [tilespmem:s7+$0x2040]  }
0x120: {  	v14 =	vld [tilespmem:s7+$0x8040]  }
0x121: {  	v15 =	vld [tilespmem:s7+$0x2050]  }
0x122: {  	v16 =	vld [tilespmem:s7+$0x8050]  }
0x123: {  	v17 =	vld [tilespmem:s7+$0x2060]  }
0x124: {  	v18 =	vld [tilespmem:s7+$0x8060]  }
0x125: {  	v19 =	vld [tilespmem:s7+$0x2070]  }
0x126: {  	v20 =	vld [tilespmem:s7+$0x8070]  }
0x127: {  	v21 =	vld [tilespmem:s7+$0x2400]  }
0x128: {  	v22 =	vld [tilespmem:s7+$0x8400]  }
0x129: {  	v23 =	vld [tilespmem:s7+$0x2410]  }
0x12a: {  	v24 =	vld [tilespmem:s7+$0x8410]  }
0x12b: {  	v25 =	vld [tilespmem:s7+$0x2420]  }
0x12c: {  	v26 =	vld [tilespmem:s7+$0x8420]  }
0x12d: {  	v27 =	vld [tilespmem:s7+$0x2430]  }
0x12e: {  	v28 =	vld [tilespmem:s7+$0x8430]  }
0x12f: {  	v29 =	vld [tilespmem:s7+$0x2440]  }
0x130: {  	v30 =	vld [tilespmem:s7+$0x8440]  }
0x131: {  	v31 =	vld [tilespmem:s7+$0x2450]  }
0x132: {  	v32 =	vld [tilespmem:s7+$0x8450]  }
0x133: {  	v33 =	vld [tilespmem:s7+$0x2460]  }
0x134: {  	v34 =	vld [tilespmem:s7+$0x8460]  }
0x135: {  	v35 =	vld [tilespmem:s7+$0x2470]  }
0x136: {  	v36 =	vld [tilespmem:s7+$0x8470]  }
0x137: {  	v37 =	vld [tilespmem:s7+$0x2800]  }
0x138: {  	v38 =	vld [tilespmem:s7+$0x8800]  }
0x139: {  	v39 =	vld [tilespmem:s7+$0x2810]  }
0x13a: {  	v40 =	vld [tilespmem:s7+$0x8810]  }
0x13b: {  	v41 =	vld [tilespmem:s7+$0x2820]  }
0x13c: {  	v42 =	vld [tilespmem:s7+$0x8820]  }
0x13d: {  	v43 =	vld [tilespmem:s7+$0x2830]  }
0x13e: {  	v44 =	vld [tilespmem:s7+$0x8830]  }
0x13f: {  	v45 =	vld [tilespmem:s7+$0x2840]  }
0x140: {  	v46 =	vld [tilespmem:s7+$0x8840]  }
0x141: {  	v47 =	vld [tilespmem:s7+$0x2850]  }
0x142: {  	v48 =	vld [tilespmem:s7+$0x8850]  }
0x143: {  	v49 =	vld [tilespmem:s7+$0x2860]  }
0x144: {  	v50 =	vld [tilespmem:s7+$0x8860]  }
0x145: {  	v51 =	vld [tilespmem:s7+$0x2870]  }
0x146: {  	v52 =	vld [tilespmem:s7+$0x8870]  }
0x147: {  	v53 =	vld [tilespmem:s7+$0x2C00]  }
0x148: {  	v54 =	vld [tilespmem:s7+$0x8C00]  }
0x149: {  	v55 =	vld [tilespmem:s7+$0x2C10]  }
0x14a: {  	v4 =	vadd.f32 v4, v10;
	v10 =	vld [tilespmem:s7+$0x8C10]  }
0x14b: {  	v58 =	vld [tilespmem:s7+$0x2C60];
	v5 =	vadd.f32 v6, v5  }
0x14c: {  	v59 =	vld [tilespmem:s7+$0x8C60];
	[tilespmem:s7+$0xF470] =	vst v4;
	v4 =	vadd.f32 v7, v8  }
0x14d: {  	v60 =	vld [tilespmem:s7+$0x2C70];
	[tilespmem:s7+$0xE000] =	vst v5;
	v3 =	vadd.f32 v3, v9  }
0x14e: {  	v61 =	vld [tilespmem:s7+$0x8C70];
	[tilespmem:s7+$0xE010] =	vst v4;
	v4 =	vadd.f32 v12, v11  }
0x14f: {  	v62 =	vld [tilespmem:s7+$0x3000];
	[tilespmem:s7+$0xE020] =	vst v3;
	v3 =	vadd.f32 v14, v13  }
0x150: {  	v63 =	vld [tilespmem:s7+$0x9000];
	[tilespmem:s7+$0xE030] =	vst v4;
	v4 =	vadd.f32 v16, v15  }
0x151: {  	v56 =	vld [tilespmem:s7+$0x9050];
	[tilespmem:s7+$0xE040] =	vst v3;
	v3 =	vadd.f32 v18, v17  }
0x152: {  	v57 =	vld [tilespmem:s7+$0x3060];
	[tilespmem:s7+$0xE050] =	vst v4;
	v4 =	vadd.f32 v20, v19  }
0x153: {  	v6 =	vld [tilespmem:s7+$0x2C20];
	[tilespmem:s7+$0xE060] =	vst v3;
	v3 =	vadd.f32 v22, v21  }
0x154: {  	v7 =	vld [tilespmem:s7+$0x8C20];
	[tilespmem:s7+$0xE070] =	vst v4;
	v4 =	vadd.f32 v24, v23  }
0x155: {  	v5 =	vld [tilespmem:s7+$0x2C30];
	[tilespmem:s7+$0xE400] =	vst v3;
	v3 =	vadd.f32 v26, v25  }
0x156: {  	v8 =	vld [tilespmem:s7+$0x8C30];
	[tilespmem:s7+$0xE410] =	vst v4;
	v4 =	vadd.f32 v28, v27  }
0x157: {  	v9 =	vld [tilespmem:s7+$0x2C40];
	[tilespmem:s7+$0xE420] =	vst v3;
	v3 =	vadd.f32 v30, v29  }
0x158: {  	v11 =	vld [tilespmem:s7+$0x8C40];
	[tilespmem:s7+$0xE430] =	vst v4;
	v4 =	vadd.f32 v32, v31  }
0x159: {  	v12 =	vld [tilespmem:s7+$0x2C50];
	[tilespmem:s7+$0xE440] =	vst v3;
	v3 =	vadd.f32 v34, v33  }
0x15a: {  	v13 =	vld [tilespmem:s7+$0x8C50];
	[tilespmem:s7+$0xE450] =	vst v4;
	v4 =	vadd.f32 v36, v35  }
0x15b: {  	v34 =	vld [tilespmem:s7+$0x3010];
	[tilespmem:s7+$0xE460] =	vst v3;
	v3 =	vadd.f32 v38, v37  }
0x15c: {  	v36 =	vld [tilespmem:s7+$0x9010];
	[tilespmem:s7+$0xE470] =	vst v4;
	v4 =	vadd.f32 v40, v39  }
0x15d: {  	v38 =	vld [tilespmem:s7+$0x3020];
	[tilespmem:s7+$0xE800] =	vst v3;
	v3 =	vadd.f32 v42, v41  }
0x15e: {  	v40 =	vld [tilespmem:s7+$0x9020];
	[tilespmem:s7+$0xE810] =	vst v4;
	v4 =	vadd.f32 v44, v43  }
0x15f: {  	v42 =	vld [tilespmem:s7+$0x3030];
	[tilespmem:s7+$0xE820] =	vst v3;
	v3 =	vadd.f32 v46, v45  }
0x160: {  	v44 =	vld [tilespmem:s7+$0x9030];
	[tilespmem:s7+$0xE830] =	vst v4;
	v4 =	vadd.f32 v48, v47  }
0x161: {  	v46 =	vld [tilespmem:s7+$0x3040];
	[tilespmem:s7+$0xE840] =	vst v3;
	v3 =	vadd.f32 v50, v49  }
0x162: {  	v48 =	vld [tilespmem:s7+$0x9040];
	[tilespmem:s7+$0xE850] =	vst v4;
	v4 =	vadd.f32 v52, v51  }
0x163: {  	v50 =	vld [tilespmem:s7+$0x3050];
	[tilespmem:s7+$0xE860] =	vst v3;
	v3 =	vadd.f32 v54, v53  }
0x164: {  	[tilespmem:s7+$0xE870] =	vst v4;
	v4 =	vadd.f32 v10, v55;
	v10 =	vld [tilespmem:s7+$0x9060]  }
0x165: {  	[tilespmem:s7+$0xEC00] =	vst v3;
	v3 =	vadd.f32 v7, v6;
	v6 =	vld [tilespmem:s7+$0x3070]  }
0x166: {  	[tilespmem:s7+$0xEC10] =	vst v4;
	v4 =	vadd.f32 v8, v5;
	v5 =	vld [tilespmem:s7+$0x9070]  }
0x167: {  	v7 =	vld [tilespmem:s7+$0x3400];
	[tilespmem:s7+$0xEC20] =	vst v3;
	v3 =	vadd.f32 v11, v9  }
0x168: {  	v8 =	vld [tilespmem:s7+$0x9400];
	[tilespmem:s7+$0xEC30] =	vst v4;
	v4 =	vadd.f32 v13, v12  }
0x169: {  	v9 =	vld [tilespmem:s7+$0x3410];
	[tilespmem:s7+$0xEC40] =	vst v3;
	v3 =	vadd.f32 v59, v58  }
0x16a: {  	v11 =	vld [tilespmem:s7+$0x9410];
	[tilespmem:s7+$0xEC50] =	vst v4;
	v4 =	vadd.f32 v61, v60  }
0x16b: {  	v58 =	vld [tilespmem:s7+$0x3420];
	[tilespmem:s7+$0xEC60] =	vst v3;
	v3 =	vadd.f32 v63, v62  }
0x16c: {  	v59 =	vld [tilespmem:s7+$0x9420];
	[tilespmem:s7+$0xEC70] =	vst v4;
	v4 =	vadd.f32 v36, v34  }
0x16d: {  	v60 =	vld [tilespmem:s7+$0x3430];
	[tilespmem:s7+$0xF000] =	vst v3;
	v3 =	vadd.f32 v40, v38  }
0x16e: {  	v61 =	vld [tilespmem:s7+$0x9430];
	[tilespmem:s7+$0xF010] =	vst v4;
	v4 =	vadd.f32 v44, v42  }
0x16f: {  	v62 =	vld [tilespmem:s7+$0x3440];
	[tilespmem:s7+$0xF020] =	vst v3;
	v3 =	vadd.f32 v48, v46  }
0x170: {  	v63 =	vld [tilespmem:s7+$0x9440];
	[tilespmem:s7+$0xF030] =	vst v4;
	v4 =	vadd.f32 v56, v50  }
0x171: {  	[tilespmem:s7+$0xF040] =	vst v3;
	v3 =	vadd.f32 v10, v57;
	v10 =	vld [tilespmem:s7+$0x3450]  }
0x172: {  	[tilespmem:s7+$0xF050] =	vst v4;
	v4 =	vadd.f32 v5, v6;
	v5 =	vld [tilespmem:s7+$0x9450]  }
0x173: {  	v6 =	vld [tilespmem:s7+$0x3460];
	[tilespmem:s7+$0xF060] =	vst v3;
	v3 =	vadd.f32 v8, v7  }
0x174: {  	[tilespmem:s7+$0xF070] =	vst v4;
	v4 =	vadd.f32 v11, v9;
	v7 =	vld [tilespmem:s7+$0x9460]  }
0x175: {  	[tilespmem:s7+$0xF400] =	vst v3;
	v3 =	vadd.f32 v59, v58  }
0x176: {  	p1 =	seq.s32 s21, $0x1F;
	[tilespmem:s7+$0xF410] =	vst v4;
	v4 =	vadd.f32 v61, v60  }
0x177: {  	s9 =	sadd.s32 @!p1 $0x2, s22;
	[tilespmem:s7+$0xF420] =	vst v3;
	v3 =	vadd.f32 v63, v62  }
0x178: {  	s8 =	sshrl.u32 s8, $0x3;
	s12 =	sshll.u32 @!p1 s9, $0x4;
	[tilespmem:s7+$0xF430] =	vst v4;
	v4 =	vadd.f32 v5, v10  }
0x179: {  	s8 =	smul.u32 $0x300, s8;
	s12 =	sadd.s32 @!p1 s6, s12;
	[tilespmem:s7+$0xF440] =	vst v3;
	v3 =	vadd.f32 v7, v6  }
0x17a: {  	s12 =	sshrl.u32 @!p1 s12, $0x3;
	[tilespmem:s7+$0xF450] =	vst v4  }
0x17b: {  	s18 =	sadd.s32 s4, s8;
	s12 =	smul.u32 @!p1 $0x300, s12;
	[tilespmem:s7+$0xF460] =	vst v3  }
0x17c: {  	[hbm4b:s18+s5] =	stream.linear.scatter [tilespmem:s2], [sflag:$0x5], $0x3000, $0x38;
	[tilespmem:$0x14000] =	vst v63  }
0x17d: {  	s16 =	simm.s32 @!p1 $0x2000;
	s7 =	sadd.s32 @!p1 s1, s12;
	s12 =	simm.s32 @!p1 $0x0  }
0x17e: {  	[tilespmem:s16], [sflag:$0x1] =	stream.linear.gather @!p1 [hbm4b:s7+s12], $0x3000, $0x38;
	[tilespmem:$0x14000] =	vst v63  }
0x17f: {  	s7 =	sshll.u32 @!p1 s9, $0x7  }
0x180: {  	s7 =	sand.u32 @!p1 $0x3FFFFF80, s7  }
0x181: {  	v3 =	vld @!p1 [tilespmem:s7+$0x0];
	_ =	sdelay $0x4  }
0x182: {  	v4 =	vshrl.u32 @!p1 v3, $0x3  }
0x183: {  	v4 =	vmul.u32 @!p1 $0x30, v4  }
0x184: {  	v5 =	vlaneseq.u32 @!p1;
	v3 =	vand.u32 @!p1 $0x7, v3  }
0x185: {  	v6 =	vshrl.u32 @!p1 v5, $0x3;
	v3 =	vor.u32 @!p1 v3, v4;
	v4 =	vand.u32 @!p1 $0x7, v5  }
0x186: {  	v6 =	vmul.u32 @!p1 $0x8, v6;
	v4 =	vperm.xlane @!p1 v3, v4;
	_ =	sdelay $0x1  }
0x187: {  	v4 =	vadd.s32 @!p1 v6, v4;
	_ =	sdelay $0x2  }
0x188: {  	v5 =	vor.u32 @!p1 $0x8, v5  }
0x189: {  	vm1 =	vmmov @!p1 $0xffff;
	s7 =	simm.s32 @!p1 $0x8000;
	v3 =	vperm.xlane @!p1 v3, v5  }
0x18a: {  	[tilespmem:s7], [sflag:$0x3] =	stream.indirect_vreg.gather @!p1 [hbm4b:s3+s12], $0x80, v4, vm1, $0xb8;
	[tilespmem:$0x14000] =	vst v63  }
0x18b: {  	v3 =	vadd.s32 @!p1 v6, v3;
	s7 =	simm.s32 @!p1 $0x8800  }
0x18c: {  	[tilespmem:s7], [sflag:$0x3] =	stream.indirect_vreg.gather @!p1 [hbm4b:s10+s12], $0x80, v4, vm1, $0xb8;
	[tilespmem:$0x14000] =	vst v63  }
0x18d: {  	s7 =	simm.s32 @!p1 $0x9000  }
0x18e: {  	[tilespmem:s7], [sflag:$0x3] =	stream.indirect_vreg.gather @!p1 [hbm4b:s11+s12], $0x80, v4, vm1, $0xb8;
	[tilespmem:$0x14000] =	vst v63  }
0x18f: {  	s7 =	simm.s32 @!p1 $0x9800  }
0x190: {  	[tilespmem:s7], [sflag:$0x3] =	stream.indirect_vreg.gather @!p1 [hbm4b:s3+s12], $0x80, v3, vm1, $0xb8;
	[tilespmem:$0x14000] =	vst v63  }
0x191: {  	s7 =	simm.s32 @!p1 $0xA000  }
0x192: {  	[tilespmem:s7], [sflag:$0x3] =	stream.indirect_vreg.gather @!p1 [hbm4b:s10+s12], $0x80, v3, vm1, $0xb8;
	[tilespmem:$0x14000] =	vst v63  }
0x193: {  	s7 =	simm.s32 @!p1 $0xA800  }
0x194: {  	[tilespmem:s7], [sflag:$0x3] =	stream.indirect_vreg.gather @!p1 [hbm4b:s11+s12], $0x80, v3, vm1, $0xb8;
	[tilespmem:$0x14000] =	vst v63  }
0x195: {  	_ =	swait.ge [sflag:s0], $0x3000  }
0x196: {  	[sflag:s0] =	ssyncset.done $0x0  }
0x197: {  	[sflag:s0] =	ssyncadd.s32 $0xFFFFD000  }
0x198: {  	_ =	swait.ge [sflag:s14], $0x3000  }
0x199: {  	[sflag:s14] =	ssyncset.done $0x0  }
0x19a: {  	s7 =	simm.s32 @!p0 $0x6;
	s12 =	simm.s32 $0x0;
	[sflag:s14] =	ssyncadd.s32 $0xFFFFD000  }
0x19b: {  	s16 =	simm.s32 $0x0;
	s9 =	smul.u32 $0x1800, s12;
	_ =	swait.ge @!p0 [sflag:s7], $0x3000  }
0x19c: {  	s12 =	sand.u32 $0x380, s16;
	[sflag:s7] =	ssyncset.done @!p0 $0x0  }
0x19d: {  	s9 =	sor.u32 s12, s9;
	[sflag:s7] =	ssyncadd.s32 @!p0 $0xFFFFD000  }
0x19e: {  	v3 =	vld [tilespmem:s9+$0x6470]  }
0x19f: {  	v4 =	vld [tilespmem:s9+$0xC470]  }
0x1a0: {  	v5 =	vld [tilespmem:s9+$0x5000]  }
0x1a1: {  	v6 =	vld [tilespmem:s9+$0xB000]  }
0x1a2: {  	v7 =	vld [tilespmem:s9+$0x5010]  }
0x1a3: {  	v8 =	vld [tilespmem:s9+$0xB010]  }
0x1a4: {  	v9 =	vld [tilespmem:s9+$0x5020]  }
0x1a5: {  	v10 =	vld [tilespmem:s9+$0x5030]  }
0x1a6: {  	v11 =	vld [tilespmem:s9+$0xC420];
	v3 =	vadd.f32 v4, v3  }
0x1a7: {  	v4 =	vld [tilespmem:s9+$0xB020]  }
0x1a8: {  	v5 =	vadd.f32 v6, v5;
	[tilespmem:s9+$0x12470] =	vst v3;
	v3 =	vld [tilespmem:s9+$0xB030]  }
0x1a9: {  	v6 =	vld [tilespmem:s9+$0x5040]  }
0x1aa: {  	[tilespmem:s9+$0x11000] =	vst v5;
	v5 =	vadd.f32 v8, v7;
	v7 =	vld [tilespmem:s9+$0xB040]  }
0x1ab: {  	v8 =	vld [tilespmem:s9+$0xB050]  }
0x1ac: {  	[tilespmem:s9+$0x11010] =	vst v5;
	v5 =	vld [tilespmem:s9+$0x5050];
	v4 =	vadd.f32 v4, v9  }
0x1ad: {  	v9 =	vld [tilespmem:s9+$0xB060];
	v3 =	vadd.f32 v3, v10  }
0x1ae: {  	[tilespmem:s9+$0x11020] =	vst v4;
	v4 =	vld [tilespmem:s9+$0x5060]  }
0x1af: {  	[tilespmem:s9+$0x11030] =	vst v3;
	v3 =	vadd.f32 v7, v6;
	v6 =	vld [tilespmem:s9+$0x5070]  }
0x1b0: {  	v7 =	vld [tilespmem:s9+$0xB070]  }
0x1b1: {  	[tilespmem:s9+$0x11040] =	vst v3;
	v3 =	vadd.f32 v8, v5;
	v5 =	vld [tilespmem:s9+$0x5400]  }
0x1b2: {  	v8 =	vld [tilespmem:s9+$0xB400]  }
0x1b3: {  	[tilespmem:s9+$0x11050] =	vst v3;
	v3 =	vadd.f32 v9, v4;
	v4 =	vld [tilespmem:s9+$0x5410]  }
0x1b4: {  	v9 =	vld [tilespmem:s9+$0xB410]  }
0x1b5: {  	[tilespmem:s9+$0x11060] =	vst v3;
	v3 =	vadd.f32 v7, v6;
	v6 =	vld [tilespmem:s9+$0x5420]  }
0x1b6: {  	v7 =	vld [tilespmem:s9+$0xB420]  }
0x1b7: {  	[tilespmem:s9+$0x11070] =	vst v3;
	v3 =	vadd.f32 v8, v5;
	v5 =	vld [tilespmem:s9+$0x5430]  }
0x1b8: {  	v8 =	vld [tilespmem:s9+$0xB430]  }
0x1b9: {  	[tilespmem:s9+$0x11400] =	vst v3;
	v3 =	vadd.f32 v9, v4;
	v4 =	vld [tilespmem:s9+$0x5440]  }
0x1ba: {  	v9 =	vld [tilespmem:s9+$0xB440]  }
0x1bb: {  	[tilespmem:s9+$0x11410] =	vst v3;
	v3 =	vadd.f32 v7, v6;
	v6 =	vld [tilespmem:s9+$0x5450]  }
0x1bc: {  	v7 =	vld [tilespmem:s9+$0xB450]  }
0x1bd: {  	[tilespmem:s9+$0x11420] =	vst v3;
	v3 =	vadd.f32 v8, v5;
	v5 =	vld [tilespmem:s9+$0x5460]  }
0x1be: {  	v8 =	vld [tilespmem:s9+$0xB460]  }
0x1bf: {  	[tilespmem:s9+$0x11430] =	vst v3;
	v3 =	vadd.f32 v9, v4;
	v4 =	vld [tilespmem:s9+$0x5470]  }
0x1c0: {  	v9 =	vld [tilespmem:s9+$0xB470]  }
0x1c1: {  	[tilespmem:s9+$0x11440] =	vst v3;
	v3 =	vadd.f32 v7, v6;
	v6 =	vld [tilespmem:s9+$0x5800]  }
0x1c2: {  	v7 =	vld [tilespmem:s9+$0xB800]  }
0x1c3: {  	[tilespmem:s9+$0x11450] =	vst v3;
	v3 =	vadd.f32 v8, v5;
	v5 =	vld [tilespmem:s9+$0x5810]  }
0x1c4: {  	v8 =	vld [tilespmem:s9+$0xB810]  }
0x1c5: {  	[tilespmem:s9+$0x11460] =	vst v3;
	v3 =	vadd.f32 v9, v4;
	v4 =	vld [tilespmem:s9+$0x5820]  }
0x1c6: {  	v9 =	vld [tilespmem:s9+$0xB820]  }
0x1c7: {  	[tilespmem:s9+$0x11470] =	vst v3;
	v3 =	vadd.f32 v7, v6;
	v6 =	vld [tilespmem:s9+$0x5830]  }
0x1c8: {  	v7 =	vld [tilespmem:s9+$0xB830]  }
0x1c9: {  	[tilespmem:s9+$0x11800] =	vst v3;
	v3 =	vadd.f32 v8, v5;
	v5 =	vld [tilespmem:s9+$0x5840]  }
0x1ca: {  	v8 =	vld [tilespmem:s9+$0xB840]  }
0x1cb: {  	[tilespmem:s9+$0x11810] =	vst v3;
	v3 =	vadd.f32 v9, v4;
	v4 =	vld [tilespmem:s9+$0x5850]  }
0x1cc: {  	v9 =	vld [tilespmem:s9+$0xB850]  }
0x1cd: {  	[tilespmem:s9+$0x11820] =	vst v3;
	v3 =	vadd.f32 v7, v6;
	v6 =	vld [tilespmem:s9+$0x5860]  }
0x1ce: {  	v7 =	vld [tilespmem:s9+$0xB860]  }
0x1cf: {  	[tilespmem:s9+$0x11830] =	vst v3;
	v3 =	vadd.f32 v8, v5;
	v5 =	vld [tilespmem:s9+$0x5870]  }
0x1d0: {  	v8 =	vld [tilespmem:s9+$0xB870]  }
0x1d1: {  	[tilespmem:s9+$0x11840] =	vst v3;
	v3 =	vadd.f32 v9, v4;
	v4 =	vld [tilespmem:s9+$0x5C00]  }
0x1d2: {  	v9 =	vld [tilespmem:s9+$0xBC00]  }
0x1d3: {  	[tilespmem:s9+$0x11850] =	vst v3;
	v3 =	vadd.f32 v7, v6;
	v6 =	vld [tilespmem:s9+$0x5C10]  }
0x1d4: {  	v7 =	vld [tilespmem:s9+$0xBC10]  }
0x1d5: {  	[tilespmem:s9+$0x11860] =	vst v3;
	v3 =	vadd.f32 v8, v5;
	v5 =	vld [tilespmem:s9+$0x5C20]  }
0x1d6: {  	v8 =	vld [tilespmem:s9+$0xBC20]  }
0x1d7: {  	[tilespmem:s9+$0x11870] =	vst v3;
	v3 =	vadd.f32 v9, v4;
	v4 =	vld [tilespmem:s9+$0x5C30]  }
0x1d8: {  	v9 =	vld [tilespmem:s9+$0xBC30]  }
0x1d9: {  	[tilespmem:s9+$0x11C00] =	vst v3;
	v3 =	vadd.f32 v7, v6;
	v6 =	vld [tilespmem:s9+$0x5C40]  }
0x1da: {  	v7 =	vld [tilespmem:s9+$0xBC40]  }
0x1db: {  	[tilespmem:s9+$0x11C10] =	vst v3;
	v3 =	vadd.f32 v8, v5;
	v5 =	vld [tilespmem:s9+$0x5C50]  }
0x1dc: {  	v8 =	vld [tilespmem:s9+$0xBC50]  }
0x1dd: {  	[tilespmem:s9+$0x11C20] =	vst v3;
	v3 =	vadd.f32 v9, v4;
	v4 =	vld [tilespmem:s9+$0x5C60]  }
0x1de: {  	v9 =	vld [tilespmem:s9+$0xBC60]  }
0x1df: {  	[tilespmem:s9+$0x11C30] =	vst v3;
	v3 =	vadd.f32 v7, v6;
	v6 =	vld [tilespmem:s9+$0x5C70]  }
0x1e0: {  	v7 =	vld [tilespmem:s9+$0xBC70]  }
0x1e1: {  	[tilespmem:s9+$0x11C40] =	vst v3;
	v3 =	vadd.f32 v8, v5;
	v5 =	vld [tilespmem:s9+$0x6000]  }
0x1e2: {  	v8 =	vld [tilespmem:s9+$0xC000]  }
0x1e3: {  	[tilespmem:s9+$0x11C50] =	vst v3;
	v3 =	vadd.f32 v9, v4;
	v4 =	vld [tilespmem:s9+$0x6010]  }
0x1e4: {  	v9 =	vld [tilespmem:s9+$0xC010]  }
0x1e5: {  	[tilespmem:s9+$0x11C60] =	vst v3;
	v3 =	vadd.f32 v7, v6;
	v6 =	vld [tilespmem:s9+$0x6020]  }
0x1e6: {  	v7 =	vld [tilespmem:s9+$0xC020]  }
0x1e7: {  	[tilespmem:s9+$0x11C70] =	vst v3;
	v3 =	vadd.f32 v8, v5;
	v5 =	vld [tilespmem:s9+$0x6030]  }
0x1e8: {  	v8 =	vld [tilespmem:s9+$0xC030]  }
0x1e9: {  	[tilespmem:s9+$0x12000] =	vst v3;
	v3 =	vadd.f32 v9, v4;
	v4 =	vld [tilespmem:s9+$0x6040]  }
0x1ea: {  	v9 =	vld [tilespmem:s9+$0xC040]  }
0x1eb: {  	[tilespmem:s9+$0x12010] =	vst v3;
	v3 =	vadd.f32 v7, v6;
	v6 =	vld [tilespmem:s9+$0x6050]  }
0x1ec: {  	v7 =	vld [tilespmem:s9+$0xC050]  }
0x1ed: {  	[tilespmem:s9+$0x12020] =	vst v3;
	v3 =	vadd.f32 v8, v5;
	v5 =	vld [tilespmem:s9+$0x6060]  }
0x1ee: {  	v8 =	vld [tilespmem:s9+$0xC060]  }
0x1ef: {  	[tilespmem:s9+$0x12030] =	vst v3;
	v3 =	vadd.f32 v9, v4;
	v4 =	vld [tilespmem:s9+$0x6070]  }
0x1f0: {  	v9 =	vld [tilespmem:s9+$0xC070]  }
0x1f1: {  	[tilespmem:s9+$0x12040] =	vst v3;
	v3 =	vadd.f32 v7, v6;
	v6 =	vld [tilespmem:s9+$0x6400]  }
0x1f2: {  	v7 =	vld [tilespmem:s9+$0xC400]  }
0x1f3: {  	v10 =	vld [tilespmem:s9+$0xC410];
	[tilespmem:s9+$0x12050] =	vst v3;
	v3 =	vadd.f32 v8, v5  }
0x1f4: {  	v8 =	vld [tilespmem:s9+$0x6410]  }
0x1f5: {  	[tilespmem:s9+$0x12060] =	vst v3;
	v3 =	vadd.f32 v9, v4;
	v9 =	vld [tilespmem:s9+$0x6420]  }
0x1f6: {  	v5 =	vld [tilespmem:s9+$0x6430]  }
0x1f7: {  	[tilespmem:s9+$0x12070] =	vst v3;
	v3 =	vadd.f32 v7, v6;
	v7 =	vld [tilespmem:s9+$0xC430]  }
0x1f8: {  	v6 =	vld [tilespmem:s9+$0xC440]  }
0x1f9: {  	v4 =	vadd.f32 v10, v8;
	[tilespmem:s9+$0x12400] =	vst v3;
	v3 =	vld [tilespmem:s9+$0x6440]  }
0x1fa: {  	s18 =	simm.s32 $0x0;
	v8 =	vld [tilespmem:s9+$0xC450];
	v9 =	vadd.f32 v11, v9  }
0x1fb: {  	s16 =	smul.u32 $0x1800, s18;
	s12 =	simm.s32 $0x80;
	s7 =	simm.s32 $0x2;
	[tilespmem:s9+$0x12410] =	vst v4;
	v4 =	vld [tilespmem:s9+$0x6450]  }
.LBB2_5:
0x1fc: {  	p0 =	sne.s32 s7, $0xF;
	s18 =	sand.u32 $0x380, s12;
	[tilespmem:s9+$0x12420] =	vst v9;
	v5 =	vadd.f32 v7, v5;
	v7 =	vld [tilespmem:s9+$0x6460]  }
0x1fd: {  	s16 =	sor.u32 s18, s16;
	v9 =	vld [tilespmem:s9+$0xC460]  }
0x1fe: {  	v10 =	vld [tilespmem:s16+$0x6470];
	[tilespmem:s9+$0x12430] =	vst v5;
	v3 =	vadd.f32 v6, v3  }
0x1ff: {  	v5 =	vld [tilespmem:s16+$0xC470]  }
0x200: {  	v6 =	vld [tilespmem:s16+$0x5000];
	[tilespmem:s9+$0x12440] =	vst v3;
	v3 =	vadd.f32 v8, v4  }
0x201: {  	v4 =	vld [tilespmem:s16+$0xB000]  }
0x202: {  	v8 =	vld [tilespmem:s16+$0x5010];
	[tilespmem:s9+$0x12450] =	vst v3;
	v3 =	vadd.f32 v9, v7  }
0x203: {  	v7 =	vld [tilespmem:s16+$0xB010]  }
0x204: {  	v9 =	vld [tilespmem:s16+$0x5020];
	v5 =	vadd.f32 v5, v10;
	[tilespmem:s9+$0x12460] =	vst v3;
	s9 =	smov.u32 s16  }
0x205: {  	v3 =	vld [tilespmem:s9+$0xB020]  }
0x206: {  	v4 =	vadd.f32 v4, v6;
	v6 =	vld [tilespmem:s9+$0x5030];
	[tilespmem:s9+$0x12470] =	vst v5  }
0x207: {  	v5 =	vld [tilespmem:s9+$0xB030]  }
0x208: {  	[tilespmem:s9+$0x11000] =	vst v4;
	v4 =	vadd.f32 v7, v8;
	v7 =	vld [tilespmem:s9+$0x5040]  }
0x209: {  	v8 =	vld [tilespmem:s9+$0xB040]  }
0x20a: {  	[tilespmem:s9+$0x11010] =	vst v4;
	v3 =	vadd.f32 v3, v9;
	v4 =	vld [tilespmem:s9+$0x5050]  }
0x20b: {  	v9 =	vld [tilespmem:s9+$0xB050]  }
0x20c: {  	[tilespmem:s9+$0x11020] =	vst v3;
	v3 =	vadd.f32 v5, v6;
	v5 =	vld [tilespmem:s9+$0x5060]  }
0x20d: {  	v6 =	vld [tilespmem:s9+$0xB060]  }
0x20e: {  	[tilespmem:s9+$0x11030] =	vst v3;
	v3 =	vadd.f32 v8, v7;
	v7 =	vld [tilespmem:s9+$0x5070]  }
0x20f: {  	v8 =	vld [tilespmem:s9+$0xB070]  }
0x210: {  	[tilespmem:s9+$0x11040] =	vst v3;
	v3 =	vadd.f32 v9, v4;
	v4 =	vld [tilespmem:s9+$0x5400]  }
0x211: {  	v9 =	vld [tilespmem:s9+$0xB400]  }
0x212: {  	[tilespmem:s9+$0x11050] =	vst v3;
	v3 =	vadd.f32 v6, v5;
	v5 =	vld [tilespmem:s9+$0x5410]  }
0x213: {  	v6 =	vld [tilespmem:s9+$0xB410]  }
0x214: {  	[tilespmem:s9+$0x11060] =	vst v3;
	v3 =	vadd.f32 v8, v7;
	v7 =	vld [tilespmem:s9+$0x5420]  }
0x215: {  	v8 =	vld [tilespmem:s9+$0xB420]  }
0x216: {  	[tilespmem:s9+$0x11070] =	vst v3;
	v3 =	vadd.f32 v9, v4;
	v4 =	vld [tilespmem:s9+$0x5430]  }
0x217: {  	v9 =	vld [tilespmem:s9+$0xB430]  }
0x218: {  	[tilespmem:s9+$0x11400] =	vst v3;
	v3 =	vadd.f32 v6, v5;
	v5 =	vld [tilespmem:s9+$0x5440]  }
0x219: {  	v6 =	vld [tilespmem:s9+$0xB440]  }
0x21a: {  	[tilespmem:s9+$0x11410] =	vst v3;
	v3 =	vadd.f32 v8, v7;
	v7 =	vld [tilespmem:s9+$0x5450]  }
0x21b: {  	v8 =	vld [tilespmem:s9+$0xB450]  }
0x21c: {  	[tilespmem:s9+$0x11420] =	vst v3;
	v3 =	vadd.f32 v9, v4;
	v4 =	vld [tilespmem:s9+$0x5460]  }
0x21d: {  	v9 =	vld [tilespmem:s9+$0xB460]  }
0x21e: {  	[tilespmem:s9+$0x11430] =	vst v3;
	v3 =	vadd.f32 v6, v5;
	v5 =	vld [tilespmem:s9+$0x5470]  }
0x21f: {  	v6 =	vld [tilespmem:s9+$0xB470]  }
0x220: {  	[tilespmem:s9+$0x11440] =	vst v3;
	v3 =	vadd.f32 v8, v7;
	v7 =	vld [tilespmem:s9+$0x5800]  }
0x221: {  	v8 =	vld [tilespmem:s9+$0xB800]  }
0x222: {  	[tilespmem:s9+$0x11450] =	vst v3;
	v3 =	vadd.f32 v9, v4;
	v4 =	vld [tilespmem:s9+$0x5810]  }
0x223: {  	v9 =	vld [tilespmem:s9+$0xB810]  }
0x224: {  	[tilespmem:s9+$0x11460] =	vst v3;
	v3 =	vadd.f32 v6, v5;
	v5 =	vld [tilespmem:s9+$0x5820]  }
0x225: {  	v6 =	vld [tilespmem:s9+$0xB820]  }
0x226: {  	[tilespmem:s9+$0x11470] =	vst v3;
	v3 =	vadd.f32 v8, v7;
	v7 =	vld [tilespmem:s9+$0x5830]  }
0x227: {  	v8 =	vld [tilespmem:s9+$0xB830]  }
0x228: {  	[tilespmem:s9+$0x11800] =	vst v3;
	v3 =	vadd.f32 v9, v4;
	v4 =	vld [tilespmem:s9+$0x5840]  }
0x229: {  	v9 =	vld [tilespmem:s9+$0xB840]  }
0x22a: {  	[tilespmem:s9+$0x11810] =	vst v3;
	v3 =	vadd.f32 v6, v5;
	v5 =	vld [tilespmem:s9+$0x5850]  }
0x22b: {  	v6 =	vld [tilespmem:s9+$0xB850]  }
0x22c: {  	[tilespmem:s9+$0x11820] =	vst v3;
	v3 =	vadd.f32 v8, v7;
	v7 =	vld [tilespmem:s9+$0x5860]  }
0x22d: {  	v8 =	vld [tilespmem:s9+$0xB860]  }
0x22e: {  	[tilespmem:s9+$0x11830] =	vst v3;
	v3 =	vadd.f32 v9, v4;
	v4 =	vld [tilespmem:s9+$0x5870]  }
0x22f: {  	v9 =	vld [tilespmem:s9+$0xB870]  }
0x230: {  	[tilespmem:s9+$0x11840] =	vst v3;
	v3 =	vadd.f32 v6, v5;
	v5 =	vld [tilespmem:s9+$0x5C00]  }
0x231: {  	v6 =	vld [tilespmem:s9+$0xBC00]  }
0x232: {  	[tilespmem:s9+$0x11850] =	vst v3;
	v3 =	vadd.f32 v8, v7;
	v7 =	vld [tilespmem:s9+$0x5C10]  }
0x233: {  	v8 =	vld [tilespmem:s9+$0xBC10]  }
0x234: {  	[tilespmem:s9+$0x11860] =	vst v3;
	v3 =	vadd.f32 v9, v4;
	v4 =	vld [tilespmem:s9+$0x5C20]  }
0x235: {  	v9 =	vld [tilespmem:s9+$0xBC20]  }
0x236: {  	[tilespmem:s9+$0x11870] =	vst v3;
	v3 =	vadd.f32 v6, v5;
	v5 =	vld [tilespmem:s9+$0x5C30]  }
0x237: {  	v6 =	vld [tilespmem:s9+$0xBC30]  }
0x238: {  	[tilespmem:s9+$0x11C00] =	vst v3;
	v3 =	vadd.f32 v8, v7;
	v7 =	vld [tilespmem:s9+$0x5C40]  }
0x239: {  	v8 =	vld [tilespmem:s9+$0xBC40]  }
0x23a: {  	[tilespmem:s9+$0x11C10] =	vst v3;
	v3 =	vadd.f32 v9, v4;
	v4 =	vld [tilespmem:s9+$0x5C50]  }
0x23b: {  	v9 =	vld [tilespmem:s9+$0xBC50]  }
0x23c: {  	[tilespmem:s9+$0x11C20] =	vst v3;
	v3 =	vadd.f32 v6, v5;
	v5 =	vld [tilespmem:s9+$0x5C60]  }
0x23d: {  	v6 =	vld [tilespmem:s9+$0xBC60]  }
0x23e: {  	[tilespmem:s9+$0x11C30] =	vst v3;
	v3 =	vadd.f32 v8, v7;
	v7 =	vld [tilespmem:s9+$0x5C70]  }
0x23f: {  	v8 =	vld [tilespmem:s9+$0xBC70]  }
0x240: {  	[tilespmem:s9+$0x11C40] =	vst v3;
	v3 =	vadd.f32 v9, v4;
	v4 =	vld [tilespmem:s9+$0x6000]  }
0x241: {  	v9 =	vld [tilespmem:s9+$0xC000]  }
0x242: {  	[tilespmem:s9+$0x11C50] =	vst v3;
	v3 =	vadd.f32 v6, v5;
	v5 =	vld [tilespmem:s9+$0x6010]  }
0x243: {  	v6 =	vld [tilespmem:s9+$0xC010]  }
0x244: {  	[tilespmem:s9+$0x11C60] =	vst v3;
	v3 =	vadd.f32 v8, v7;
	v7 =	vld [tilespmem:s9+$0x6020]  }
0x245: {  	v8 =	vld [tilespmem:s9+$0xC020]  }
0x246: {  	[tilespmem:s9+$0x11C70] =	vst v3;
	v3 =	vadd.f32 v9, v4;
	v4 =	vld [tilespmem:s9+$0x6030]  }
0x247: {  	v9 =	vld [tilespmem:s9+$0xC030]  }
0x248: {  	[tilespmem:s9+$0x12000] =	vst v3;
	v3 =	vadd.f32 v6, v5;
	v5 =	vld [tilespmem:s9+$0x6040]  }
0x249: {  	v6 =	vld [tilespmem:s9+$0xC040]  }
0x24a: {  	[tilespmem:s9+$0x12010] =	vst v3;
	v3 =	vadd.f32 v8, v7;
	v7 =	vld [tilespmem:s9+$0x6050]  }
0x24b: {  	v8 =	vld [tilespmem:s9+$0xC050]  }
0x24c: {  	[tilespmem:s9+$0x12020] =	vst v3;
	v3 =	vadd.f32 v9, v4;
	v4 =	vld [tilespmem:s9+$0x6060]  }
0x24d: {  	v9 =	vld [tilespmem:s9+$0xC060]  }
0x24e: {  	[tilespmem:s9+$0x12030] =	vst v3;
	v3 =	vadd.f32 v6, v5;
	v5 =	vld [tilespmem:s9+$0x6070]  }
0x24f: {  	v6 =	vld [tilespmem:s9+$0xC070]  }
0x250: {  	[tilespmem:s9+$0x12040] =	vst v3;
	v3 =	vadd.f32 v8, v7;
	v7 =	vld [tilespmem:s9+$0x6400]  }
0x251: {  	v8 =	vld [tilespmem:s9+$0xC400]  }
0x252: {  	[tilespmem:s9+$0x12050] =	vst v3;
	v3 =	vadd.f32 v9, v4;
	v4 =	vld [tilespmem:s9+$0x6410]  }
0x253: {  	v9 =	vld [tilespmem:s9+$0xC410]  }
0x254: {  	[tilespmem:s9+$0x12060] =	vst v3;
	v3 =	vadd.f32 v6, v5;
	v10 =	vld [tilespmem:s9+$0x6420]  }
0x255: {  	v11 =	vld [tilespmem:s9+$0xC420]  }
0x256: {  	[tilespmem:s9+$0x12070] =	vst v3;
	v3 =	vadd.f32 v8, v7;
	v5 =	vld [tilespmem:s9+$0x6430]  }
.Ltmp3:
0x257: {  	v7 =	vld [tilespmem:s9+$0xC430];
	(pc) =	sbr.rel @p0 .LBB2_5-.Ltmp3, $4  }
0x258: {  	[tilespmem:s9+$0x12400] =	vst v3;
	v4 =	vadd.f32 v9, v4;
	v3 =	vld [tilespmem:s9+$0x6440]  }
0x259: {  	v6 =	vld [tilespmem:s9+$0xC440]  }
0x25a: {  	s16 =	sshrl.u32 s7, $0x3;
	[tilespmem:s9+$0x12410] =	vst v4;
	v9 =	vadd.f32 v11, v10;
	v4 =	vld [tilespmem:s9+$0x6450]  }
0x25b: {  	s12 =	sadd.s32 $0x80, s12;
	s7 =	sadd.s32 $0x1, s7;
	s16 =	smul.u32 $0x1800, s16;
	v8 =	vld [tilespmem:s9+$0xC450]  }
0x25c: {  	s7 =	sand.u32 $0x380, s12;
	v56 =	vld [tilespmem:s9+$0x6460];
	v5 =	vadd.f32 v7, v5  }
0x25d: {  	[tilespmem:s9+$0x12420] =	vst v9;
	v57 =	vld [tilespmem:s9+$0xC460];
	s7 =	sor.u32 s7, s16  }
0x25e: {  	v10 =	vld [tilespmem:s7+$0x6470];
	[tilespmem:s9+$0x12430] =	vst v5;
	v3 =	vadd.f32 v6, v3  }
0x25f: {  	v5 =	vld [tilespmem:s7+$0xC470]  }
0x260: {  	v58 =	vld [tilespmem:s7+$0x5000];
	[tilespmem:s9+$0x12440] =	vst v3;
	v3 =	vadd.f32 v8, v4  }
0x261: {  	v59 =	vld [tilespmem:s7+$0xB000]  }
0x262: {  	v60 =	vld [tilespmem:s7+$0x5010];
	[tilespmem:s9+$0x12450] =	vst v3;
	v3 =	vadd.f32 v57, v56  }
0x263: {  	v61 =	vld [tilespmem:s7+$0xB010]  }
0x264: {  	v62 =	vld [tilespmem:s7+$0x5020];
	[tilespmem:s9+$0x12460] =	vst v3  }
0x265: {  	v3 =	vld [tilespmem:s7+$0xB020]  }
0x266: {  	v11 =	vld [tilespmem:s7+$0x5030]  }
0x267: {  	v12 =	vld [tilespmem:s7+$0xB030]  }
0x268: {  	v13 =	vld [tilespmem:s7+$0x5040]  }
0x269: {  	v14 =	vld [tilespmem:s7+$0xB040]  }
0x26a: {  	v15 =	vld [tilespmem:s7+$0x5050]  }
0x26b: {  	v16 =	vld [tilespmem:s7+$0xB050]  }
0x26c: {  	v17 =	vld [tilespmem:s7+$0x5060]  }
0x26d: {  	v18 =	vld [tilespmem:s7+$0xB060]  }
0x26e: {  	v19 =	vld [tilespmem:s7+$0x5070]  }
0x26f: {  	v20 =	vld [tilespmem:s7+$0xB070]  }
0x270: {  	v21 =	vld [tilespmem:s7+$0x5400]  }
0x271: {  	v22 =	vld [tilespmem:s7+$0xB400]  }
0x272: {  	v23 =	vld [tilespmem:s7+$0x5410]  }
0x273: {  	v24 =	vld [tilespmem:s7+$0xB410]  }
0x274: {  	v25 =	vld [tilespmem:s7+$0x5420]  }
0x275: {  	v26 =	vld [tilespmem:s7+$0xB420]  }
0x276: {  	v27 =	vld [tilespmem:s7+$0x5430]  }
0x277: {  	v28 =	vld [tilespmem:s7+$0xB430]  }
0x278: {  	v29 =	vld [tilespmem:s7+$0x5440]  }
0x279: {  	v30 =	vld [tilespmem:s7+$0xB440]  }
0x27a: {  	v31 =	vld [tilespmem:s7+$0x5450]  }
0x27b: {  	v32 =	vld [tilespmem:s7+$0xB450]  }
0x27c: {  	v33 =	vld [tilespmem:s7+$0x5460]  }
0x27d: {  	v34 =	vld [tilespmem:s7+$0xB460]  }
0x27e: {  	v35 =	vld [tilespmem:s7+$0x5470]  }
0x27f: {  	v36 =	vld [tilespmem:s7+$0xB470]  }
0x280: {  	v37 =	vld [tilespmem:s7+$0x5800]  }
0x281: {  	v38 =	vld [tilespmem:s7+$0xB800]  }
0x282: {  	v39 =	vld [tilespmem:s7+$0x5810]  }
0x283: {  	v40 =	vld [tilespmem:s7+$0xB810]  }
0x284: {  	v41 =	vld [tilespmem:s7+$0x5820]  }
0x285: {  	v42 =	vld [tilespmem:s7+$0xB820]  }
0x286: {  	v43 =	vld [tilespmem:s7+$0x5830]  }
0x287: {  	v44 =	vld [tilespmem:s7+$0xB830]  }
0x288: {  	v45 =	vld [tilespmem:s7+$0x5840]  }
0x289: {  	v46 =	vld [tilespmem:s7+$0xB840]  }
0x28a: {  	v47 =	vld [tilespmem:s7+$0x5850]  }
0x28b: {  	v48 =	vld [tilespmem:s7+$0xB850]  }
0x28c: {  	v49 =	vld [tilespmem:s7+$0x5860]  }
0x28d: {  	v50 =	vld [tilespmem:s7+$0xB860]  }
0x28e: {  	v51 =	vld [tilespmem:s7+$0x5870]  }
0x28f: {  	v52 =	vld [tilespmem:s7+$0xB870]  }
0x290: {  	v53 =	vld [tilespmem:s7+$0x5C00]  }
0x291: {  	v54 =	vld [tilespmem:s7+$0xBC00]  }
0x292: {  	v55 =	vld [tilespmem:s7+$0x5C10]  }
0x293: {  	v5 =	vadd.f32 v5, v10;
	v10 =	vld [tilespmem:s7+$0xBC10]  }
0x294: {  	v6 =	vld [tilespmem:s7+$0x5C20];
	v4 =	vadd.f32 v59, v58  }
0x295: {  	v7 =	vld [tilespmem:s7+$0xBC20];
	[tilespmem:s7+$0x12470] =	vst v5;
	v63 =	vadd.f32 v61, v60  }
0x296: {  	v8 =	vld [tilespmem:s7+$0xBC30];
	[tilespmem:s7+$0x11000] =	vst v4;
	v3 =	vadd.f32 v3, v62  }
0x297: {  	v9 =	vld [tilespmem:s7+$0x5C40];
	[tilespmem:s7+$0x11010] =	vst v63;
	v12 =	vadd.f32 v12, v11  }
0x298: {  	v57 =	vld [tilespmem:s7+$0xC020];
	[tilespmem:s7+$0x11020] =	vst v3;
	v3 =	vadd.f32 v14, v13  }
0x299: {  	v58 =	vld [tilespmem:s7+$0x6030];
	v16 =	vadd.f32 v16, v15;
	[tilespmem:s7+$0x11030] =	vst v12  }
0x29a: {  	v4 =	vld [tilespmem:s7+$0x5C30];
	[tilespmem:s7+$0x11040] =	vst v3;
	v3 =	vadd.f32 v18, v17  }
0x29b: {  	v60 =	vld [tilespmem:s7+$0xC030];
	v20 =	vadd.f32 v20, v19;
	[tilespmem:s7+$0x11050] =	vst v16  }
0x29c: {  	v61 =	vld [tilespmem:s7+$0x6040];
	[tilespmem:s7+$0x11060] =	vst v3;
	v3 =	vadd.f32 v22, v21  }
0x29d: {  	v11 =	vld [tilespmem:s7+$0xBC40];
	v24 =	vadd.f32 v24, v23;
	[tilespmem:s7+$0x11070] =	vst v20  }
0x29e: {  	v15 =	vld [tilespmem:s7+$0xBC60];
	[tilespmem:s7+$0x11400] =	vst v3;
	v3 =	vadd.f32 v26, v25  }
0x29f: {  	v28 =	vadd.f32 v28, v27;
	v19 =	vld [tilespmem:s7+$0xC000];
	[tilespmem:s7+$0x11410] =	vst v24  }
0x2a0: {  	v63 =	vld [tilespmem:s7+$0xC040];
	[tilespmem:s7+$0x11420] =	vst v3;
	v3 =	vadd.f32 v30, v29  }
0x2a1: {  	v32 =	vadd.f32 v32, v31;
	v36 =	vadd.f32 v36, v35;
	v35 =	vld [tilespmem:s7+$0xC050];
	[tilespmem:s7+$0x11430] =	vst v28  }
0x2a2: {  	v56 =	vadd.f32 v40, v39;
	v39 =	vld [tilespmem:s7+$0x6070];
	[tilespmem:s7+$0x11440] =	vst v3;
	v3 =	vadd.f32 v34, v33  }
0x2a3: {  	v40 =	vld [tilespmem:s7+$0xC070];
	[tilespmem:s7+$0x11450] =	vst v32  }
0x2a4: {  	v59 =	vadd.f32 v44, v43;
	v43 =	vld [tilespmem:s7+$0xC400];
	[tilespmem:s7+$0x11460] =	vst v3;
	v3 =	vadd.f32 v38, v37  }
0x2a5: {  	v44 =	vld [tilespmem:s7+$0x6410];
	[tilespmem:s7+$0x11470] =	vst v36  }
0x2a6: {  	v62 =	vadd.f32 v48, v47;
	v47 =	vld [tilespmem:s7+$0x6420];
	[tilespmem:s7+$0x11800] =	vst v3;
	v3 =	vadd.f32 v42, v41  }
0x2a7: {  	v20 =	vld [tilespmem:s7+$0x6010];
	[tilespmem:s7+$0x11810] =	vst v56  }
0x2a8: {  	v21 =	vld [tilespmem:s7+$0xC010];
	[tilespmem:s7+$0x11820] =	vst v3;
	v3 =	vadd.f32 v46, v45  }
0x2a9: {  	v12 =	vld [tilespmem:s7+$0x5C50];
	[tilespmem:s7+$0x11830] =	vst v59  }
0x2aa: {  	v13 =	vld [tilespmem:s7+$0xBC50];
	[tilespmem:s7+$0x11840] =	vst v3;
	v3 =	vadd.f32 v50, v49  }
0x2ab: {  	v14 =	vld [tilespmem:s7+$0x5C60];
	[tilespmem:s7+$0x11850] =	vst v62;
	v4 =	vadd.f32 v8, v4  }
0x2ac: {  	v16 =	vld [tilespmem:s7+$0x5C70];
	[tilespmem:s7+$0x11860] =	vst v3;
	v3 =	vadd.f32 v54, v53  }
0x2ad: {  	v36 =	vld [tilespmem:s7+$0x6060];
	[tilespmem:s7+$0x11C30] =	vst v4;
	v48 =	vadd.f32 v21, v20  }
0x2ae: {  	v56 =	vld [tilespmem:s7+$0x6450];
	[tilespmem:s7+$0x11C00] =	vst v3;
	v3 =	vadd.f32 v7, v6  }
0x2af: {  	v18 =	vld [tilespmem:s7+$0x6000];
	v34 =	vadd.f32 v52, v51;
	[tilespmem:s7+$0x12010] =	vst v48  }
0x2b0: {  	v59 =	vld [tilespmem:s7+$0x6460];
	[tilespmem:s7+$0x11C20] =	vst v3;
	v3 =	vadd.f32 v11, v9  }
0x2b1: {  	v22 =	vld [tilespmem:s7+$0x6020];
	v51 =	vadd.f32 v60, v58;
	[tilespmem:s7+$0x11870] =	vst v34  }
0x2b2: {  	v17 =	vld [tilespmem:s7+$0xBC70];
	[tilespmem:s7+$0x11C40] =	vst v3;
	v3 =	vadd.f32 v15, v14  }
0x2b3: {  	v33 =	vld [tilespmem:s7+$0x6050];
	v37 =	vadd.f32 v10, v55;
	[tilespmem:s7+$0x12030] =	vst v51  }
0x2b4: {  	v52 =	vld [tilespmem:s7+$0xC430];
	[tilespmem:s7+$0x11C60] =	vst v3;
	v3 =	vadd.f32 v19, v18  }
0x2b5: {  	v38 =	vld [tilespmem:s7+$0xC060];
	[tilespmem:s7+$0x11C10] =	vst v37;
	v42 =	vadd.f32 v13, v12  }
0x2b6: {  	v46 =	vld [tilespmem:s7+$0xC410];
	[tilespmem:s7+$0x12000] =	vst v3;
	v3 =	vadd.f32 v57, v22  }
0x2b7: {  	v41 =	vld [tilespmem:s7+$0x6400];
	[tilespmem:s7+$0x11C50] =	vst v42;
	v45 =	vadd.f32 v17, v16  }
0x2b8: {  	v50 =	vld [tilespmem:s7+$0x6430];
	[tilespmem:s7+$0x12020] =	vst v3;
	v3 =	vadd.f32 v63, v61  }
0x2b9: {  	[tilespmem:s7+$0x11C70] =	vst v45;
	v49 =	vld [tilespmem:s7+$0xC420];
	v54 =	vadd.f32 v35, v33  }
0x2ba: {  	v55 =	vld [tilespmem:s7+$0xC440];
	[tilespmem:s7+$0x12040] =	vst v3;
	v3 =	vadd.f32 v38, v36  }
0x2bb: {  	v53 =	vld [tilespmem:s7+$0x6440];
	v60 =	vadd.f32 v46, v44;
	[tilespmem:s7+$0x12050] =	vst v54  }
0x2bc: {  	v58 =	vld [tilespmem:s7+$0xC450];
	[tilespmem:s7+$0x12060] =	vst v3;
	v3 =	vadd.f32 v43, v41  }
0x2bd: {  	[tilespmem:s7+$0x12410] =	vst v60;
	v62 =	vadd.f32 v52, v50;
	v61 =	vld [tilespmem:s7+$0xC460]  }
0x2be: {  	[tilespmem:s7+$0x12400] =	vst v3;
	v3 =	vadd.f32 v49, v47  }
0x2bf: {  	[tilespmem:s7+$0x12430] =	vst v62;
	v57 =	vadd.f32 v40, v39  }
0x2c0: {  	[tilespmem:s7+$0x12420] =	vst v3;
	v3 =	vadd.f32 v55, v53  }
.Ltmp4:
0x2c1: {  	[tilespmem:s7+$0x12070] =	vst v57;
	v63 =	vadd.f32 v58, v56;
	(pc) =	sbr.rel @p1 .LBB2_8-.Ltmp4, $4  }
0x2c2: {  	[tilespmem:s7+$0x12440] =	vst v3;
	v3 =	vadd.f32 v61, v59  }
0x2c3: {  	[tilespmem:s7+$0x12450] =	vst v63  }
0x2c4: {  	s18 =	sadd.s32 s13, s8;
	[tilespmem:s7+$0x12460] =	vst v3  }
0x2c5: {  	[hbm4b:s18+s5] =	stream.linear.scatter [tilespmem:s17], [sflag:$0x6], $0x3000, $0x38;
	[tilespmem:$0x14000] =	vst v63  }
0x2c6: {  	s7 =	sadd.s32 $0x3, s22  }
0x2c7: {  	s8 =	sshll.u32 s7, $0x4  }
0x2c8: {  	s8 =	sadd.s32 s6, s8  }
0x2c9: {  	s8 =	sshrl.u32 s8, $0x3  }
0x2ca: {  	s8 =	smul.u32 $0x300, s8  }
0x2cb: {  	s7 =	sshll.u32 s7, $0x7  }
0x2cc: {  	s7 =	sand.u32 $0x3FFFFF80, s7;
	s8 =	sadd.s32 s1, s8  }
0x2cd: {  	[tilespmem:s15], [sflag:$0x2] =	stream.linear.gather [hbm4b:s8+s5], $0x3000, $0x38;
	[tilespmem:$0x14000] =	vst v63  }
0x2ce: {  	v3 =	vld [tilespmem:s7+$0x0];
	_ =	sdelay $0x4  }
0x2cf: {  	v4 =	vshrl.u32 v3, $0x3  }
0x2d0: {  	v4 =	vmul.u32 $0x30, v4  }
0x2d1: {  	v3 =	vand.u32 $0x7, v3  }
0x2d2: {  	v3 =	vor.u32 v3, v4  }
0x2d3: {  	v4 =	vperm.xlane v3, v0;
	_ =	sdelay $0x1  }
0x2d4: {  	v4 =	vadd.s32 v1, v4;
	_ =	sdelay $0x3  }
0x2d5: {  	v3 =	vperm.xlane v3, v2  }
0x2d6: {  	[tilespmem:s23], [sflag:$0x4] =	stream.indirect_vreg.gather [hbm4b:s3+s5], $0x80, v4, vm0, $0xb8;
	[tilespmem:$0x14000] =	vst v63  }
0x2d7: {  	v3 =	vadd.s32 v1, v3  }
0x2d8: {  	[tilespmem:s24], [sflag:$0x4] =	stream.indirect_vreg.gather [hbm4b:s10+s5], $0x80, v4, vm0, $0xb8;
	[tilespmem:$0x14000] =	vst v63  }
0x2d9: {  	_ = 	snop  }
0x2da: {  	[tilespmem:s25], [sflag:$0x4] =	stream.indirect_vreg.gather [hbm4b:s11+s5], $0x80, v4, vm0, $0xb8;
	[tilespmem:$0x14000] =	vst v63  }
0x2db: {  	_ = 	snop  }
0x2dc: {  	[tilespmem:s26], [sflag:$0x4] =	stream.indirect_vreg.gather [hbm4b:s3+s5], $0x80, v3, vm0, $0xb8;
	[tilespmem:$0x14000] =	vst v63  }
.Ltmp5:
0x2dd: {  	_ = 	snop;
	(pc) =	sbr.rel .LBB2_2-.Ltmp5, $4  }
0x2de: {  	_ = 	snop  }
0x2df: {  	[tilespmem:s28], [sflag:$0x4] =	stream.indirect_vreg.gather [hbm4b:s10+s5], $0x80, v3, vm0, $0xb8;
	[tilespmem:$0x14000] =	vst v63  }
0x2e0: {  	s21 =	sadd.s32 $0x1, s21  }
0x2e1: {  	[tilespmem:s29], [sflag:$0x4] =	stream.indirect_vreg.gather [hbm4b:s11+s5], $0x80, v3, vm0, $0xb8;
	[tilespmem:$0x14000] =	vst v63  }
.LBB2_9:
0x2e2: {  	_ =	sfence.sel $0x180000  }
0x2e3: {  	[bflag:$0x0] =	sbarrier.arrive $0xFFFF  }
0x2e4: {  	_ =	strace $0x90000047  }
0x2e5: {  	s0 =	stileid.u32;
	[bflag:$0x2] =	sbarrier.arrive $0xFFFF  }
0x2e6: {  	p0 =	sne.s32 s0, $0x0;
	s0 =	rddreg [dreg:$0x4]  }
0x2e7: {  	s0 =	sadd.s32 @!p0 $0x100000, s0  }
0x2e8: {  	[sflag:s0] =	ssyncadd.tile.s32 @!p0 $0x1;
	_ =	shalt  }
.Lfunc_end2:
_tile_overlayer_lowered:
.L_overlay_start_2:
0x2e9: {  	(tag) =	ssettag $0x2  }
0x2ea: {  	s0 =	rddreg [dreg:$0x0];
	s2 =	stileid.u32  }
0x2eb: {  	s1 =	rddreg [dreg:$0x1];
	p0 =	sne.s32 s2, $0x0  }
0x2ec: {  	s3 =	rddreg [dreg:$0x2];
	[bflag:$0x3] =	sbarrier.arrive $0xFFFF;
	s2 =	simm.s32 @!p0 $0x1C07  }
0x2ed: {  	[timem:s3], [sflag:s2] =	dma.local @!p0 [hbm:s0], s1  }
0x2ee: {  	s0 =	simm.s32 @!p0 $0x7  }
0x2ef: {  	_ =	swait.ge @!p0 [sflag:s0], s1  }
0x2f0: {  	s1 =	ssub.s32 @!p0 $0x0, s1;
	[sflag:s0] =	ssyncset.done @!p0 $0x0  }
0x2f1: {  	[sflag:s0] =	ssyncadd.s32 @!p0 s1  }
0x2f2: {  	[bflag:$0x3] =	sbarrier.arrive $0xFFFF  }
0x2f3: {  	_ =	shalt  }

</sc_bundles>
